<compile_context>
chip_gen: v7x
topology: tpu7x:2x2x1
jax: 0.10.2.dev20260603
libtpu: 0.0.44.dev20260713+nightly
codegen_flags: <defaults>
</compile_context>

<pallas_src>
import functools

import jax
import jax.numpy as jnp
from jax import lax
from jax.experimental import pallas as pl
from jax.experimental.pallas import tpu as pltpu
from jax.experimental.pallas import tpu_sc as plsc

B, S, D = 2, 2048, 1024
E, FF = 64, 1024
N = B * S
CAP = 2 * ((N + E - 1) // E)
SENTINEL = E * CAP

TB = 512
NC, NS = 2, 16
NW = NC * NS
SLOTS_PER_W = E * CAP // NW
TOK_PER_W = N // NW
GCHUNK = 32
NBUF = 3


def _routing_body(x_ref, gw_ref, logits_ref, idx_ref, base_ref):
    t = pl.program_id(0)

    @pl.when(t == 0)
    def _():
        base_ref[...] = jnp.zeros_like(base_ref)

    x = x_ref[...]
    logits = lax.dot_general(x, gw_ref[...], (((1,), (1,)), ((), ())),
                             preferred_element_type=jnp.float32)
    logits_ref[...] = logits
    m = jnp.max(logits, axis=1, keepdims=True)
    eidx = lax.broadcasted_iota(jnp.int32, (TB, E), 1)
    sel = jnp.min(jnp.where(logits == m, eidx, E), axis=1)
    oh = (eidx == sel[:, None]).astype(jnp.float32)
    r = lax.broadcasted_iota(jnp.int32, (TB, TB), 0)
    c = lax.broadcasted_iota(jnp.int32, (TB, TB), 1)
    ltri = (c <= r).astype(jnp.float32)
    csum = lax.dot_general(ltri, oh, (((1,), (0,)), ((), ())),
                           preferred_element_type=jnp.float32)
    csum = csum + base_ref[...]
    base_ref[...] = csum[TB - 1:TB, :]
    pos = jnp.sum(csum * oh, axis=1).astype(jnp.int32) - 1
    slot = sel * CAP + pos
    idx_ref[...] = jnp.where(pos < CAP, slot, SENTINEL)


def _routing(x, gate_w):
    return pl.pallas_call(
        _routing_body,
        grid=(N // TB,),
        in_specs=[
            pl.BlockSpec((TB, D), lambda t: (t, 0)),
            pl.BlockSpec((E, D), lambda t: (0, 0)),
        ],
        out_specs=[
            pl.BlockSpec((TB, E), lambda t: (t, 0)),
            pl.BlockSpec((TB,), lambda t: (t,)),
        ],
        out_shape=[
            jax.ShapeDtypeStruct((N, E), jnp.float32),
            jax.ShapeDtypeStruct((N,), jnp.int32),
        ],
        scratch_shapes=[pltpu.VMEM((1, E), jnp.float32)],
    )(x, gate_w)


NCHUNK = SLOTS_PER_W // GCHUNK


def _dispatch_body(idx_hbm, x_hbm, buf_hbm, idx_v, tid_v, rows_v,
                   gsem, wsem):
    wid = lax.axis_index("s") * NC + lax.axis_index("c")
    base_slot = pl.multiple_of(wid * SLOTS_PER_W, SLOTS_PER_W)
    pltpu.sync_copy(idx_hbm, idx_v)
    iota16 = lax.iota(jnp.int32, 16)
    neg16 = jnp.full((16,), -1, jnp.int32)
    for ci in range(NCHUNK):
        for i in range(GCHUNK // 16):
            tid_v[ci, pl.ds(i * 16, 16)] = neg16

    def body(j, carry):
        sl = idx_v[pl.ds(j * 16, 16)]
        rel = sl - base_slot
        msk = (rel >= 0) & (rel < SLOTS_PER_W)
        relc = jnp.clip(rel, 0, SLOTS_PER_W - 1)
        tok = lax.iota(jnp.int32, 16) + j * 16
        plsc.store_scatter(tid_v, [relc // GCHUNK, relc % GCHUNK], tok,
                           mask=msk)
        return carry

    lax.fori_loop(0, N // 16, body, 0)
    filled = []
    for ci in range(NCHUNK):
        filled.append(jnp.max(tid_v[ci, pl.ds(0, 16)]) >= 0)
        for i in range(GCHUNK // 16):
            v = tid_v[ci, pl.ds(i * 16, 16)]
            fillv = iota16 + ((base_slot + ci * GCHUNK + i * 16) & (N - 1))
            tid_v[ci, pl.ds(i * 16, 16)] = jnp.where(v < 0, fillv, v)
    gd = [pltpu.make_async_copy(x_hbm.at[tid_v.at[ci]],
                                rows_v.at[ci % NBUF], gsem)
          for ci in range(NCHUNK)]
    wd = [pltpu.make_async_copy(rows_v.at[ci % NBUF],
                                buf_hbm.at[wid * NCHUNK + ci], wsem)
          for ci in range(NCHUNK)]

    def when_do(cond, *fns):
        @pl.when(cond)
        def _():
            for f in fns:
                f()

    for ci in range(NCHUNK):
        if ci >= NBUF:
            when_do(filled[ci - NBUF], wd[ci - NBUF].wait)
        when_do(filled[ci], gd[ci].start)
        if ci >= 1:
            when_do(filled[ci - 1], gd[ci - 1].wait, wd[ci - 1].start)
    last = NCHUNK - 1
    when_do(filled[last], gd[last].wait, wd[last].start)
    for ci in range(max(0, NCHUNK - NBUF), NCHUNK - 1):
        when_do(filled[ci], wd[ci].wait)
    when_do(filled[last], wd[last].wait)


@functools.cache
def _dispatch():
    return pl.kernel(
        _dispatch_body,
        out_type=jax.ShapeDtypeStruct((E * CAP // GCHUNK, GCHUNK, D),
                                      jnp.float32),
        mesh=plsc.VectorSubcoreMesh(core_axis_name="c", subcore_axis_name="s"),
        scratch_types=[
            pltpu.VMEM((N,), jnp.int32),
            pltpu.VMEM((NCHUNK, GCHUNK), jnp.int32),
            pltpu.VMEM((NBUF, GCHUNK, D), jnp.float32),
            pltpu.SemaphoreType.DMA,
            pltpu.SemaphoreType.DMA,
        ],
        compiler_params=pltpu.CompilerParams(needs_layout_passes=False),
    )


def _ffn_body(buf_ref, w1_ref, w3_ref, w2_ref, ob_ref):
    e = pl.program_id(0)

    @pl.when(e < E)
    def _():
        x = buf_ref[...]
        a = jnp.dot(x, w1_ref[0], preferred_element_type=jnp.float32)
        b = jnp.dot(x, w3_ref[0], preferred_element_type=jnp.float32)
        g = a * (1.0 / (1.0 + jnp.exp(-a))) * b
        ob_ref[...] = jnp.dot(g, w2_ref[0], preferred_element_type=jnp.float32)

    @pl.when(e == E)
    def _():
        ob_ref[...] = jnp.zeros_like(ob_ref)


def _ffn(buf, w1, w3, w2):
    wmap = lambda e: (jnp.minimum(e, E - 1), 0, 0)
    return pl.pallas_call(
        _ffn_body,
        grid=(E + 1,),
        in_specs=[
            pl.BlockSpec((CAP, D), lambda e: (jnp.minimum(e, E - 1), 0)),
            pl.BlockSpec((1, D, FF), wmap),
            pl.BlockSpec((1, D, FF), wmap),
            pl.BlockSpec((1, FF, D), wmap),
        ],
        out_specs=pl.BlockSpec((CAP, D), lambda e: (e, 0)),
        out_shape=jax.ShapeDtypeStruct((E * CAP + CAP, D), jnp.float32),
    )(buf, w1, w3, w2)


CCHUNK = TOK_PER_W // GCHUNK


def _combine_body(idx_hbm, ob_hbm, out_hbm, idx_v, rows_v, gsem, wsem):
    wid = lax.axis_index("s") * NC + lax.axis_index("c")
    base = pl.multiple_of(wid * TOK_PER_W, TOK_PER_W)
    pltpu.sync_copy(idx_hbm.at[pl.ds(wid * CCHUNK, CCHUNK)], idx_v)
    gd = [pltpu.make_async_copy(
              ob_hbm.at[idx_v.at[ci]],
              rows_v.at[ci % NBUF], gsem)
          for ci in range(CCHUNK)]
    wd = [pltpu.make_async_copy(
              rows_v.at[ci % NBUF],
              out_hbm.at[pl.ds(base + ci * GCHUNK, GCHUNK), :], wsem)
          for ci in range(CCHUNK)]
    for ci in range(CCHUNK):
        if ci >= NBUF:
            wd[ci - NBUF].wait()
        gd[ci].start()
        if ci >= 1:
            gd[ci - 1].wait()
            wd[ci - 1].start()
    last = CCHUNK - 1
    gd[last].wait()
    wd[last].start()
    for ci in range(max(0, CCHUNK - NBUF), CCHUNK):
        wd[ci].wait()


@functools.cache
def _combine():
    return pl.kernel(
        _combine_body,
        out_type=jax.ShapeDtypeStruct((N, D), jnp.float32),
        mesh=plsc.VectorSubcoreMesh(core_axis_name="c", subcore_axis_name="s"),
        scratch_types=[
            pltpu.VMEM((CCHUNK, GCHUNK), jnp.int32),
            pltpu.VMEM((NBUF, GCHUNK, D), jnp.float32),
            pltpu.SemaphoreType.DMA,
            pltpu.SemaphoreType.DMA,
        ],
    )


def kernel(hidden_states, gate_w, w1, w2, w3):
    x = hidden_states.reshape(N, D)
    logits, idx = _routing(x, gate_w)
    buf = _dispatch()(idx, x).reshape(E * CAP, D)
    ob = _ffn(buf, w1, w3, w2)
    out = _combine()(idx.reshape(N // GCHUNK, GCHUNK), ob)
    return out.reshape(B, S, D), logits

# --- scband reference (transcript-rebuilt; emitter-appended) ---
"""Pipeline reference for scband-mixtral-sparse-moe-48455821033858 (READ-ONLY COPY).

The authoritative reference and input builder live on the scoring server;
editing this copy changes nothing except your own understanding.
"""

import jax, jax.numpy as jnp
import numpy as np

B, S, D = 2, 2048, 1024
E, TOPK, FF = 64, 1, 1024
N = B * S
CAP = 2 * ((N * TOPK + E - 1) // E)


def setup_inputs(seed: int = 0):
    key = jax.random.key(seed)
    k0, k1, k2, k3, k4 = jax.random.split(key, 5)
    hidden_states = jax.random.normal(k0, (B, S, D), dtype=jnp.float32)
    gate_w = jax.random.normal(k1, (E, D), dtype=jnp.float32) * 0.02
    w1 = jax.random.normal(k2, (E, D, FF), dtype=jnp.float32) * 0.02
    w3 = jax.random.normal(k3, (E, D, FF), dtype=jnp.float32) * 0.02
    w2 = jax.random.normal(k4, (E, FF, D), dtype=jnp.float32) * 0.02
    return {"hidden_states": hidden_states, "gate_w": gate_w, "w1": w1, "w2": w2, "w3": w3}


def _moe_forward(hidden_states, gate_w, w1, w2, w3):
    b, s, d = hidden_states.shape
    x = hidden_states.reshape(-1, d)
    router_logits = x @ gate_w.T
    routing = jax.nn.softmax(router_logits, axis=-1)
    rw, sel = jax.lax.top_k(routing, TOPK)
    rw = rw / jnp.sum(rw, axis=-1, keepdims=True)
    flat_e = sel.reshape(-1)
    flat_w = rw.reshape(-1)
    tok = jnp.arange(flat_e.shape[0]) // TOPK
    oh = jax.nn.one_hot(flat_e, E, dtype=jnp.int32)
    pos = jnp.take_along_axis(jnp.cumsum(oh, axis=0) - 1, flat_e[:, None], axis=1)[:, 0]
    buf = jnp.zeros((E, CAP, d), dtype=x.dtype).at[flat_e, pos].set(x[tok], mode="drop")
    h = jnp.einsum("ecd,edf->ecf", buf, w1)
    g = jax.nn.silu(h) * jnp.einsum("ecd,edf->ecf", buf, w3)
    ob = jnp.einsum("ecf,efd->ecd", g, w2)
    y = ob.at[flat_e, pos].get(mode="fill", fill_value=0.0)
    out = jax.ops.segment_sum(flat_w[:, None] * y, tok, num_segments=x.shape[0])
    return out.reshape(b, s, d), router_logits


def reference(hidden_states, gate_w, w1, w2, w3):
    return _moe_forward(hidden_states, gate_w, w1, w2, w3)

if __name__ == "__main__":
    import jax
    _d = setup_inputs()
    print(jax.jit(kernel)(*tuple(_d.values())))

</pallas_src>

<mosaic_0001>
#map = affine_map<(d0, d1) -> (0, 0)>
module attributes {stable_mosaic.version = 14 : i64} {
  func.func @_combine_body(%arg0: i32, %arg1: i32, %arg2: memref<128x32xi32, #tpu.memory_space<hbm>>, %arg3: memref<8320x1024xf32, #tpu.memory_space<hbm>>, %arg4: memref<4096x1024xf32, #tpu.memory_space<hbm>>, %arg5: memref<4x32xi32, #tpu.memory_space<vmem>>, %arg6: memref<3x32x1024xf32, #tpu.memory_space<vmem>>, %arg7: memref<!tpu.dma_semaphore, #tpu.memory_space<semaphore_mem>>, %arg8: memref<!tpu.dma_semaphore, #tpu.memory_space<semaphore_mem>>) attributes {dimension_semantics = [#tpu.dimension_semantics<core_parallel>, #tpu.dimension_semantics<subcore_parallel>], iteration_bounds = array<i64: 2, 16>, scalar_prefetch = 0 : i64, scratch_operands = 4 : i64, tpu.core_type = #tpu.core_type<sc_vector_subcore>, window_params = [{transform_indices = #map}, {transform_indices = #map}, {transform_indices = #map}]} {
    %mul3A = arith.constant 2 : i32
    %mul3A_0 = arith.muli %arg1, %mul3A : i32
    %add3A = arith.addi %mul3A_0, %arg0 : i32
    %mul3A_1 = arith.constant 128 : i32
    %mul3A_2 = arith.muli %add3A, %mul3A_1 : i32
    %multiple_of3A = tpu.assume_multiple %mul3A_2, 128 : i32
    %mul3A_3 = arith.constant 4 : i32
    %mul3A_4 = arith.muli %add3A, %mul3A_3 : i32
    "tpu.region"() ({
      %run_scoped3A = tpu.sem_alloc : memref<!tpu.dma_semaphore, #tpu.memory_space<semaphore_mem>>
      %dma_start3A_211 = arith.constant 0 : i32
      %dma_start3A_212 = tpu.memref_slice %arg2[%mul3A_4, %dma_start3A_211] : memref<128x32xi32, #tpu.memory_space<hbm>> -> memref<4x32xi32, #tpu.memory_space<hbm>>
      %dma_start3A_213 = arith.constant 0 : i32
      %dma_start3A_214 = tpu.memref_slice %arg2[%mul3A_4, %dma_start3A_213] : memref<128x32xi32, #tpu.memory_space<hbm>> -> memref<4x32xi32, #tpu.memory_space<hbm>>
      tpu.enqueue_dma source(%dma_start3A_214 : memref<4x32xi32, #tpu.memory_space<hbm>>) target(%arg5 : memref<4x32xi32, #tpu.memory_space<vmem>>) target_semaphore(%run_scoped3A : memref<!tpu.dma_semaphore, #tpu.memory_space<semaphore_mem>>)
      %dma_wait3A_215 = arith.constant 0 : i32
      %dma_wait3A_216 = tpu.memref_slice %arg2[%mul3A_4, %dma_wait3A_215] : memref<128x32xi32, #tpu.memory_space<hbm>> -> memref<4x32xi32, #tpu.memory_space<hbm>>
      %dma_wait3A_217 = arith.constant 0 : i32
      %dma_wait3A_218 = tpu.memref_slice %arg2[%mul3A_4, %dma_wait3A_217] : memref<128x32xi32, #tpu.memory_space<hbm>> -> memref<4x32xi32, #tpu.memory_space<hbm>>
      tpu.wait_dma2 semaphore(%run_scoped3A : memref<!tpu.dma_semaphore, #tpu.memory_space<semaphore_mem>>) src(%dma_wait3A_218 : memref<4x32xi32, #tpu.memory_space<hbm>>) dst(%arg5 : memref<4x32xi32, #tpu.memory_space<vmem>>)
      tpu.yield
    }) : () -> ()
    %add3A_5 = arith.constant 0 : i32
    %add3A_6 = arith.addi %multiple_of3A, %add3A_5 : i32
    %add3A_7 = arith.constant 32 : i32
    %add3A_8 = arith.addi %multiple_of3A, %add3A_7 : i32
    %add3A_9 = arith.constant 64 : i32
    %add3A_10 = arith.addi %multiple_of3A, %add3A_9 : i32
    %add3A_11 = arith.constant 96 : i32
    %add3A_12 = arith.addi %multiple_of3A, %add3A_11 : i32
    %dma_start3A = arith.constant 0 : i32
    %dma_start3A_13 = arith.constant 0 : i32
    %dma_start3A_14 = arith.constant 0 : i32
    %dma_start3A_15 = arith.constant 0 : i32
    %dma_start3A_16 = tpu.memref_slice %arg6[%dma_start3A_13, %dma_start3A_14, %dma_start3A_15] : memref<3x32x1024xf32, #tpu.memory_space<vmem>> -> memref<1x32x1024xf32, #tpu.memory_space<vmem>>
    %dma_start3A_17 = tpu.memref_squeeze %dma_start3A_16 : memref<1x32x1024xf32, #tpu.memory_space<vmem>> -> memref<32x1024xf32, #tpu.memory_space<vmem>>
    %dma_start3A_18 = arith.constant 0 : i32
    %dma_start3A_19 = tpu.memref_slice %arg5[%dma_start3A, %dma_start3A_18] : memref<4x32xi32, #tpu.memory_space<vmem>> -> memref<1x32xi32, #tpu.memory_space<vmem>>
    %dma_start3A_20 = tpu.memref_squeeze %dma_start3A_19 : memref<1x32xi32, #tpu.memory_space<vmem>> -> memref<32xi32, #tpu.memory_space<vmem>>
    %dma_start3A_21 = arith.constant 0 : i32
    %dma_start3A_22 = arith.constant 0 : i32
    %dma_start3A_23 = tpu.memref_slice %arg3[%dma_start3A_21, %dma_start3A_22] : memref<8320x1024xf32, #tpu.memory_space<hbm>> -> memref<8320x1024xf32, #tpu.memory_space<hbm>>
    tpu.enqueue_indirect_dma source(%dma_start3A_23 : memref<8320x1024xf32, #tpu.memory_space<hbm>>) target(%dma_start3A_17 : memref<32x1024xf32, #tpu.memory_space<vmem>>) offsets(%dma_start3A_20 : memref<32xi32, #tpu.memory_space<vmem>>) semaphore(%arg7 : memref<!tpu.dma_semaphore, #tpu.memory_space<semaphore_mem>>)
    %dma_start3A_24 = arith.constant 1 : i32
    %dma_start3A_25 = arith.constant 1 : i32
    %dma_start3A_26 = arith.constant 0 : i32
    %dma_start3A_27 = arith.constant 0 : i32
    %dma_start3A_28 = tpu.memref_slice %arg6[%dma_start3A_25, %dma_start3A_26, %dma_start3A_27] : memref<3x32x1024xf32, #tpu.memory_space<vmem>> -> memref<1x32x1024xf32, #tpu.memory_space<vmem>>
    %dma_start3A_29 = tpu.memref_squeeze %dma_start3A_28 : memref<1x32x1024xf32, #tpu.memory_space<vmem>> -> memref<32x1024xf32, #tpu.memory_space<vmem>>
    %dma_start3A_30 = arith.constant 0 : i32
    %dma_start3A_31 = tpu.memref_slice %arg5[%dma_start3A_24, %dma_start3A_30] : memref<4x32xi32, #tpu.memory_space<vmem>> -> memref<1x32xi32, #tpu.memory_space<vmem>>
    %dma_start3A_32 = tpu.memref_squeeze %dma_start3A_31 : memref<1x32xi32, #tpu.memory_space<vmem>> -> memref<32xi32, #tpu.memory_space<vmem>>
    %dma_start3A_33 = arith.constant 0 : i32
    %dma_start3A_34 = arith.constant 0 : i32
    %dma_start3A_35 = tpu.memref_slice %arg3[%dma_start3A_33, %dma_start3A_34] : memref<8320x1024xf32, #tpu.memory_space<hbm>> -> memref<8320x1024xf32, #tpu.memory_space<hbm>>
    tpu.enqueue_indirect_dma source(%dma_start3A_35 : memref<8320x1024xf32, #tpu.memory_space<hbm>>) target(%dma_start3A_29 : memref<32x1024xf32, #tpu.memory_space<vmem>>) offsets(%dma_start3A_32 : memref<32xi32, #tpu.memory_space<vmem>>) semaphore(%arg7 : memref<!tpu.dma_semaphore, #tpu.memory_space<semaphore_mem>>)
    %dma_wait3A = arith.constant 0 : i32
    %dma_wait3A_36 = arith.constant 0 : i32
    %dma_wait3A_37 = arith.constant 0 : i32
    %dma_wait3A_38 = arith.constant 0 : i32
    %dma_wait3A_39 = tpu.memref_slice %arg6[%dma_wait3A_36, %dma_wait3A_37, %dma_wait3A_38] : memref<3x32x1024xf32, #tpu.memory_space<vmem>> -> memref<1x32x1024xf32, #tpu.memory_space<vmem>>
    %dma_wait3A_40 = tpu.memref_squeeze %dma_wait3A_39 : memref<1x32x1024xf32, #tpu.memory_space<vmem>> -> memref<32x1024xf32, #tpu.memory_space<vmem>>
    %dma_wait3A_41 = arith.constant 0 : i32
    %dma_wait3A_42 = tpu.memref_slice %arg5[%dma_wait3A, %dma_wait3A_41] : memref<4x32xi32, #tpu.memory_space<vmem>> -> memref<1x32xi32, #tpu.memory_space<vmem>>
    %dma_wait3A_43 = tpu.memref_squeeze %dma_wait3A_42 : memref<1x32xi32, #tpu.memory_space<vmem>> -> memref<32xi32, #tpu.memory_space<vmem>>
    %dma_wait3A_44 = arith.constant 0 : i32
    %dma_wait3A_45 = arith.constant 0 : i32
    %dma_wait3A_46 = tpu.memref_slice %arg3[%dma_wait3A_44, %dma_wait3A_45] : memref<8320x1024xf32, #tpu.memory_space<hbm>> -> memref<8320x1024xf32, #tpu.memory_space<hbm>>
    tpu.wait_indirect_dma semaphore(%arg7 : memref<!tpu.dma_semaphore, #tpu.memory_space<semaphore_mem>>) src(%dma_wait3A_46 : memref<8320x1024xf32, #tpu.memory_space<hbm>>) dst(%dma_wait3A_40 : memref<32x1024xf32, #tpu.memory_space<vmem>>)
    %dma_start3A_47 = arith.constant 0 : i32
    %dma_start3A_48 = arith.constant 0 : i32
    %dma_start3A_49 = arith.constant 0 : i32
    %dma_start3A_50 = tpu.memref_slice %arg6[%dma_start3A_47, %dma_start3A_48, %dma_start3A_49] : memref<3x32x1024xf32, #tpu.memory_space<vmem>> -> memref<1x32x1024xf32, #tpu.memory_space<vmem>>
    %dma_start3A_51 = tpu.memref_squeeze %dma_start3A_50 : memref<1x32x1024xf32, #tpu.memory_space<vmem>> -> memref<32x1024xf32, #tpu.memory_space<vmem>>
    %dma_start3A_52 = arith.constant 0 : i32
    %dma_start3A_53 = tpu.memref_slice %arg4[%add3A_6, %dma_start3A_52] : memref<4096x1024xf32, #tpu.memory_space<hbm>> -> memref<32x1024xf32, #tpu.memory_space<hbm>>
    %dma_start3A_54 = arith.constant 0 : i32
    %dma_start3A_55 = tpu.memref_slice %arg4[%add3A_6, %dma_start3A_54] : memref<4096x1024xf32, #tpu.memory_space<hbm>> -> memref<32x1024xf32, #tpu.memory_space<hbm>>
    %dma_start3A_56 = arith.constant 0 : i32
    %dma_start3A_57 = arith.constant 0 : i32
    %dma_start3A_58 = tpu.memref_slice %arg6[%dma_start3A_47, %dma_start3A_56, %dma_start3A_57] : memref<3x32x1024xf32, #tpu.memory_space<vmem>> -> memref<1x32x1024xf32, #tpu.memory_space<vmem>>
    %dma_start3A_59 = tpu.memref_squeeze %dma_start3A_58 : memref<1x32x1024xf32, #tpu.memory_space<vmem>> -> memref<32x1024xf32, #tpu.memory_space<vmem>>
    tpu.enqueue_dma source(%dma_start3A_59 : memref<32x1024xf32, #tpu.memory_space<vmem>>) target(%dma_start3A_55 : memref<32x1024xf32, #tpu.memory_space<hbm>>) target_semaphore(%arg8 : memref<!tpu.dma_semaphore, #tpu.memory_space<semaphore_mem>>)
    %dma_start3A_60 = arith.constant 2 : i32
    %dma_start3A_61 = arith.constant 2 : i32
    %dma_start3A_62 = arith.constant 0 : i32
    %dma_start3A_63 = arith.constant 0 : i32
    %dma_start3A_64 = tpu.memref_slice %arg6[%dma_start3A_61, %dma_start3A_62, %dma_start3A_63] : memref<3x32x1024xf32, #tpu.memory_space<vmem>> -> memref<1x32x1024xf32, #tpu.memory_space<vmem>>
    %dma_start3A_65 = tpu.memref_squeeze %dma_start3A_64 : memref<1x32x1024xf32, #tpu.memory_space<vmem>> -> memref<32x1024xf32, #tpu.memory_space<vmem>>
    %dma_start3A_66 = arith.constant 0 : i32
    %dma_start3A_67 = tpu.memref_slice %arg5[%dma_start3A_60, %dma_start3A_66] : memref<4x32xi32, #tpu.memory_space<vmem>> -> memref<1x32xi32, #tpu.memory_space<vmem>>
    %dma_start3A_68 = tpu.memref_squeeze %dma_start3A_67 : memref<1x32xi32, #tpu.memory_space<vmem>> -> memref<32xi32, #tpu.memory_space<vmem>>
    %dma_start3A_69 = arith.constant 0 : i32
    %dma_start3A_70 = arith.constant 0 : i32
    %dma_start3A_71 = tpu.memref_slice %arg3[%dma_start3A_69, %dma_start3A_70] : memref<8320x1024xf32, #tpu.memory_space<hbm>> -> memref<8320x1024xf32, #tpu.memory_space<hbm>>
    tpu.enqueue_indirect_dma source(%dma_start3A_71 : memref<8320x1024xf32, #tpu.memory_space<hbm>>) target(%dma_start3A_65 : memref<32x1024xf32, #tpu.memory_space<vmem>>) offsets(%dma_start3A_68 : memref<32xi32, #tpu.memory_space<vmem>>) semaphore(%arg7 : memref<!tpu.dma_semaphore, #tpu.memory_space<semaphore_mem>>)
    %dma_wait3A_72 = arith.constant 1 : i32
    %dma_wait3A_73 = arith.constant 1 : i32
    %dma_wait3A_74 = arith.constant 0 : i32
    %dma_wait3A_75 = arith.constant 0 : i32
    %dma_wait3A_76 = tpu.memref_slice %arg6[%dma_wait3A_73, %dma_wait3A_74, %dma_wait3A_75] : memref<3x32x1024xf32, #tpu.memory_space<vmem>> -> memref<1x32x1024xf32, #tpu.memory_space<vmem>>
    %dma_wait3A_77 = tpu.memref_squeeze %dma_wait3A_76 : memref<1x32x1024xf32, #tpu.memory_space<vmem>> -> memref<32x1024xf32, #tpu.memory_space<vmem>>
    %dma_wait3A_78 = arith.constant 0 : i32
    %dma_wait3A_79 = tpu.memref_slice %arg5[%dma_wait3A_72, %dma_wait3A_78] : memref<4x32xi32, #tpu.memory_space<vmem>> -> memref<1x32xi32, #tpu.memory_space<vmem>>
    %dma_wait3A_80 = tpu.memref_squeeze %dma_wait3A_79 : memref<1x32xi32, #tpu.memory_space<vmem>> -> memref<32xi32, #tpu.memory_space<vmem>>
    %dma_wait3A_81 = arith.constant 0 : i32
    %dma_wait3A_82 = arith.constant 0 : i32
    %dma_wait3A_83 = tpu.memref_slice %arg3[%dma_wait3A_81, %dma_wait3A_82] : memref<8320x1024xf32, #tpu.memory_space<hbm>> -> memref<8320x1024xf32, #tpu.memory_space<hbm>>
    tpu.wait_indirect_dma semaphore(%arg7 : memref<!tpu.dma_semaphore, #tpu.memory_space<semaphore_mem>>) src(%dma_wait3A_83 : memref<8320x1024xf32, #tpu.memory_space<hbm>>) dst(%dma_wait3A_77 : memref<32x1024xf32, #tpu.memory_space<vmem>>)
    %dma_start3A_84 = arith.constant 1 : i32
    %dma_start3A_85 = arith.constant 0 : i32
    %dma_start3A_86 = arith.constant 0 : i32
    %dma_start3A_87 = tpu.memref_slice %arg6[%dma_start3A_84, %dma_start3A_85, %dma_start3A_86] : memref<3x32x1024xf32, #tpu.memory_space<vmem>> -> memref<1x32x1024xf32, #tpu.memory_space<vmem>>
    %dma_start3A_88 = tpu.memref_squeeze %dma_start3A_87 : memref<1x32x1024xf32, #tpu.memory_space<vmem>> -> memref<32x1024xf32, #tpu.memory_space<vmem>>
    %dma_start3A_89 = arith.constant 0 : i32
    %dma_start3A_90 = tpu.memref_slice %arg4[%add3A_8, %dma_start3A_89] : memref<4096x1024xf32, #tpu.memory_space<hbm>> -> memref<32x1024xf32, #tpu.memory_space<hbm>>
    %dma_start3A_91 = arith.constant 0 : i32
    %dma_start3A_92 = tpu.memref_slice %arg4[%add3A_8, %dma_start3A_91] : memref<4096x1024xf32, #tpu.memory_space<hbm>> -> memref<32x1024xf32, #tpu.memory_space<hbm>>
    %dma_start3A_93 = arith.constant 0 : i32
    %dma_start3A_94 = arith.constant 0 : i32
    %dma_start3A_95 = tpu.memref_slice %arg6[%dma_start3A_84, %dma_start3A_93, %dma_start3A_94] : memref<3x32x1024xf32, #tpu.memory_space<vmem>> -> memref<1x32x1024xf32, #tpu.memory_space<vmem>>
    %dma_start3A_96 = tpu.memref_squeeze %dma_start3A_95 : memref<1x32x1024xf32, #tpu.memory_space<vmem>> -> memref<32x1024xf32, #tpu.memory_space<vmem>>
    tpu.enqueue_dma source(%dma_start3A_96 : memref<32x1024xf32, #tpu.memory_space<vmem>>) target(%dma_start3A_92 : memref<32x1024xf32, #tpu.memory_space<hbm>>) target_semaphore(%arg8 : memref<!tpu.dma_semaphore, #tpu.memory_space<semaphore_mem>>)
    %dma_wait3A_97 = arith.constant 0 : i32
    %dma_wait3A_98 = arith.constant 0 : i32
    %dma_wait3A_99 = arith.constant 0 : i32
    %dma_wait3A_100 = tpu.memref_slice %arg6[%dma_wait3A_97, %dma_wait3A_98, %dma_wait3A_99] : memref<3x32x1024xf32, #tpu.memory_space<vmem>> -> memref<1x32x1024xf32, #tpu.memory_space<vmem>>
    %dma_wait3A_101 = tpu.memref_squeeze %dma_wait3A_100 : memref<1x32x1024xf32, #tpu.memory_space<vmem>> -> memref<32x1024xf32, #tpu.memory_space<vmem>>
    %dma_wait3A_102 = arith.constant 0 : i32
    %dma_wait3A_103 = tpu.memref_slice %arg4[%add3A_6, %dma_wait3A_102] : memref<4096x1024xf32, #tpu.memory_space<hbm>> -> memref<32x1024xf32, #tpu.memory_space<hbm>>
    %dma_wait3A_104 = arith.constant 0 : i32
    %dma_wait3A_105 = tpu.memref_slice %arg4[%add3A_6, %dma_wait3A_104] : memref<4096x1024xf32, #tpu.memory_space<hbm>> -> memref<32x1024xf32, #tpu.memory_space<hbm>>
    %dma_wait3A_106 = arith.constant 0 : i32
    %dma_wait3A_107 = arith.constant 0 : i32
    %dma_wait3A_108 = tpu.memref_slice %arg6[%dma_wait3A_97, %dma_wait3A_106, %dma_wait3A_107] : memref<3x32x1024xf32, #tpu.memory_space<vmem>> -> memref<1x32x1024xf32, #tpu.memory_space<vmem>>
    %dma_wait3A_109 = tpu.memref_squeeze %dma_wait3A_108 : memref<1x32x1024xf32, #tpu.memory_space<vmem>> -> memref<32x1024xf32, #tpu.memory_space<vmem>>
    tpu.wait_dma2 semaphore(%arg8 : memref<!tpu.dma_semaphore, #tpu.memory_space<semaphore_mem>>) src(%dma_wait3A_109 : memref<32x1024xf32, #tpu.memory_space<vmem>>) dst(%dma_wait3A_105 : memref<32x1024xf32, #tpu.memory_space<hbm>>)
    %dma_start3A_110 = arith.constant 3 : i32
    %dma_start3A_111 = arith.constant 0 : i32
    %dma_start3A_112 = arith.constant 0 : i32
    %dma_start3A_113 = arith.constant 0 : i32
    %dma_start3A_114 = tpu.memref_slice %arg6[%dma_start3A_111, %dma_start3A_112, %dma_start3A_113] : memref<3x32x1024xf32, #tpu.memory_space<vmem>> -> memref<1x32x1024xf32, #tpu.memory_space<vmem>>
    %dma_start3A_115 = tpu.memref_squeeze %dma_start3A_114 : memref<1x32x1024xf32, #tpu.memory_space<vmem>> -> memref<32x1024xf32, #tpu.memory_space<vmem>>
    %dma_start3A_116 = arith.constant 0 : i32
    %dma_start3A_117 = tpu.memref_slice %arg5[%dma_start3A_110, %dma_start3A_116] : memref<4x32xi32, #tpu.memory_space<vmem>> -> memref<1x32xi32, #tpu.memory_space<vmem>>
    %dma_start3A_118 = tpu.memref_squeeze %dma_start3A_117 : memref<1x32xi32, #tpu.memory_space<vmem>> -> memref<32xi32, #tpu.memory_space<vmem>>
    %dma_start3A_119 = arith.constant 0 : i32
    %dma_start3A_120 = arith.constant 0 : i32
    %dma_start3A_121 = tpu.memref_slice %arg3[%dma_start3A_119, %dma_start3A_120] : memref<8320x1024xf32, #tpu.memory_space<hbm>> -> memref<8320x1024xf32, #tpu.memory_space<hbm>>
    tpu.enqueue_indirect_dma source(%dma_start3A_121 : memref<8320x1024xf32, #tpu.memory_space<hbm>>) target(%dma_start3A_115 : memref<32x1024xf32, #tpu.memory_space<vmem>>) offsets(%dma_start3A_118 : memref<32xi32, #tpu.memory_space<vmem>>) semaphore(%arg7 : memref<!tpu.dma_semaphore, #tpu.memory_space<semaphore_mem>>)
    %dma_wait3A_122 = arith.constant 2 : i32
    %dma_wait3A_123 = arith.constant 2 : i32
    %dma_wait3A_124 = arith.constant 0 : i32
    %dma_wait3A_125 = arith.constant 0 : i32
    %dma_wait3A_126 = tpu.memref_slice %arg6[%dma_wait3A_123, %dma_wait3A_124, %dma_wait3A_125] : memref<3x32x1024xf32, #tpu.memory_space<vmem>> -> memref<1x32x1024xf32, #tpu.memory_space<vmem>>
    %dma_wait3A_127 = tpu.memref_squeeze %dma_wait3A_126 : memref<1x32x1024xf32, #tpu.memory_space<vmem>> -> memref<32x1024xf32, #tpu.memory_space<vmem>>
    %dma_wait3A_128 = arith.constant 0 : i32
    %dma_wait3A_129 = tpu.memref_slice %arg5[%dma_wait3A_122, %dma_wait3A_128] : memref<4x32xi32, #tpu.memory_space<vmem>> -> memref<1x32xi32, #tpu.memory_space<vmem>>
    %dma_wait3A_130 = tpu.memref_squeeze %dma_wait3A_129 : memref<1x32xi32, #tpu.memory_space<vmem>> -> memref<32xi32, #tpu.memory_space<vmem>>
    %dma_wait3A_131 = arith.constant 0 : i32
    %dma_wait3A_132 = arith.constant 0 : i32
    %dma_wait3A_133 = tpu.memref_slice %arg3[%dma_wait3A_131, %dma_wait3A_132] : memref<8320x1024xf32, #tpu.memory_space<hbm>> -> memref<8320x1024xf32, #tpu.memory_space<hbm>>
    tpu.wait_indirect_dma semaphore(%arg7 : memref<!tpu.dma_semaphore, #tpu.memory_space<semaphore_mem>>) src(%dma_wait3A_133 : memref<8320x1024xf32, #tpu.memory_space<hbm>>) dst(%dma_wait3A_127 : memref<32x1024xf32, #tpu.memory_space<vmem>>)
    %dma_start3A_134 = arith.constant 2 : i32
    %dma_start3A_135 = arith.constant 0 : i32
    %dma_start3A_136 = arith.constant 0 : i32
    %dma_start3A_137 = tpu.memref_slice %arg6[%dma_start3A_134, %dma_start3A_135, %dma_start3A_136] : memref<3x32x1024xf32, #tpu.memory_space<vmem>> -> memref<1x32x1024xf32, #tpu.memory_space<vmem>>
    %dma_start3A_138 = tpu.memref_squeeze %dma_start3A_137 : memref<1x32x1024xf32, #tpu.memory_space<vmem>> -> memref<32x1024xf32, #tpu.memory_space<vmem>>
    %dma_start3A_139 = arith.constant 0 : i32
    %dma_start3A_140 = tpu.memref_slice %arg4[%add3A_10, %dma_start3A_139] : memref<4096x1024xf32, #tpu.memory_space<hbm>> -> memref<32x1024xf32, #tpu.memory_space<hbm>>
    %dma_start3A_141 = arith.constant 0 : i32
    %dma_start3A_142 = tpu.memref_slice %arg4[%add3A_10, %dma_start3A_141] : memref<4096x1024xf32, #tpu.memory_space<hbm>> -> memref<32x1024xf32, #tpu.memory_space<hbm>>
    %dma_start3A_143 = arith.constant 0 : i32
    %dma_start3A_144 = arith.constant 0 : i32
    %dma_start3A_145 = tpu.memref_slice %arg6[%dma_start3A_134, %dma_start3A_143, %dma_start3A_144] : memref<3x32x1024xf32, #tpu.memory_space<vmem>> -> memref<1x32x1024xf32, #tpu.memory_space<vmem>>
    %dma_start3A_146 = tpu.memref_squeeze %dma_start3A_145 : memref<1x32x1024xf32, #tpu.memory_space<vmem>> -> memref<32x1024xf32, #tpu.memory_space<vmem>>
    tpu.enqueue_dma source(%dma_start3A_146 : memref<32x1024xf32, #tpu.memory_space<vmem>>) target(%dma_start3A_142 : memref<32x1024xf32, #tpu.memory_space<hbm>>) target_semaphore(%arg8 : memref<!tpu.dma_semaphore, #tpu.memory_space<semaphore_mem>>)
    %dma_wait3A_147 = arith.constant 3 : i32
    %dma_wait3A_148 = arith.constant 0 : i32
    %dma_wait3A_149 = arith.constant 0 : i32
    %dma_wait3A_150 = arith.constant 0 : i32
    %dma_wait3A_151 = tpu.memref_slice %arg6[%dma_wait3A_148, %dma_wait3A_149, %dma_wait3A_150] : memref<3x32x1024xf32, #tpu.memory_space<vmem>> -> memref<1x32x1024xf32, #tpu.memory_space<vmem>>
    %dma_wait3A_152 = tpu.memref_squeeze %dma_wait3A_151 : memref<1x32x1024xf32, #tpu.memory_space<vmem>> -> memref<32x1024xf32, #tpu.memory_space<vmem>>
    %dma_wait3A_153 = arith.constant 0 : i32
    %dma_wait3A_154 = tpu.memref_slice %arg5[%dma_wait3A_147, %dma_wait3A_153] : memref<4x32xi32, #tpu.memory_space<vmem>> -> memref<1x32xi32, #tpu.memory_space<vmem>>
    %dma_wait3A_155 = tpu.memref_squeeze %dma_wait3A_154 : memref<1x32xi32, #tpu.memory_space<vmem>> -> memref<32xi32, #tpu.memory_space<vmem>>
    %dma_wait3A_156 = arith.constant 0 : i32
    %dma_wait3A_157 = arith.constant 0 : i32
    %dma_wait3A_158 = tpu.memref_slice %arg3[%dma_wait3A_156, %dma_wait3A_157] : memref<8320x1024xf32, #tpu.memory_space<hbm>> -> memref<8320x1024xf32, #tpu.memory_space<hbm>>
    tpu.wait_indirect_dma semaphore(%arg7 : memref<!tpu.dma_semaphore, #tpu.memory_space<semaphore_mem>>) src(%dma_wait3A_158 : memref<8320x1024xf32, #tpu.memory_space<hbm>>) dst(%dma_wait3A_152 : memref<32x1024xf32, #tpu.memory_space<vmem>>)
    %dma_start3A_159 = arith.constant 0 : i32
    %dma_start3A_160 = arith.constant 0 : i32
    %dma_start3A_161 = arith.constant 0 : i32
    %dma_start3A_162 = tpu.memref_slice %arg6[%dma_start3A_159, %dma_start3A_160, %dma_start3A_161] : memref<3x32x1024xf32, #tpu.memory_space<vmem>> -> memref<1x32x1024xf32, #tpu.memory_space<vmem>>
    %dma_start3A_163 = tpu.memref_squeeze %dma_start3A_162 : memref<1x32x1024xf32, #tpu.memory_space<vmem>> -> memref<32x1024xf32, #tpu.memory_space<vmem>>
    %dma_start3A_164 = arith.constant 0 : i32
    %dma_start3A_165 = tpu.memref_slice %arg4[%add3A_12, %dma_start3A_164] : memref<4096x1024xf32, #tpu.memory_space<hbm>> -> memref<32x1024xf32, #tpu.memory_space<hbm>>
    %dma_start3A_166 = arith.constant 0 : i32
    %dma_start3A_167 = tpu.memref_slice %arg4[%add3A_12, %dma_start3A_166] : memref<4096x1024xf32, #tpu.memory_space<hbm>> -> memref<32x1024xf32, #tpu.memory_space<hbm>>
    %dma_start3A_168 = arith.constant 0 : i32
    %dma_start3A_169 = arith.constant 0 : i32
    %dma_start3A_170 = tpu.memref_slice %arg6[%dma_start3A_159, %dma_start3A_168, %dma_start3A_169] : memref<3x32x1024xf32, #tpu.memory_space<vmem>> -> memref<1x32x1024xf32, #tpu.memory_space<vmem>>
    %dma_start3A_171 = tpu.memref_squeeze %dma_start3A_170 : memref<1x32x1024xf32, #tpu.memory_space<vmem>> -> memref<32x1024xf32, #tpu.memory_space<vmem>>
    tpu.enqueue_dma source(%dma_start3A_171 : memref<32x1024xf32, #tpu.memory_space<vmem>>) target(%dma_start3A_167 : memref<32x1024xf32, #tpu.memory_space<hbm>>) target_semaphore(%arg8 : memref<!tpu.dma_semaphore, #tpu.memory_space<semaphore_mem>>)
    %dma_wait3A_172 = arith.constant 1 : i32
    %dma_wait3A_173 = arith.constant 0 : i32
    %dma_wait3A_174 = arith.constant 0 : i32
    %dma_wait3A_175 = tpu.memref_slice %arg6[%dma_wait3A_172, %dma_wait3A_173, %dma_wait3A_174] : memref<3x32x1024xf32, #tpu.memory_space<vmem>> -> memref<1x32x1024xf32, #tpu.memory_space<vmem>>
    %dma_wait3A_176 = tpu.memref_squeeze %dma_wait3A_175 : memref<1x32x1024xf32, #tpu.memory_space<vmem>> -> memref<32x1024xf32, #tpu.memory_space<vmem>>
    %dma_wait3A_177 = arith.constant 0 : i32
    %dma_wait3A_178 = tpu.memref_slice %arg4[%add3A_8, %dma_wait3A_177] : memref<4096x1024xf32, #tpu.memory_space<hbm>> -> memref<32x1024xf32, #tpu.memory_space<hbm>>
    %dma_wait3A_179 = arith.constant 0 : i32
    %dma_wait3A_180 = tpu.memref_slice %arg4[%add3A_8, %dma_wait3A_179] : memref<4096x1024xf32, #tpu.memory_space<hbm>> -> memref<32x1024xf32, #tpu.memory_space<hbm>>
    %dma_wait3A_181 = arith.constant 0 : i32
    %dma_wait3A_182 = arith.constant 0 : i32
    %dma_wait3A_183 = tpu.memref_slice %arg6[%dma_wait3A_172, %dma_wait3A_181, %dma_wait3A_182] : memref<3x32x1024xf32, #tpu.memory_space<vmem>> -> memref<1x32x1024xf32, #tpu.memory_space<vmem>>
    %dma_wait3A_184 = tpu.memref_squeeze %dma_wait3A_183 : memref<1x32x1024xf32, #tpu.memory_space<vmem>> -> memref<32x1024xf32, #tpu.memory_space<vmem>>
    tpu.wait_dma2 semaphore(%arg8 : memref<!tpu.dma_semaphore, #tpu.memory_space<semaphore_mem>>) src(%dma_wait3A_184 : memref<32x1024xf32, #tpu.memory_space<vmem>>) dst(%dma_wait3A_180 : memref<32x1024xf32, #tpu.memory_space<hbm>>)
    %dma_wait3A_185 = arith.constant 2 : i32
    %dma_wait3A_186 = arith.constant 0 : i32
    %dma_wait3A_187 = arith.constant 0 : i32
    %dma_wait3A_188 = tpu.memref_slice %arg6[%dma_wait3A_185, %dma_wait3A_186, %dma_wait3A_187] : memref<3x32x1024xf32, #tpu.memory_space<vmem>> -> memref<1x32x1024xf32, #tpu.memory_space<vmem>>
    %dma_wait3A_189 = tpu.memref_squeeze %dma_wait3A_188 : memref<1x32x1024xf32, #tpu.memory_space<vmem>> -> memref<32x1024xf32, #tpu.memory_space<vmem>>
    %dma_wait3A_190 = arith.constant 0 : i32
    %dma_wait3A_191 = tpu.memref_slice %arg4[%add3A_10, %dma_wait3A_190] : memref<4096x1024xf32, #tpu.memory_space<hbm>> -> memref<32x1024xf32, #tpu.memory_space<hbm>>
    %dma_wait3A_192 = arith.constant 0 : i32
    %dma_wait3A_193 = tpu.memref_slice %arg4[%add3A_10, %dma_wait3A_192] : memref<4096x1024xf32, #tpu.memory_space<hbm>> -> memref<32x1024xf32, #tpu.memory_space<hbm>>
    %dma_wait3A_194 = arith.constant 0 : i32
    %dma_wait3A_195 = arith.constant 0 : i32
    %dma_wait3A_196 = tpu.memref_slice %arg6[%dma_wait3A_185, %dma_wait3A_194, %dma_wait3A_195] : memref<3x32x1024xf32, #tpu.memory_space<vmem>> -> memref<1x32x1024xf32, #tpu.memory_space<vmem>>
    %dma_wait3A_197 = tpu.memref_squeeze %dma_wait3A_196 : memref<1x32x1024xf32, #tpu.memory_space<vmem>> -> memref<32x1024xf32, #tpu.memory_space<vmem>>
    tpu.wait_dma2 semaphore(%arg8 : memref<!tpu.dma_semaphore, #tpu.memory_space<semaphore_mem>>) src(%dma_wait3A_197 : memref<32x1024xf32, #tpu.memory_space<vmem>>) dst(%dma_wait3A_193 : memref<32x1024xf32, #tpu.memory_space<hbm>>)
    %dma_wait3A_198 = arith.constant 0 : i32
    %dma_wait3A_199 = arith.constant 0 : i32
    %dma_wait3A_200 = arith.constant 0 : i32
    %dma_wait3A_201 = tpu.memref_slice %arg6[%dma_wait3A_198, %dma_wait3A_199, %dma_wait3A_200] : memref<3x32x1024xf32, #tpu.memory_space<vmem>> -> memref<1x32x1024xf32, #tpu.memory_space<vmem>>
    %dma_wait3A_202 = tpu.memref_squeeze %dma_wait3A_201 : memref<1x32x1024xf32, #tpu.memory_space<vmem>> -> memref<32x1024xf32, #tpu.memory_space<vmem>>
    %dma_wait3A_203 = arith.constant 0 : i32
    %dma_wait3A_204 = tpu.memref_slice %arg4[%add3A_12, %dma_wait3A_203] : memref<4096x1024xf32, #tpu.memory_space<hbm>> -> memref<32x1024xf32, #tpu.memory_space<hbm>>
    %dma_wait3A_205 = arith.constant 0 : i32
    %dma_wait3A_206 = tpu.memref_slice %arg4[%add3A_12, %dma_wait3A_205] : memref<4096x1024xf32, #tpu.memory_space<hbm>> -> memref<32x1024xf32, #tpu.memory_space<hbm>>
    %dma_wait3A_207 = arith.constant 0 : i32
    %dma_wait3A_208 = arith.constant 0 : i32
    %dma_wait3A_209 = tpu.memref_slice %arg6[%dma_wait3A_198, %dma_wait3A_207, %dma_wait3A_208] : memref<3x32x1024xf32, #tpu.memory_space<vmem>> -> memref<1x32x1024xf32, #tpu.memory_space<vmem>>
    %dma_wait3A_210 = tpu.memref_squeeze %dma_wait3A_209 : memref<1x32x1024xf32, #tpu.memory_space<vmem>> -> memref<32x1024xf32, #tpu.memory_space<vmem>>
    tpu.wait_dma2 semaphore(%arg8 : memref<!tpu.dma_semaphore, #tpu.memory_space<semaphore_mem>>) src(%dma_wait3A_210 : memref<32x1024xf32, #tpu.memory_space<vmem>>) dst(%dma_wait3A_206 : memref<32x1024xf32, #tpu.memory_space<hbm>>)
    return
  }
}

#map = affine_map<(d0, d1) -> (0)>
#map1 = affine_map<(d0, d1) -> (0, 0)>
#map2 = affine_map<(d0, d1) -> (0, 0, 0)>
module attributes {stable_mosaic.version = 14 : i64} {
  func.func @_dispatch_body(%arg0: i32, %arg1: i32, %arg2: memref<4096xi32, #tpu.memory_space<hbm>>, %arg3: memref<4096x1024xf32, #tpu.memory_space<hbm>>, %arg4: memref<256x32x1024xf32, #tpu.memory_space<hbm>>, %arg5: memref<4096xi32, #tpu.memory_space<vmem>>, %arg6: memref<8x32xi32, #tpu.memory_space<vmem>>, %arg7: memref<3x32x1024xf32, #tpu.memory_space<vmem>>, %arg8: memref<!tpu.dma_semaphore, #tpu.memory_space<semaphore_mem>>, %arg9: memref<!tpu.dma_semaphore, #tpu.memory_space<semaphore_mem>>) attributes {dimension_semantics = [#tpu.dimension_semantics<core_parallel>, #tpu.dimension_semantics<subcore_parallel>], iteration_bounds = array<i64: 2, 16>, scalar_prefetch = 0 : i64, scratch_operands = 5 : i64, tpu.core_type = #tpu.core_type<sc_vector_subcore>, window_params = [{transform_indices = #map}, {transform_indices = #map1}, {transform_indices = #map2}]} {
    %mul3A = arith.constant 2 : i32
    %mul3A_0 = arith.muli %arg1, %mul3A : i32
    %add3A = arith.addi %mul3A_0, %arg0 : i32
    %mul3A_1 = arith.constant 256 : i32
    %mul3A_2 = arith.muli %add3A, %mul3A_1 : i32
    %multiple_of3A = tpu.assume_multiple %mul3A_2, 256 : i32
    "tpu.region"() ({
      %run_scoped3A = tpu.sem_alloc : memref<!tpu.dma_semaphore, #tpu.memory_space<semaphore_mem>>
      tpu.enqueue_dma source(%arg2 : memref<4096xi32, #tpu.memory_space<hbm>>) target(%arg5 : memref<4096xi32, #tpu.memory_space<vmem>>) target_semaphore(%run_scoped3A : memref<!tpu.dma_semaphore, #tpu.memory_space<semaphore_mem>>)
      tpu.wait_dma2 semaphore(%run_scoped3A : memref<!tpu.dma_semaphore, #tpu.memory_space<semaphore_mem>>) src(%arg2 : memref<4096xi32, #tpu.memory_space<hbm>>) dst(%arg5 : memref<4096xi32, #tpu.memory_space<vmem>>)
      tpu.yield
    }) : () -> ()
    %iota3A = tpu.iota {dimensions = array<i32: 0>} : vector<16xi32>
    %broadcast_in_dim3A = arith.constant -1 : i32
    %broadcast_in_dim3A_3 = vector.broadcast %broadcast_in_dim3A : i32 to vector<16xi32>
    %swap3A = arith.constant 0 : i32
    %swap3A_4 = arith.index_cast %swap3A : i32 to index
    %swap3A_5 = arith.constant 0 : index
    %swap3A_6 = tpu.vector_load %arg6[%swap3A_4, %swap3A_5] {strides = array<i32>} : memref<8x32xi32, #tpu.memory_space<vmem>>, vector<16xi32>,
    tpu.vector_store %arg6[%swap3A_4, %swap3A_5], %broadcast_in_dim3A_3 {strides = array<i32>} : memref<8x32xi32, #tpu.memory_space<vmem>>, vector<16xi32>,
    %swap3A_7 = arith.constant 0 : i32
    %swap3A_8 = arith.index_cast %swap3A_7 : i32 to index
    %swap3A_9 = arith.constant 16 : index
    %swap3A_10 = tpu.vector_load %arg6[%swap3A_8, %swap3A_9] {strides = array<i32>} : memref<8x32xi32, #tpu.memory_space<vmem>>, vector<16xi32>,
    tpu.vector_store %arg6[%swap3A_8, %swap3A_9], %broadcast_in_dim3A_3 {strides = array<i32>} : memref<8x32xi32, #tpu.memory_space<vmem>>, vector<16xi32>,
    %swap3A_11 = arith.constant 1 : i32
    %swap3A_12 = arith.index_cast %swap3A_11 : i32 to index
    %swap3A_13 = arith.constant 0 : index
    %swap3A_14 = tpu.vector_load %arg6[%swap3A_12, %swap3A_13] {strides = array<i32>} : memref<8x32xi32, #tpu.memory_space<vmem>>, vector<16xi32>,
    tpu.vector_store %arg6[%swap3A_12, %swap3A_13], %broadcast_in_dim3A_3 {strides = array<i32>} : memref<8x32xi32, #tpu.memory_space<vmem>>, vector<16xi32>,
    %swap3A_15 = arith.constant 1 : i32
    %swap3A_16 = arith.index_cast %swap3A_15 : i32 to index
    %swap3A_17 = arith.constant 16 : index
    %swap3A_18 = tpu.vector_load %arg6[%swap3A_16, %swap3A_17] {strides = array<i32>} : memref<8x32xi32, #tpu.memory_space<vmem>>, vector<16xi32>,
    tpu.vector_store %arg6[%swap3A_16, %swap3A_17], %broadcast_in_dim3A_3 {strides = array<i32>} : memref<8x32xi32, #tpu.memory_space<vmem>>, vector<16xi32>,
    %swap3A_19 = arith.constant 2 : i32
    %swap3A_20 = arith.index_cast %swap3A_19 : i32 to index
    %swap3A_21 = arith.constant 0 : index
    %swap3A_22 = tpu.vector_load %arg6[%swap3A_20, %swap3A_21] {strides = array<i32>} : memref<8x32xi32, #tpu.memory_space<vmem>>, vector<16xi32>,
    tpu.vector_store %arg6[%swap3A_20, %swap3A_21], %broadcast_in_dim3A_3 {strides = array<i32>} : memref<8x32xi32, #tpu.memory_space<vmem>>, vector<16xi32>,
    %swap3A_23 = arith.constant 2 : i32
    %swap3A_24 = arith.index_cast %swap3A_23 : i32 to index
    %swap3A_25 = arith.constant 16 : index
    %swap3A_26 = tpu.vector_load %arg6[%swap3A_24, %swap3A_25] {strides = array<i32>} : memref<8x32xi32, #tpu.memory_space<vmem>>, vector<16xi32>,
    tpu.vector_store %arg6[%swap3A_24, %swap3A_25], %broadcast_in_dim3A_3 {strides = array<i32>} : memref<8x32xi32, #tpu.memory_space<vmem>>, vector<16xi32>,
    %swap3A_27 = arith.constant 3 : i32
    %swap3A_28 = arith.index_cast %swap3A_27 : i32 to index
    %swap3A_29 = arith.constant 0 : index
    %swap3A_30 = tpu.vector_load %arg6[%swap3A_28, %swap3A_29] {strides = array<i32>} : memref<8x32xi32, #tpu.memory_space<vmem>>, vector<16xi32>,
    tpu.vector_store %arg6[%swap3A_28, %swap3A_29], %broadcast_in_dim3A_3 {strides = array<i32>} : memref<8x32xi32, #tpu.memory_space<vmem>>, vector<16xi32>,
    %swap3A_31 = arith.constant 3 : i32
    %swap3A_32 = arith.index_cast %swap3A_31 : i32 to index
    %swap3A_33 = arith.constant 16 : index
    %swap3A_34 = tpu.vector_load %arg6[%swap3A_32, %swap3A_33] {strides = array<i32>} : memref<8x32xi32, #tpu.memory_space<vmem>>, vector<16xi32>,
    tpu.vector_store %arg6[%swap3A_32, %swap3A_33], %broadcast_in_dim3A_3 {strides = array<i32>} : memref<8x32xi32, #tpu.memory_space<vmem>>, vector<16xi32>,
    %swap3A_35 = arith.constant 4 : i32
    %swap3A_36 = arith.index_cast %swap3A_35 : i32 to index
    %swap3A_37 = arith.constant 0 : index
    %swap3A_38 = tpu.vector_load %arg6[%swap3A_36, %swap3A_37] {strides = array<i32>} : memref<8x32xi32, #tpu.memory_space<vmem>>, vector<16xi32>,
    tpu.vector_store %arg6[%swap3A_36, %swap3A_37], %broadcast_in_dim3A_3 {strides = array<i32>} : memref<8x32xi32, #tpu.memory_space<vmem>>, vector<16xi32>,
    %swap3A_39 = arith.constant 4 : i32
    %swap3A_40 = arith.index_cast %swap3A_39 : i32 to index
    %swap3A_41 = arith.constant 16 : index
    %swap3A_42 = tpu.vector_load %arg6[%swap3A_40, %swap3A_41] {strides = array<i32>} : memref<8x32xi32, #tpu.memory_space<vmem>>, vector<16xi32>,
    tpu.vector_store %arg6[%swap3A_40, %swap3A_41], %broadcast_in_dim3A_3 {strides = array<i32>} : memref<8x32xi32, #tpu.memory_space<vmem>>, vector<16xi32>,
    %swap3A_43 = arith.constant 5 : i32
    %swap3A_44 = arith.index_cast %swap3A_43 : i32 to index
    %swap3A_45 = arith.constant 0 : index
    %swap3A_46 = tpu.vector_load %arg6[%swap3A_44, %swap3A_45] {strides = array<i32>} : memref<8x32xi32, #tpu.memory_space<vmem>>, vector<16xi32>,
    tpu.vector_store %arg6[%swap3A_44, %swap3A_45], %broadcast_in_dim3A_3 {strides = array<i32>} : memref<8x32xi32, #tpu.memory_space<vmem>>, vector<16xi32>,
    %swap3A_47 = arith.constant 5 : i32
    %swap3A_48 = arith.index_cast %swap3A_47 : i32 to index
    %swap3A_49 = arith.constant 16 : index
    %swap3A_50 = tpu.vector_load %arg6[%swap3A_48, %swap3A_49] {strides = array<i32>} : memref<8x32xi32, #tpu.memory_space<vmem>>, vector<16xi32>,
    tpu.vector_store %arg6[%swap3A_48, %swap3A_49], %broadcast_in_dim3A_3 {strides = array<i32>} : memref<8x32xi32, #tpu.memory_space<vmem>>, vector<16xi32>,
    %swap3A_51 = arith.constant 6 : i32
    %swap3A_52 = arith.index_cast %swap3A_51 : i32 to index
    %swap3A_53 = arith.constant 0 : index
    %swap3A_54 = tpu.vector_load %arg6[%swap3A_52, %swap3A_53] {strides = array<i32>} : memref<8x32xi32, #tpu.memory_space<vmem>>, vector<16xi32>,
    tpu.vector_store %arg6[%swap3A_52, %swap3A_53], %broadcast_in_dim3A_3 {strides = array<i32>} : memref<8x32xi32, #tpu.memory_space<vmem>>, vector<16xi32>,
    %swap3A_55 = arith.constant 6 : i32
    %swap3A_56 = arith.index_cast %swap3A_55 : i32 to index
    %swap3A_57 = arith.constant 16 : index
    %swap3A_58 = tpu.vector_load %arg6[%swap3A_56, %swap3A_57] {strides = array<i32>} : memref<8x32xi32, #tpu.memory_space<vmem>>, vector<16xi32>,
    tpu.vector_store %arg6[%swap3A_56, %swap3A_57], %broadcast_in_dim3A_3 {strides = array<i32>} : memref<8x32xi32, #tpu.memory_space<vmem>>, vector<16xi32>,
    %swap3A_59 = arith.constant 7 : i32
    %swap3A_60 = arith.index_cast %swap3A_59 : i32 to index
    %swap3A_61 = arith.constant 0 : index
    %swap3A_62 = tpu.vector_load %arg6[%swap3A_60, %swap3A_61] {strides = array<i32>} : memref<8x32xi32, #tpu.memory_space<vmem>>, vector<16xi32>,
    tpu.vector_store %arg6[%swap3A_60, %swap3A_61], %broadcast_in_dim3A_3 {strides = array<i32>} : memref<8x32xi32, #tpu.memory_space<vmem>>, vector<16xi32>,
    %swap3A_63 = arith.constant 7 : i32
    %swap3A_64 = arith.index_cast %swap3A_63 : i32 to index
    %swap3A_65 = arith.constant 16 : index
    %swap3A_66 = tpu.vector_load %arg6[%swap3A_64, %swap3A_65] {strides = array<i32>} : memref<8x32xi32, #tpu.memory_space<vmem>>, vector<16xi32>,
    tpu.vector_store %arg6[%swap3A_64, %swap3A_65], %broadcast_in_dim3A_3 {strides = array<i32>} : memref<8x32xi32, #tpu.memory_space<vmem>>, vector<16xi32>,
    %scan3A = arith.constant 0 : i32
    %scan3A_67 = arith.constant 0 : i32
    %scan3A_68 = arith.constant 256 : i32
    %scan3A_69 = arith.addi %scan3A_67, %scan3A_68 : i32
    %scan3A_70 = arith.constant 1 : i32
    scf.for %scan3A_648 = %scan3A_67 to %scan3A_69 step %scan3A_70  : i32 {
      %mul3A_649 = arith.constant 16 : i32
      %mul3A_650 = arith.muli %scan3A_648, %mul3A_649 : i32
      %get3A_651 = arith.index_cast %mul3A_650 : i32 to index
      %get3A_652 = tpu.vector_load %arg5[%get3A_651] {strides = array<i32>} : memref<4096xi32, #tpu.memory_space<vmem>>, vector<16xi32>,
      %sub3A = vector.broadcast %multiple_of3A : i32 to vector<16xi32>
      %sub3A_653 = arith.subi %get3A_652, %sub3A : vector<16xi32>
      %ge3A_654 = arith.constant 0 : i32
      %ge3A_655 = vector.broadcast %ge3A_654 : i32 to vector<16xi32>
      %ge3A_656 = arith.cmpi sge, %sub3A_653, %ge3A_655 : vector<16xi32>
      %lt3A_657 = arith.constant 256 : i32
      %lt3A_658 = vector.broadcast %lt3A_657 : i32 to vector<16xi32>
      %lt3A_659 = arith.cmpi slt, %sub3A_653, %lt3A_658 : vector<16xi32>
      %and3A_660 = arith.andi %ge3A_656, %lt3A_659 : vector<16xi1>
      %jit3A = arith.constant 0 : i32
      %jit3A_661 = arith.constant 255 : i32
      %max3A = vector.broadcast %jit3A : i32 to vector<16xi32>
      %max3A_662 = arith.maxsi %max3A, %sub3A_653 : vector<16xi32>
      %min3A = vector.broadcast %jit3A_661 : i32 to vector<16xi32>
      %min3A_663 = arith.minsi %min3A, %max3A_662 : vector<16xi32>
      %iota3A_664 = tpu.iota {dimensions = array<i32: 0>} : vector<16xi32>
      %mul3A_665 = arith.constant 16 : i32
      %mul3A_666 = arith.muli %scan3A_648, %mul3A_665 : i32
      %add3A_667 = vector.broadcast %mul3A_666 : i32 to vector<16xi32>
      %add3A_668 = arith.addi %iota3A_664, %add3A_667 : vector<16xi32>
      %jit3A_669 = arith.constant 32 : i32
      %div3A = vector.broadcast %jit3A_669 : i32 to vector<16xi32>
      %div3A_670 = arith.divsi %min3A_663, %div3A : vector<16xi32>
      %sign3A = arith.constant 0 : i32
      %sign3A_671 = vector.broadcast %sign3A : i32 to vector<16xi32>
      %sign3A_672 = arith.cmpi sgt, %min3A_663, %sign3A_671 : vector<16xi32>
      %sign3A_673 = arith.extui %sign3A_672 : vector<16xi1> to vector<16xi32>
      %sign3A_674 = arith.constant 0 : i32
      %sign3A_675 = vector.broadcast %sign3A_674 : i32 to vector<16xi32>
      %sign3A_676 = arith.cmpi slt, %min3A_663, %sign3A_675 : vector<16xi32>
      %sign3A_677 = arith.extui %sign3A_676 : vector<16xi1> to vector<16xi32>
      %sign3A_678 = arith.subi %sign3A_673, %sign3A_677 : vector<16xi32>
      %sign3A_679 = arith.constant 0 : i32
      %sign3A_680 = arith.cmpi sgt, %jit3A_669, %sign3A_679 : i32
      %sign3A_681 = arith.extui %sign3A_680 : i1 to i32
      %sign3A_682 = arith.constant 0 : i32
      %sign3A_683 = arith.cmpi slt, %jit3A_669, %sign3A_682 : i32
      %sign3A_684 = arith.extui %sign3A_683 : i1 to i32
      %sign3A_685 = arith.subi %sign3A_681, %sign3A_684 : i32
      %ne3A = vector.broadcast %sign3A_685 : i32 to vector<16xi32>
      %ne3A_686 = arith.cmpi ne, %sign3A_678, %ne3A : vector<16xi32>
      %rem3A = vector.broadcast %jit3A_669 : i32 to vector<16xi32>
      %rem3A_687 = arith.remsi %min3A_663, %rem3A : vector<16xi32>
      %ne3A_688 = arith.constant 0 : i32
      %ne3A_689 = vector.broadcast %ne3A_688 : i32 to vector<16xi32>
      %ne3A_690 = arith.cmpi ne, %rem3A_687, %ne3A_689 : vector<16xi32>
      %and3A_691 = arith.andi %ne3A_686, %ne3A_690 : vector<16xi1>
      %sub3A_692 = arith.constant 1 : i32
      %sub3A_693 = vector.broadcast %sub3A_692 : i32 to vector<16xi32>
      %sub3A_694 = arith.subi %div3A_670, %sub3A_693 : vector<16xi32>
      %select_n3A_695 = arith.select %and3A_691, %sub3A_694, %div3A_670 : vector<16xi1>, vector<16xi32>
      %jit3A_696 = arith.constant 32 : i32
      %eq3A = arith.constant 0 : i32
      %eq3A_697 = arith.cmpi eq, %jit3A_696, %eq3A : i32
      %jit3A_698 = arith.constant 1 : i32
      %select_n3A_699 = arith.select %eq3A_697, %jit3A_698, %jit3A_696 : i32
      %rem3A_700 = vector.broadcast %select_n3A_699 : i32 to vector<16xi32>
      %rem3A_701 = arith.remsi %min3A_663, %rem3A_700 : vector<16xi32>
      %ne3A_702 = arith.constant 0 : i32
      %ne3A_703 = vector.broadcast %ne3A_702 : i32 to vector<16xi32>
      %ne3A_704 = arith.cmpi ne, %rem3A_701, %ne3A_703 : vector<16xi32>
      %lt3A_705 = arith.constant 0 : i32
      %lt3A_706 = vector.broadcast %lt3A_705 : i32 to vector<16xi32>
      %lt3A_707 = arith.cmpi slt, %rem3A_701, %lt3A_706 : vector<16xi32>
      %lt3A_708 = arith.constant 0 : i32
      %lt3A_709 = arith.cmpi slt, %select_n3A_699, %lt3A_708 : i32
      %ne3A_710 = vector.broadcast %lt3A_709 : i1 to vector<16xi1>
      %ne3A_711 = vector.broadcast %ne3A_710 : vector<16xi1> to vector<16xi1>
      %ne3A_712 = arith.xori %lt3A_707, %ne3A_711 : vector<16xi1>
      %and3A_713 = arith.andi %ne3A_712, %ne3A_704 : vector<16xi1>
      %add3A_714 = vector.broadcast %select_n3A_699 : i32 to vector<16xi32>
      %add3A_715 = arith.addi %rem3A_701, %add3A_714 : vector<16xi32>
      %select_n3A_716 = arith.select %and3A_713, %add3A_715, %rem3A_701 : vector<16xi1>, vector<16xi32>
      tpu.vector_store_idx %arg6[%select_n3A_695, %select_n3A_716], %add3A_668 masked %and3A_660 : memref<8x32xi32, #tpu.memory_space<vmem>>[vector<16xi32>, vector<16xi32>], vector<16xi32>, vector<16xi1>
    }
    %scan3A_71 = arith.constant 256 : i32
    %get3A = arith.constant 0 : i32
    %get3A_72 = arith.index_cast %get3A : i32 to index
    %get3A_73 = arith.constant 0 : index
    %get3A_74 = tpu.vector_load %arg6[%get3A_72, %get3A_73] {strides = array<i32>} : memref<8x32xi32, #tpu.memory_space<vmem>>, vector<16xi32>,
    %reduce_max3A = arith.constant true
    %reduce_max3A_75 = vector.broadcast %reduce_max3A : i1 to vector<16xi1>
    %reduce_max3A_76 = arith.constant -2147483648 : i32
    %reduce_max3A_77 = vector.broadcast %reduce_max3A_76 : i32 to vector<16xi32>
    %reduce_max3A_78 = arith.xori %get3A_74, %reduce_max3A_77 : vector<16xi32>
    %reduce_max3A_79 = tpu.scan <max>, %reduce_max3A_78 masked %reduce_max3A_75 : vector<16xi32>, vector<16xi1> -> vector<16xi32>
    %reduce_max3A_80 = arith.xori %reduce_max3A_79, %reduce_max3A_77 : vector<16xi32>
    %reduce_max3A_81 = vector.extract %reduce_max3A_80[15] : i32 from vector<16xi32>
    %ge3A = arith.constant 0 : i32
    %ge3A_82 = arith.cmpi sge, %reduce_max3A_81, %ge3A : i32
    %get3A_83 = arith.constant 0 : i32
    %get3A_84 = arith.index_cast %get3A_83 : i32 to index
    %get3A_85 = arith.constant 0 : index
    %get3A_86 = tpu.vector_load %arg6[%get3A_84, %get3A_85] {strides = array<i32>} : memref<8x32xi32, #tpu.memory_space<vmem>>, vector<16xi32>,
    %add3A_87 = arith.constant 0 : i32
    %add3A_88 = arith.addi %multiple_of3A, %add3A_87 : i32
    %add3A_89 = arith.constant 0 : i32
    %add3A_90 = arith.addi %add3A_88, %add3A_89 : i32
    %and3A = arith.constant 4095 : i32
    %and3A_91 = arith.andi %add3A_90, %and3A : i32
    %add3A_92 = vector.broadcast %and3A_91 : i32 to vector<16xi32>
    %add3A_93 = arith.addi %iota3A, %add3A_92 : vector<16xi32>
    %lt3A = arith.constant 0 : i32
    %lt3A_94 = vector.broadcast %lt3A : i32 to vector<16xi32>
    %lt3A_95 = arith.cmpi slt, %get3A_86, %lt3A_94 : vector<16xi32>
    %select_n3A = arith.select %lt3A_95, %add3A_93, %get3A_86 : vector<16xi1>, vector<16xi32>
    %swap3A_96 = arith.constant 0 : i32
    %swap3A_97 = arith.index_cast %swap3A_96 : i32 to index
    %swap3A_98 = arith.constant 0 : index
    %swap3A_99 = tpu.vector_load %arg6[%swap3A_97, %swap3A_98] {strides = array<i32>} : memref<8x32xi32, #tpu.memory_space<vmem>>, vector<16xi32>,
    tpu.vector_store %arg6[%swap3A_97, %swap3A_98], %select_n3A {strides = array<i32>} : memref<8x32xi32, #tpu.memory_space<vmem>>, vector<16xi32>,
    %get3A_100 = arith.constant 0 : i32
    %get3A_101 = arith.index_cast %get3A_100 : i32 to index
    %get3A_102 = arith.constant 16 : index
    %get3A_103 = tpu.vector_load %arg6[%get3A_101, %get3A_102] {strides = array<i32>} : memref<8x32xi32, #tpu.memory_space<vmem>>, vector<16xi32>,
    %add3A_104 = arith.constant 0 : i32
    %add3A_105 = arith.addi %multiple_of3A, %add3A_104 : i32
    %add3A_106 = arith.constant 16 : i32
    %add3A_107 = arith.addi %add3A_105, %add3A_106 : i32
    %and3A_108 = arith.constant 4095 : i32
    %and3A_109 = arith.andi %add3A_107, %and3A_108 : i32
    %add3A_110 = vector.broadcast %and3A_109 : i32 to vector<16xi32>
    %add3A_111 = arith.addi %iota3A, %add3A_110 : vector<16xi32>
    %lt3A_112 = arith.constant 0 : i32
    %lt3A_113 = vector.broadcast %lt3A_112 : i32 to vector<16xi32>
    %lt3A_114 = arith.cmpi slt, %get3A_103, %lt3A_113 : vector<16xi32>
    %select_n3A_115 = arith.select %lt3A_114, %add3A_111, %get3A_103 : vector<16xi1>, vector<16xi32>
    %swap3A_116 = arith.constant 0 : i32
    %swap3A_117 = arith.index_cast %swap3A_116 : i32 to index
    %swap3A_118 = arith.constant 16 : index
    %swap3A_119 = tpu.vector_load %arg6[%swap3A_117, %swap3A_118] {strides = array<i32>} : memref<8x32xi32, #tpu.memory_space<vmem>>, vector<16xi32>,
    tpu.vector_store %arg6[%swap3A_117, %swap3A_118], %select_n3A_115 {strides = array<i32>} : memref<8x32xi32, #tpu.memory_space<vmem>>, vector<16xi32>,
    %get3A_120 = arith.constant 1 : i32
    %get3A_121 = arith.index_cast %get3A_120 : i32 to index
    %get3A_122 = arith.constant 0 : index
    %get3A_123 = tpu.vector_load %arg6[%get3A_121, %get3A_122] {strides = array<i32>} : memref<8x32xi32, #tpu.memory_space<vmem>>, vector<16xi32>,
    %reduce_max3A_124 = arith.constant true
    %reduce_max3A_125 = vector.broadcast %reduce_max3A_124 : i1 to vector<16xi1>
    %reduce_max3A_126 = arith.constant -2147483648 : i32
    %reduce_max3A_127 = vector.broadcast %reduce_max3A_126 : i32 to vector<16xi32>
    %reduce_max3A_128 = arith.xori %get3A_123, %reduce_max3A_127 : vector<16xi32>
    %reduce_max3A_129 = tpu.scan <max>, %reduce_max3A_128 masked %reduce_max3A_125 : vector<16xi32>, vector<16xi1> -> vector<16xi32>
    %reduce_max3A_130 = arith.xori %reduce_max3A_129, %reduce_max3A_127 : vector<16xi32>
    %reduce_max3A_131 = vector.extract %reduce_max3A_130[15] : i32 from vector<16xi32>
    %ge3A_132 = arith.constant 0 : i32
    %ge3A_133 = arith.cmpi sge, %reduce_max3A_131, %ge3A_132 : i32
    %get3A_134 = arith.constant 1 : i32
    %get3A_135 = arith.index_cast %get3A_134 : i32 to index
    %get3A_136 = arith.constant 0 : index
    %get3A_137 = tpu.vector_load %arg6[%get3A_135, %get3A_136] {strides = array<i32>} : memref<8x32xi32, #tpu.memory_space<vmem>>, vector<16xi32>,
    %add3A_138 = arith.constant 32 : i32
    %add3A_139 = arith.addi %multiple_of3A, %add3A_138 : i32
    %add3A_140 = arith.constant 0 : i32
    %add3A_141 = arith.addi %add3A_139, %add3A_140 : i32
    %and3A_142 = arith.constant 4095 : i32
    %and3A_143 = arith.andi %add3A_141, %and3A_142 : i32
    %add3A_144 = vector.broadcast %and3A_143 : i32 to vector<16xi32>
    %add3A_145 = arith.addi %iota3A, %add3A_144 : vector<16xi32>
    %lt3A_146 = arith.constant 0 : i32
    %lt3A_147 = vector.broadcast %lt3A_146 : i32 to vector<16xi32>
    %lt3A_148 = arith.cmpi slt, %get3A_137, %lt3A_147 : vector<16xi32>
    %select_n3A_149 = arith.select %lt3A_148, %add3A_145, %get3A_137 : vector<16xi1>, vector<16xi32>
    %swap3A_150 = arith.constant 1 : i32
    %swap3A_151 = arith.index_cast %swap3A_150 : i32 to index
    %swap3A_152 = arith.constant 0 : index
    %swap3A_153 = tpu.vector_load %arg6[%swap3A_151, %swap3A_152] {strides = array<i32>} : memref<8x32xi32, #tpu.memory_space<vmem>>, vector<16xi32>,
    tpu.vector_store %arg6[%swap3A_151, %swap3A_152], %select_n3A_149 {strides = array<i32>} : memref<8x32xi32, #tpu.memory_space<vmem>>, vector<16xi32>,
    %get3A_154 = arith.constant 1 : i32
    %get3A_155 = arith.index_cast %get3A_154 : i32 to index
    %get3A_156 = arith.constant 16 : index
    %get3A_157 = tpu.vector_load %arg6[%get3A_155, %get3A_156] {strides = array<i32>} : memref<8x32xi32, #tpu.memory_space<vmem>>, vector<16xi32>,
    %add3A_158 = arith.constant 32 : i32
    %add3A_159 = arith.addi %multiple_of3A, %add3A_158 : i32
    %add3A_160 = arith.constant 16 : i32
    %add3A_161 = arith.addi %add3A_159, %add3A_160 : i32
    %and3A_162 = arith.constant 4095 : i32
    %and3A_163 = arith.andi %add3A_161, %and3A_162 : i32
    %add3A_164 = vector.broadcast %and3A_163 : i32 to vector<16xi32>
    %add3A_165 = arith.addi %iota3A, %add3A_164 : vector<16xi32>
    %lt3A_166 = arith.constant 0 : i32
    %lt3A_167 = vector.broadcast %lt3A_166 : i32 to vector<16xi32>
    %lt3A_168 = arith.cmpi slt, %get3A_157, %lt3A_167 : vector<16xi32>
    %select_n3A_169 = arith.select %lt3A_168, %add3A_165, %get3A_157 : vector<16xi1>, vector<16xi32>
    %swap3A_170 = arith.constant 1 : i32
    %swap3A_171 = arith.index_cast %swap3A_170 : i32 to index
    %swap3A_172 = arith.constant 16 : index
    %swap3A_173 = tpu.vector_load %arg6[%swap3A_171, %swap3A_172] {strides = array<i32>} : memref<8x32xi32, #tpu.memory_space<vmem>>, vector<16xi32>,
    tpu.vector_store %arg6[%swap3A_171, %swap3A_172], %select_n3A_169 {strides = array<i32>} : memref<8x32xi32, #tpu.memory_space<vmem>>, vector<16xi32>,
    %get3A_174 = arith.constant 2 : i32
    %get3A_175 = arith.index_cast %get3A_174 : i32 to index
    %get3A_176 = arith.constant 0 : index
    %get3A_177 = tpu.vector_load %arg6[%get3A_175, %get3A_176] {strides = array<i32>} : memref<8x32xi32, #tpu.memory_space<vmem>>, vector<16xi32>,
    %reduce_max3A_178 = arith.constant true
    %reduce_max3A_179 = vector.broadcast %reduce_max3A_178 : i1 to vector<16xi1>
    %reduce_max3A_180 = arith.constant -2147483648 : i32
    %reduce_max3A_181 = vector.broadcast %reduce_max3A_180 : i32 to vector<16xi32>
    %reduce_max3A_182 = arith.xori %get3A_177, %reduce_max3A_181 : vector<16xi32>
    %reduce_max3A_183 = tpu.scan <max>, %reduce_max3A_182 masked %reduce_max3A_179 : vector<16xi32>, vector<16xi1> -> vector<16xi32>
    %reduce_max3A_184 = arith.xori %reduce_max3A_183, %reduce_max3A_181 : vector<16xi32>
    %reduce_max3A_185 = vector.extract %reduce_max3A_184[15] : i32 from vector<16xi32>
    %ge3A_186 = arith.constant 0 : i32
    %ge3A_187 = arith.cmpi sge, %reduce_max3A_185, %ge3A_186 : i32
    %get3A_188 = arith.constant 2 : i32
    %get3A_189 = arith.index_cast %get3A_188 : i32 to index
    %get3A_190 = arith.constant 0 : index
    %get3A_191 = tpu.vector_load %arg6[%get3A_189, %get3A_190] {strides = array<i32>} : memref<8x32xi32, #tpu.memory_space<vmem>>, vector<16xi32>,
    %add3A_192 = arith.constant 64 : i32
    %add3A_193 = arith.addi %multiple_of3A, %add3A_192 : i32
    %add3A_194 = arith.constant 0 : i32
    %add3A_195 = arith.addi %add3A_193, %add3A_194 : i32
    %and3A_196 = arith.constant 4095 : i32
    %and3A_197 = arith.andi %add3A_195, %and3A_196 : i32
    %add3A_198 = vector.broadcast %and3A_197 : i32 to vector<16xi32>
    %add3A_199 = arith.addi %iota3A, %add3A_198 : vector<16xi32>
    %lt3A_200 = arith.constant 0 : i32
    %lt3A_201 = vector.broadcast %lt3A_200 : i32 to vector<16xi32>
    %lt3A_202 = arith.cmpi slt, %get3A_191, %lt3A_201 : vector<16xi32>
    %select_n3A_203 = arith.select %lt3A_202, %add3A_199, %get3A_191 : vector<16xi1>, vector<16xi32>
    %swap3A_204 = arith.constant 2 : i32
    %swap3A_205 = arith.index_cast %swap3A_204 : i32 to index
    %swap3A_206 = arith.constant 0 : index
    %swap3A_207 = tpu.vector_load %arg6[%swap3A_205, %swap3A_206] {strides = array<i32>} : memref<8x32xi32, #tpu.memory_space<vmem>>, vector<16xi32>,
    tpu.vector_store %arg6[%swap3A_205, %swap3A_206], %select_n3A_203 {strides = array<i32>} : memref<8x32xi32, #tpu.memory_space<vmem>>, vector<16xi32>,
    %get3A_208 = arith.constant 2 : i32
    %get3A_209 = arith.index_cast %get3A_208 : i32 to index
    %get3A_210 = arith.constant 16 : index
    %get3A_211 = tpu.vector_load %arg6[%get3A_209, %get3A_210] {strides = array<i32>} : memref<8x32xi32, #tpu.memory_space<vmem>>, vector<16xi32>,
    %add3A_212 = arith.constant 64 : i32
    %add3A_213 = arith.addi %multiple_of3A, %add3A_212 : i32
    %add3A_214 = arith.constant 16 : i32
    %add3A_215 = arith.addi %add3A_213, %add3A_214 : i32
    %and3A_216 = arith.constant 4095 : i32
    %and3A_217 = arith.andi %add3A_215, %and3A_216 : i32
    %add3A_218 = vector.broadcast %and3A_217 : i32 to vector<16xi32>
    %add3A_219 = arith.addi %iota3A, %add3A_218 : vector<16xi32>
    %lt3A_220 = arith.constant 0 : i32
    %lt3A_221 = vector.broadcast %lt3A_220 : i32 to vector<16xi32>
    %lt3A_222 = arith.cmpi slt, %get3A_211, %lt3A_221 : vector<16xi32>
    %select_n3A_223 = arith.select %lt3A_222, %add3A_219, %get3A_211 : vector<16xi1>, vector<16xi32>
    %swap3A_224 = arith.constant 2 : i32
    %swap3A_225 = arith.index_cast %swap3A_224 : i32 to index
    %swap3A_226 = arith.constant 16 : index
    %swap3A_227 = tpu.vector_load %arg6[%swap3A_225, %swap3A_226] {strides = array<i32>} : memref<8x32xi32, #tpu.memory_space<vmem>>, vector<16xi32>,
    tpu.vector_store %arg6[%swap3A_225, %swap3A_226], %select_n3A_223 {strides = array<i32>} : memref<8x32xi32, #tpu.memory_space<vmem>>, vector<16xi32>,
    %get3A_228 = arith.constant 3 : i32
    %get3A_229 = arith.index_cast %get3A_228 : i32 to index
    %get3A_230 = arith.constant 0 : index
    %get3A_231 = tpu.vector_load %arg6[%get3A_229, %get3A_230] {strides = array<i32>} : memref<8x32xi32, #tpu.memory_space<vmem>>, vector<16xi32>,
    %reduce_max3A_232 = arith.constant true
    %reduce_max3A_233 = vector.broadcast %reduce_max3A_232 : i1 to vector<16xi1>
    %reduce_max3A_234 = arith.constant -2147483648 : i32
    %reduce_max3A_235 = vector.broadcast %reduce_max3A_234 : i32 to vector<16xi32>
    %reduce_max3A_236 = arith.xori %get3A_231, %reduce_max3A_235 : vector<16xi32>
    %reduce_max3A_237 = tpu.scan <max>, %reduce_max3A_236 masked %reduce_max3A_233 : vector<16xi32>, vector<16xi1> -> vector<16xi32>
    %reduce_max3A_238 = arith.xori %reduce_max3A_237, %reduce_max3A_235 : vector<16xi32>
    %reduce_max3A_239 = vector.extract %reduce_max3A_238[15] : i32 from vector<16xi32>
    %ge3A_240 = arith.constant 0 : i32
    %ge3A_241 = arith.cmpi sge, %reduce_max3A_239, %ge3A_240 : i32
    %get3A_242 = arith.constant 3 : i32
    %get3A_243 = arith.index_cast %get3A_242 : i32 to index
    %get3A_244 = arith.constant 0 : index
    %get3A_245 = tpu.vector_load %arg6[%get3A_243, %get3A_244] {strides = array<i32>} : memref<8x32xi32, #tpu.memory_space<vmem>>, vector<16xi32>,
    %add3A_246 = arith.constant 96 : i32
    %add3A_247 = arith.addi %multiple_of3A, %add3A_246 : i32
    %add3A_248 = arith.constant 0 : i32
    %add3A_249 = arith.addi %add3A_247, %add3A_248 : i32
    %and3A_250 = arith.constant 4095 : i32
    %and3A_251 = arith.andi %add3A_249, %and3A_250 : i32
    %add3A_252 = vector.broadcast %and3A_251 : i32 to vector<16xi32>
    %add3A_253 = arith.addi %iota3A, %add3A_252 : vector<16xi32>
    %lt3A_254 = arith.constant 0 : i32
    %lt3A_255 = vector.broadcast %lt3A_254 : i32 to vector<16xi32>
    %lt3A_256 = arith.cmpi slt, %get3A_245, %lt3A_255 : vector<16xi32>
    %select_n3A_257 = arith.select %lt3A_256, %add3A_253, %get3A_245 : vector<16xi1>, vector<16xi32>
    %swap3A_258 = arith.constant 3 : i32
    %swap3A_259 = arith.index_cast %swap3A_258 : i32 to index
    %swap3A_260 = arith.constant 0 : index
    %swap3A_261 = tpu.vector_load %arg6[%swap3A_259, %swap3A_260] {strides = array<i32>} : memref<8x32xi32, #tpu.memory_space<vmem>>, vector<16xi32>,
    tpu.vector_store %arg6[%swap3A_259, %swap3A_260], %select_n3A_257 {strides = array<i32>} : memref<8x32xi32, #tpu.memory_space<vmem>>, vector<16xi32>,
    %get3A_262 = arith.constant 3 : i32
    %get3A_263 = arith.index_cast %get3A_262 : i32 to index
    %get3A_264 = arith.constant 16 : index
    %get3A_265 = tpu.vector_load %arg6[%get3A_263, %get3A_264] {strides = array<i32>} : memref<8x32xi32, #tpu.memory_space<vmem>>, vector<16xi32>,
    %add3A_266 = arith.constant 96 : i32
    %add3A_267 = arith.addi %multiple_of3A, %add3A_266 : i32
    %add3A_268 = arith.constant 16 : i32
    %add3A_269 = arith.addi %add3A_267, %add3A_268 : i32
    %and3A_270 = arith.constant 4095 : i32
    %and3A_271 = arith.andi %add3A_269, %and3A_270 : i32
    %add3A_272 = vector.broadcast %and3A_271 : i32 to vector<16xi32>
    %add3A_273 = arith.addi %iota3A, %add3A_272 : vector<16xi32>
    %lt3A_274 = arith.constant 0 : i32
    %lt3A_275 = vector.broadcast %lt3A_274 : i32 to vector<16xi32>
    %lt3A_276 = arith.cmpi slt, %get3A_265, %lt3A_275 : vector<16xi32>
    %select_n3A_277 = arith.select %lt3A_276, %add3A_273, %get3A_265 : vector<16xi1>, vector<16xi32>
    %swap3A_278 = arith.constant 3 : i32
    %swap3A_279 = arith.index_cast %swap3A_278 : i32 to index
    %swap3A_280 = arith.constant 16 : index
    %swap3A_281 = tpu.vector_load %arg6[%swap3A_279, %swap3A_280] {strides = array<i32>} : memref<8x32xi32, #tpu.memory_space<vmem>>, vector<16xi32>,
    tpu.vector_store %arg6[%swap3A_279, %swap3A_280], %select_n3A_277 {strides = array<i32>} : memref<8x32xi32, #tpu.memory_space<vmem>>, vector<16xi32>,
    %get3A_282 = arith.constant 4 : i32
    %get3A_283 = arith.index_cast %get3A_282 : i32 to index
    %get3A_284 = arith.constant 0 : index
    %get3A_285 = tpu.vector_load %arg6[%get3A_283, %get3A_284] {strides = array<i32>} : memref<8x32xi32, #tpu.memory_space<vmem>>, vector<16xi32>,
    %reduce_max3A_286 = arith.constant true
    %reduce_max3A_287 = vector.broadcast %reduce_max3A_286 : i1 to vector<16xi1>
    %reduce_max3A_288 = arith.constant -2147483648 : i32
    %reduce_max3A_289 = vector.broadcast %reduce_max3A_288 : i32 to vector<16xi32>
    %reduce_max3A_290 = arith.xori %get3A_285, %reduce_max3A_289 : vector<16xi32>
    %reduce_max3A_291 = tpu.scan <max>, %reduce_max3A_290 masked %reduce_max3A_287 : vector<16xi32>, vector<16xi1> -> vector<16xi32>
    %reduce_max3A_292 = arith.xori %reduce_max3A_291, %reduce_max3A_289 : vector<16xi32>
    %reduce_max3A_293 = vector.extract %reduce_max3A_292[15] : i32 from vector<16xi32>
    %ge3A_294 = arith.constant 0 : i32
    %ge3A_295 = arith.cmpi sge, %reduce_max3A_293, %ge3A_294 : i32
    %get3A_296 = arith.constant 4 : i32
    %get3A_297 = arith.index_cast %get3A_296 : i32 to index
    %get3A_298 = arith.constant 0 : index
    %get3A_299 = tpu.vector_load %arg6[%get3A_297, %get3A_298] {strides = array<i32>} : memref<8x32xi32, #tpu.memory_space<vmem>>, vector<16xi32>,
    %add3A_300 = arith.constant 128 : i32
    %add3A_301 = arith.addi %multiple_of3A, %add3A_300 : i32
    %add3A_302 = arith.constant 0 : i32
    %add3A_303 = arith.addi %add3A_301, %add3A_302 : i32
    %and3A_304 = arith.constant 4095 : i32
    %and3A_305 = arith.andi %add3A_303, %and3A_304 : i32
    %add3A_306 = vector.broadcast %and3A_305 : i32 to vector<16xi32>
    %add3A_307 = arith.addi %iota3A, %add3A_306 : vector<16xi32>
    %lt3A_308 = arith.constant 0 : i32
    %lt3A_309 = vector.broadcast %lt3A_308 : i32 to vector<16xi32>
    %lt3A_310 = arith.cmpi slt, %get3A_299, %lt3A_309 : vector<16xi32>
    %select_n3A_311 = arith.select %lt3A_310, %add3A_307, %get3A_299 : vector<16xi1>, vector<16xi32>
    %swap3A_312 = arith.constant 4 : i32
    %swap3A_313 = arith.index_cast %swap3A_312 : i32 to index
    %swap3A_314 = arith.constant 0 : index
    %swap3A_315 = tpu.vector_load %arg6[%swap3A_313, %swap3A_314] {strides = array<i32>} : memref<8x32xi32, #tpu.memory_space<vmem>>, vector<16xi32>,
    tpu.vector_store %arg6[%swap3A_313, %swap3A_314], %select_n3A_311 {strides = array<i32>} : memref<8x32xi32, #tpu.memory_space<vmem>>, vector<16xi32>,
    %get3A_316 = arith.constant 4 : i32
    %get3A_317 = arith.index_cast %get3A_316 : i32 to index
    %get3A_318 = arith.constant 16 : index
    %get3A_319 = tpu.vector_load %arg6[%get3A_317, %get3A_318] {strides = array<i32>} : memref<8x32xi32, #tpu.memory_space<vmem>>, vector<16xi32>,
    %add3A_320 = arith.constant 128 : i32
    %add3A_321 = arith.addi %multiple_of3A, %add3A_320 : i32
    %add3A_322 = arith.constant 16 : i32
    %add3A_323 = arith.addi %add3A_321, %add3A_322 : i32
    %and3A_324 = arith.constant 4095 : i32
    %and3A_325 = arith.andi %add3A_323, %and3A_324 : i32
    %add3A_326 = vector.broadcast %and3A_325 : i32 to vector<16xi32>
    %add3A_327 = arith.addi %iota3A, %add3A_326 : vector<16xi32>
    %lt3A_328 = arith.constant 0 : i32
    %lt3A_329 = vector.broadcast %lt3A_328 : i32 to vector<16xi32>
    %lt3A_330 = arith.cmpi slt, %get3A_319, %lt3A_329 : vector<16xi32>
    %select_n3A_331 = arith.select %lt3A_330, %add3A_327, %get3A_319 : vector<16xi1>, vector<16xi32>
    %swap3A_332 = arith.constant 4 : i32
    %swap3A_333 = arith.index_cast %swap3A_332 : i32 to index
    %swap3A_334 = arith.constant 16 : index
    %swap3A_335 = tpu.vector_load %arg6[%swap3A_333, %swap3A_334] {strides = array<i32>} : memref<8x32xi32, #tpu.memory_space<vmem>>, vector<16xi32>,
    tpu.vector_store %arg6[%swap3A_333, %swap3A_334], %select_n3A_331 {strides = array<i32>} : memref<8x32xi32, #tpu.memory_space<vmem>>, vector<16xi32>,
    %get3A_336 = arith.constant 5 : i32
    %get3A_337 = arith.index_cast %get3A_336 : i32 to index
    %get3A_338 = arith.constant 0 : index
    %get3A_339 = tpu.vector_load %arg6[%get3A_337, %get3A_338] {strides = array<i32>} : memref<8x32xi32, #tpu.memory_space<vmem>>, vector<16xi32>,
    %reduce_max3A_340 = arith.constant true
    %reduce_max3A_341 = vector.broadcast %reduce_max3A_340 : i1 to vector<16xi1>
    %reduce_max3A_342 = arith.constant -2147483648 : i32
    %reduce_max3A_343 = vector.broadcast %reduce_max3A_342 : i32 to vector<16xi32>
    %reduce_max3A_344 = arith.xori %get3A_339, %reduce_max3A_343 : vector<16xi32>
    %reduce_max3A_345 = tpu.scan <max>, %reduce_max3A_344 masked %reduce_max3A_341 : vector<16xi32>, vector<16xi1> -> vector<16xi32>
    %reduce_max3A_346 = arith.xori %reduce_max3A_345, %reduce_max3A_343 : vector<16xi32>
    %reduce_max3A_347 = vector.extract %reduce_max3A_346[15] : i32 from vector<16xi32>
    %ge3A_348 = arith.constant 0 : i32
    %ge3A_349 = arith.cmpi sge, %reduce_max3A_347, %ge3A_348 : i32
    %get3A_350 = arith.constant 5 : i32
    %get3A_351 = arith.index_cast %get3A_350 : i32 to index
    %get3A_352 = arith.constant 0 : index
    %get3A_353 = tpu.vector_load %arg6[%get3A_351, %get3A_352] {strides = array<i32>} : memref<8x32xi32, #tpu.memory_space<vmem>>, vector<16xi32>,
    %add3A_354 = arith.constant 160 : i32
    %add3A_355 = arith.addi %multiple_of3A, %add3A_354 : i32
    %add3A_356 = arith.constant 0 : i32
    %add3A_357 = arith.addi %add3A_355, %add3A_356 : i32
    %and3A_358 = arith.constant 4095 : i32
    %and3A_359 = arith.andi %add3A_357, %and3A_358 : i32
    %add3A_360 = vector.broadcast %and3A_359 : i32 to vector<16xi32>
    %add3A_361 = arith.addi %iota3A, %add3A_360 : vector<16xi32>
    %lt3A_362 = arith.constant 0 : i32
    %lt3A_363 = vector.broadcast %lt3A_362 : i32 to vector<16xi32>
    %lt3A_364 = arith.cmpi slt, %get3A_353, %lt3A_363 : vector<16xi32>
    %select_n3A_365 = arith.select %lt3A_364, %add3A_361, %get3A_353 : vector<16xi1>, vector<16xi32>
    %swap3A_366 = arith.constant 5 : i32
    %swap3A_367 = arith.index_cast %swap3A_366 : i32 to index
    %swap3A_368 = arith.constant 0 : index
    %swap3A_369 = tpu.vector_load %arg6[%swap3A_367, %swap3A_368] {strides = array<i32>} : memref<8x32xi32, #tpu.memory_space<vmem>>, vector<16xi32>,
    tpu.vector_store %arg6[%swap3A_367, %swap3A_368], %select_n3A_365 {strides = array<i32>} : memref<8x32xi32, #tpu.memory_space<vmem>>, vector<16xi32>,
    %get3A_370 = arith.constant 5 : i32
    %get3A_371 = arith.index_cast %get3A_370 : i32 to index
    %get3A_372 = arith.constant 16 : index
    %get3A_373 = tpu.vector_load %arg6[%get3A_371, %get3A_372] {strides = array<i32>} : memref<8x32xi32, #tpu.memory_space<vmem>>, vector<16xi32>,
    %add3A_374 = arith.constant 160 : i32
    %add3A_375 = arith.addi %multiple_of3A, %add3A_374 : i32
    %add3A_376 = arith.constant 16 : i32
    %add3A_377 = arith.addi %add3A_375, %add3A_376 : i32
    %and3A_378 = arith.constant 4095 : i32
    %and3A_379 = arith.andi %add3A_377, %and3A_378 : i32
    %add3A_380 = vector.broadcast %and3A_379 : i32 to vector<16xi32>
    %add3A_381 = arith.addi %iota3A, %add3A_380 : vector<16xi32>
    %lt3A_382 = arith.constant 0 : i32
    %lt3A_383 = vector.broadcast %lt3A_382 : i32 to vector<16xi32>
    %lt3A_384 = arith.cmpi slt, %get3A_373, %lt3A_383 : vector<16xi32>
    %select_n3A_385 = arith.select %lt3A_384, %add3A_381, %get3A_373 : vector<16xi1>, vector<16xi32>
    %swap3A_386 = arith.constant 5 : i32
    %swap3A_387 = arith.index_cast %swap3A_386 : i32 to index
    %swap3A_388 = arith.constant 16 : index
    %swap3A_389 = tpu.vector_load %arg6[%swap3A_387, %swap3A_388] {strides = array<i32>} : memref<8x32xi32, #tpu.memory_space<vmem>>, vector<16xi32>,
    tpu.vector_store %arg6[%swap3A_387, %swap3A_388], %select_n3A_385 {strides = array<i32>} : memref<8x32xi32, #tpu.memory_space<vmem>>, vector<16xi32>,
    %get3A_390 = arith.constant 6 : i32
    %get3A_391 = arith.index_cast %get3A_390 : i32 to index
    %get3A_392 = arith.constant 0 : index
    %get3A_393 = tpu.vector_load %arg6[%get3A_391, %get3A_392] {strides = array<i32>} : memref<8x32xi32, #tpu.memory_space<vmem>>, vector<16xi32>,
    %reduce_max3A_394 = arith.constant true
    %reduce_max3A_395 = vector.broadcast %reduce_max3A_394 : i1 to vector<16xi1>
    %reduce_max3A_396 = arith.constant -2147483648 : i32
    %reduce_max3A_397 = vector.broadcast %reduce_max3A_396 : i32 to vector<16xi32>
    %reduce_max3A_398 = arith.xori %get3A_393, %reduce_max3A_397 : vector<16xi32>
    %reduce_max3A_399 = tpu.scan <max>, %reduce_max3A_398 masked %reduce_max3A_395 : vector<16xi32>, vector<16xi1> -> vector<16xi32>
    %reduce_max3A_400 = arith.xori %reduce_max3A_399, %reduce_max3A_397 : vector<16xi32>
    %reduce_max3A_401 = vector.extract %reduce_max3A_400[15] : i32 from vector<16xi32>
    %ge3A_402 = arith.constant 0 : i32
    %ge3A_403 = arith.cmpi sge, %reduce_max3A_401, %ge3A_402 : i32
    %get3A_404 = arith.constant 6 : i32
    %get3A_405 = arith.index_cast %get3A_404 : i32 to index
    %get3A_406 = arith.constant 0 : index
    %get3A_407 = tpu.vector_load %arg6[%get3A_405, %get3A_406] {strides = array<i32>} : memref<8x32xi32, #tpu.memory_space<vmem>>, vector<16xi32>,
    %add3A_408 = arith.constant 192 : i32
    %add3A_409 = arith.addi %multiple_of3A, %add3A_408 : i32
    %add3A_410 = arith.constant 0 : i32
    %add3A_411 = arith.addi %add3A_409, %add3A_410 : i32
    %and3A_412 = arith.constant 4095 : i32
    %and3A_413 = arith.andi %add3A_411, %and3A_412 : i32
    %add3A_414 = vector.broadcast %and3A_413 : i32 to vector<16xi32>
    %add3A_415 = arith.addi %iota3A, %add3A_414 : vector<16xi32>
    %lt3A_416 = arith.constant 0 : i32
    %lt3A_417 = vector.broadcast %lt3A_416 : i32 to vector<16xi32>
    %lt3A_418 = arith.cmpi slt, %get3A_407, %lt3A_417 : vector<16xi32>
    %select_n3A_419 = arith.select %lt3A_418, %add3A_415, %get3A_407 : vector<16xi1>, vector<16xi32>
    %swap3A_420 = arith.constant 6 : i32
    %swap3A_421 = arith.index_cast %swap3A_420 : i32 to index
    %swap3A_422 = arith.constant 0 : index
    %swap3A_423 = tpu.vector_load %arg6[%swap3A_421, %swap3A_422] {strides = array<i32>} : memref<8x32xi32, #tpu.memory_space<vmem>>, vector<16xi32>,
    tpu.vector_store %arg6[%swap3A_421, %swap3A_422], %select_n3A_419 {strides = array<i32>} : memref<8x32xi32, #tpu.memory_space<vmem>>, vector<16xi32>,
    %get3A_424 = arith.constant 6 : i32
    %get3A_425 = arith.index_cast %get3A_424 : i32 to index
    %get3A_426 = arith.constant 16 : index
    %get3A_427 = tpu.vector_load %arg6[%get3A_425, %get3A_426] {strides = array<i32>} : memref<8x32xi32, #tpu.memory_space<vmem>>, vector<16xi32>,
    %add3A_428 = arith.constant 192 : i32
    %add3A_429 = arith.addi %multiple_of3A, %add3A_428 : i32
    %add3A_430 = arith.constant 16 : i32
    %add3A_431 = arith.addi %add3A_429, %add3A_430 : i32
    %and3A_432 = arith.constant 4095 : i32
    %and3A_433 = arith.andi %add3A_431, %and3A_432 : i32
    %add3A_434 = vector.broadcast %and3A_433 : i32 to vector<16xi32>
    %add3A_435 = arith.addi %iota3A, %add3A_434 : vector<16xi32>
    %lt3A_436 = arith.constant 0 : i32
    %lt3A_437 = vector.broadcast %lt3A_436 : i32 to vector<16xi32>
    %lt3A_438 = arith.cmpi slt, %get3A_427, %lt3A_437 : vector<16xi32>
    %select_n3A_439 = arith.select %lt3A_438, %add3A_435, %get3A_427 : vector<16xi1>, vector<16xi32>
    %swap3A_440 = arith.constant 6 : i32
    %swap3A_441 = arith.index_cast %swap3A_440 : i32 to index
    %swap3A_442 = arith.constant 16 : index
    %swap3A_443 = tpu.vector_load %arg6[%swap3A_441, %swap3A_442] {strides = array<i32>} : memref<8x32xi32, #tpu.memory_space<vmem>>, vector<16xi32>,
    tpu.vector_store %arg6[%swap3A_441, %swap3A_442], %select_n3A_439 {strides = array<i32>} : memref<8x32xi32, #tpu.memory_space<vmem>>, vector<16xi32>,
    %get3A_444 = arith.constant 7 : i32
    %get3A_445 = arith.index_cast %get3A_444 : i32 to index
    %get3A_446 = arith.constant 0 : index
    %get3A_447 = tpu.vector_load %arg6[%get3A_445, %get3A_446] {strides = array<i32>} : memref<8x32xi32, #tpu.memory_space<vmem>>, vector<16xi32>,
    %reduce_max3A_448 = arith.constant true
    %reduce_max3A_449 = vector.broadcast %reduce_max3A_448 : i1 to vector<16xi1>
    %reduce_max3A_450 = arith.constant -2147483648 : i32
    %reduce_max3A_451 = vector.broadcast %reduce_max3A_450 : i32 to vector<16xi32>
    %reduce_max3A_452 = arith.xori %get3A_447, %reduce_max3A_451 : vector<16xi32>
    %reduce_max3A_453 = tpu.scan <max>, %reduce_max3A_452 masked %reduce_max3A_449 : vector<16xi32>, vector<16xi1> -> vector<16xi32>
    %reduce_max3A_454 = arith.xori %reduce_max3A_453, %reduce_max3A_451 : vector<16xi32>
    %reduce_max3A_455 = vector.extract %reduce_max3A_454[15] : i32 from vector<16xi32>
    %ge3A_456 = arith.constant 0 : i32
    %ge3A_457 = arith.cmpi sge, %reduce_max3A_455, %ge3A_456 : i32
    %get3A_458 = arith.constant 7 : i32
    %get3A_459 = arith.index_cast %get3A_458 : i32 to index
    %get3A_460 = arith.constant 0 : index
    %get3A_461 = tpu.vector_load %arg6[%get3A_459, %get3A_460] {strides = array<i32>} : memref<8x32xi32, #tpu.memory_space<vmem>>, vector<16xi32>,
    %add3A_462 = arith.constant 224 : i32
    %add3A_463 = arith.addi %multiple_of3A, %add3A_462 : i32
    %add3A_464 = arith.constant 0 : i32
    %add3A_465 = arith.addi %add3A_463, %add3A_464 : i32
    %and3A_466 = arith.constant 4095 : i32
    %and3A_467 = arith.andi %add3A_465, %and3A_466 : i32
    %add3A_468 = vector.broadcast %and3A_467 : i32 to vector<16xi32>
    %add3A_469 = arith.addi %iota3A, %add3A_468 : vector<16xi32>
    %lt3A_470 = arith.constant 0 : i32
    %lt3A_471 = vector.broadcast %lt3A_470 : i32 to vector<16xi32>
    %lt3A_472 = arith.cmpi slt, %get3A_461, %lt3A_471 : vector<16xi32>
    %select_n3A_473 = arith.select %lt3A_472, %add3A_469, %get3A_461 : vector<16xi1>, vector<16xi32>
    %swap3A_474 = arith.constant 7 : i32
    %swap3A_475 = arith.index_cast %swap3A_474 : i32 to index
    %swap3A_476 = arith.constant 0 : index
    %swap3A_477 = tpu.vector_load %arg6[%swap3A_475, %swap3A_476] {strides = array<i32>} : memref<8x32xi32, #tpu.memory_space<vmem>>, vector<16xi32>,
    tpu.vector_store %arg6[%swap3A_475, %swap3A_476], %select_n3A_473 {strides = array<i32>} : memref<8x32xi32, #tpu.memory_space<vmem>>, vector<16xi32>,
    %get3A_478 = arith.constant 7 : i32
    %get3A_479 = arith.index_cast %get3A_478 : i32 to index
    %get3A_480 = arith.constant 16 : index
    %get3A_481 = tpu.vector_load %arg6[%get3A_479, %get3A_480] {strides = array<i32>} : memref<8x32xi32, #tpu.memory_space<vmem>>, vector<16xi32>,
    %add3A_482 = arith.constant 224 : i32
    %add3A_483 = arith.addi %multiple_of3A, %add3A_482 : i32
    %add3A_484 = arith.constant 16 : i32
    %add3A_485 = arith.addi %add3A_483, %add3A_484 : i32
    %and3A_486 = arith.constant 4095 : i32
    %and3A_487 = arith.andi %add3A_485, %and3A_486 : i32
    %add3A_488 = vector.broadcast %and3A_487 : i32 to vector<16xi32>
    %add3A_489 = arith.addi %iota3A, %add3A_488 : vector<16xi32>
    %lt3A_490 = arith.constant 0 : i32
    %lt3A_491 = vector.broadcast %lt3A_490 : i32 to vector<16xi32>
    %lt3A_492 = arith.cmpi slt, %get3A_481, %lt3A_491 : vector<16xi32>
    %select_n3A_493 = arith.select %lt3A_492, %add3A_489, %get3A_481 : vector<16xi1>, vector<16xi32>
    %swap3A_494 = arith.constant 7 : i32
    %swap3A_495 = arith.index_cast %swap3A_494 : i32 to index
    %swap3A_496 = arith.constant 16 : index
    %swap3A_497 = tpu.vector_load %arg6[%swap3A_495, %swap3A_496] {strides = array<i32>} : memref<8x32xi32, #tpu.memory_space<vmem>>, vector<16xi32>,
    tpu.vector_store %arg6[%swap3A_495, %swap3A_496], %select_n3A_493 {strides = array<i32>} : memref<8x32xi32, #tpu.memory_space<vmem>>, vector<16xi32>,
    %mul3A_498 = arith.constant 8 : i32
    %mul3A_499 = arith.muli %add3A, %mul3A_498 : i32
    %add3A_500 = arith.constant 0 : i32
    %add3A_501 = arith.addi %mul3A_499, %add3A_500 : i32
    %mul3A_502 = arith.constant 8 : i32
    %mul3A_503 = arith.muli %add3A, %mul3A_502 : i32
    %add3A_504 = arith.constant 1 : i32
    %add3A_505 = arith.addi %mul3A_503, %add3A_504 : i32
    %mul3A_506 = arith.constant 8 : i32
    %mul3A_507 = arith.muli %add3A, %mul3A_506 : i32
    %add3A_508 = arith.constant 2 : i32
    %add3A_509 = arith.addi %mul3A_507, %add3A_508 : i32
    %mul3A_510 = arith.constant 8 : i32
    %mul3A_511 = arith.muli %add3A, %mul3A_510 : i32
    %add3A_512 = arith.constant 3 : i32
    %add3A_513 = arith.addi %mul3A_511, %add3A_512 : i32
    %mul3A_514 = arith.constant 8 : i32
    %mul3A_515 = arith.muli %add3A, %mul3A_514 : i32
    %add3A_516 = arith.constant 4 : i32
    %add3A_517 = arith.addi %mul3A_515, %add3A_516 : i32
    %mul3A_518 = arith.constant 8 : i32
    %mul3A_519 = arith.muli %add3A, %mul3A_518 : i32
    %add3A_520 = arith.constant 5 : i32
    %add3A_521 = arith.addi %mul3A_519, %add3A_520 : i32
    %mul3A_522 = arith.constant 8 : i32
    %mul3A_523 = arith.muli %add3A, %mul3A_522 : i32
    %add3A_524 = arith.constant 6 : i32
    %add3A_525 = arith.addi %mul3A_523, %add3A_524 : i32
    %mul3A_526 = arith.constant 8 : i32
    %mul3A_527 = arith.muli %add3A, %mul3A_526 : i32
    %add3A_528 = arith.constant 7 : i32
    %add3A_529 = arith.addi %mul3A_527, %add3A_528 : i32
    %convert_element_type3A = arith.extui %ge3A_82 : i1 to i32
    %cond3A = arith.constant 0 : i32
    %cond3A_530 = arith.constant 0 : i32
    %cond3A_531 = arith.constant 0 : i32
    %cond3A_532 = arith.cmpi ne, %convert_element_type3A, %cond3A_531 : i32
    scf.if %cond3A_532 {
      %dma_start3A = arith.constant 0 : i32
      %dma_start3A_648 = arith.constant 0 : i32
      %dma_start3A_649 = tpu.memref_slice %arg7[%cond3A_530, %dma_start3A, %dma_start3A_648] : memref<3x32x1024xf32, #tpu.memory_space<vmem>> -> memref<1x32x1024xf32, #tpu.memory_space<vmem>>
      %dma_start3A_650 = tpu.memref_squeeze %dma_start3A_649 : memref<1x32x1024xf32, #tpu.memory_space<vmem>> -> memref<32x1024xf32, #tpu.memory_space<vmem>>
      %dma_start3A_651 = arith.constant 0 : i32
      %dma_start3A_652 = tpu.memref_slice %arg6[%cond3A, %dma_start3A_651] : memref<8x32xi32, #tpu.memory_space<vmem>> -> memref<1x32xi32, #tpu.memory_space<vmem>>
      %dma_start3A_653 = tpu.memref_squeeze %dma_start3A_652 : memref<1x32xi32, #tpu.memory_space<vmem>> -> memref<32xi32, #tpu.memory_space<vmem>>
      %dma_start3A_654 = arith.constant 0 : i32
      %dma_start3A_655 = arith.constant 0 : i32
      %dma_start3A_656 = tpu.memref_slice %arg3[%dma_start3A_654, %dma_start3A_655] : memref<4096x1024xf32, #tpu.memory_space<hbm>> -> memref<4096x1024xf32, #tpu.memory_space<hbm>>
      tpu.enqueue_indirect_dma source(%dma_start3A_656 : memref<4096x1024xf32, #tpu.memory_space<hbm>>) target(%dma_start3A_650 : memref<32x1024xf32, #tpu.memory_space<vmem>>) offsets(%dma_start3A_653 : memref<32xi32, #tpu.memory_space<vmem>>) semaphore(%arg8 : memref<!tpu.dma_semaphore, #tpu.memory_space<semaphore_mem>>)
    } else {
    }
    %convert_element_type3A_533 = arith.extui %ge3A_133 : i1 to i32
    %cond3A_534 = arith.constant 1 : i32
    %cond3A_535 = arith.constant 1 : i32
    %cond3A_536 = arith.constant 0 : i32
    %cond3A_537 = arith.cmpi ne, %convert_element_type3A_533, %cond3A_536 : i32
    scf.if %cond3A_537 {
      %dma_start3A = arith.constant 0 : i32
      %dma_start3A_648 = arith.constant 0 : i32
      %dma_start3A_649 = tpu.memref_slice %arg7[%cond3A_535, %dma_start3A, %dma_start3A_648] : memref<3x32x1024xf32, #tpu.memory_space<vmem>> -> memref<1x32x1024xf32, #tpu.memory_space<vmem>>
      %dma_start3A_650 = tpu.memref_squeeze %dma_start3A_649 : memref<1x32x1024xf32, #tpu.memory_space<vmem>> -> memref<32x1024xf32, #tpu.memory_space<vmem>>
      %dma_start3A_651 = arith.constant 0 : i32
      %dma_start3A_652 = tpu.memref_slice %arg6[%cond3A_534, %dma_start3A_651] : memref<8x32xi32, #tpu.memory_space<vmem>> -> memref<1x32xi32, #tpu.memory_space<vmem>>
      %dma_start3A_653 = tpu.memref_squeeze %dma_start3A_652 : memref<1x32xi32, #tpu.memory_space<vmem>> -> memref<32xi32, #tpu.memory_space<vmem>>
      %dma_start3A_654 = arith.constant 0 : i32
      %dma_start3A_655 = arith.constant 0 : i32
      %dma_start3A_656 = tpu.memref_slice %arg3[%dma_start3A_654, %dma_start3A_655] : memref<4096x1024xf32, #tpu.memory_space<hbm>> -> memref<4096x1024xf32, #tpu.memory_space<hbm>>
      tpu.enqueue_indirect_dma source(%dma_start3A_656 : memref<4096x1024xf32, #tpu.memory_space<hbm>>) target(%dma_start3A_650 : memref<32x1024xf32, #tpu.memory_space<vmem>>) offsets(%dma_start3A_653 : memref<32xi32, #tpu.memory_space<vmem>>) semaphore(%arg8 : memref<!tpu.dma_semaphore, #tpu.memory_space<semaphore_mem>>)
    } else {
    }
    %convert_element_type3A_538 = arith.extui %ge3A_82 : i1 to i32
    %cond3A_539 = arith.constant 0 : i32
    %cond3A_540 = arith.constant 0 : i32
    %cond3A_541 = arith.constant 0 : i32
    %cond3A_542 = arith.constant 0 : i32
    %cond3A_543 = arith.cmpi ne, %convert_element_type3A_538, %cond3A_542 : i32
    scf.if %cond3A_543 {
      %dma_wait3A = arith.constant 0 : i32
      %dma_wait3A_648 = arith.constant 0 : i32
      %dma_wait3A_649 = tpu.memref_slice %arg7[%cond3A_540, %dma_wait3A, %dma_wait3A_648] : memref<3x32x1024xf32, #tpu.memory_space<vmem>> -> memref<1x32x1024xf32, #tpu.memory_space<vmem>>
      %dma_wait3A_650 = tpu.memref_squeeze %dma_wait3A_649 : memref<1x32x1024xf32, #tpu.memory_space<vmem>> -> memref<32x1024xf32, #tpu.memory_space<vmem>>
      %dma_wait3A_651 = arith.constant 0 : i32
      %dma_wait3A_652 = tpu.memref_slice %arg6[%cond3A_539, %dma_wait3A_651] : memref<8x32xi32, #tpu.memory_space<vmem>> -> memref<1x32xi32, #tpu.memory_space<vmem>>
      %dma_wait3A_653 = tpu.memref_squeeze %dma_wait3A_652 : memref<1x32xi32, #tpu.memory_space<vmem>> -> memref<32xi32, #tpu.memory_space<vmem>>
      %dma_wait3A_654 = arith.constant 0 : i32
      %dma_wait3A_655 = arith.constant 0 : i32
      %dma_wait3A_656 = tpu.memref_slice %arg3[%dma_wait3A_654, %dma_wait3A_655] : memref<4096x1024xf32, #tpu.memory_space<hbm>> -> memref<4096x1024xf32, #tpu.memory_space<hbm>>
      tpu.wait_indirect_dma semaphore(%arg8 : memref<!tpu.dma_semaphore, #tpu.memory_space<semaphore_mem>>) src(%dma_wait3A_656 : memref<4096x1024xf32, #tpu.memory_space<hbm>>) dst(%dma_wait3A_650 : memref<32x1024xf32, #tpu.memory_space<vmem>>)
      %dma_start3A = arith.constant 0 : i32
      %dma_start3A_657 = arith.constant 0 : i32
      %dma_start3A_658 = tpu.memref_slice %arg7[%cond3A_541, %dma_start3A, %dma_start3A_657] : memref<3x32x1024xf32, #tpu.memory_space<vmem>> -> memref<1x32x1024xf32, #tpu.memory_space<vmem>>
      %dma_start3A_659 = tpu.memref_squeeze %dma_start3A_658 : memref<1x32x1024xf32, #tpu.memory_space<vmem>> -> memref<32x1024xf32, #tpu.memory_space<vmem>>
      %dma_start3A_660 = arith.constant 0 : i32
      %dma_start3A_661 = arith.constant 0 : i32
      %dma_start3A_662 = tpu.memref_slice %arg4[%add3A_501, %dma_start3A_660, %dma_start3A_661] : memref<256x32x1024xf32, #tpu.memory_space<hbm>> -> memref<1x32x1024xf32, #tpu.memory_space<hbm>>
      %dma_start3A_663 = tpu.memref_squeeze %dma_start3A_662 : memref<1x32x1024xf32, #tpu.memory_space<hbm>> -> memref<32x1024xf32, #tpu.memory_space<hbm>>
      %dma_start3A_664 = arith.constant 0 : i32
      %dma_start3A_665 = arith.constant 0 : i32
      %dma_start3A_666 = tpu.memref_slice %arg4[%add3A_501, %dma_start3A_664, %dma_start3A_665] : memref<256x32x1024xf32, #tpu.memory_space<hbm>> -> memref<1x32x1024xf32, #tpu.memory_space<hbm>>
      %dma_start3A_667 = tpu.memref_squeeze %dma_start3A_666 : memref<1x32x1024xf32, #tpu.memory_space<hbm>> -> memref<32x1024xf32, #tpu.memory_space<hbm>>
      %dma_start3A_668 = arith.constant 0 : i32
      %dma_start3A_669 = arith.constant 0 : i32
      %dma_start3A_670 = tpu.memref_slice %arg7[%cond3A_541, %dma_start3A_668, %dma_start3A_669] : memref<3x32x1024xf32, #tpu.memory_space<vmem>> -> memref<1x32x1024xf32, #tpu.memory_space<vmem>>
      %dma_start3A_671 = tpu.memref_squeeze %dma_start3A_670 : memref<1x32x1024xf32, #tpu.memory_space<vmem>> -> memref<32x1024xf32, #tpu.memory_space<vmem>>
      tpu.enqueue_dma source(%dma_start3A_671 : memref<32x1024xf32, #tpu.memory_space<vmem>>) target(%dma_start3A_667 : memref<32x1024xf32, #tpu.memory_space<hbm>>) target_semaphore(%arg9 : memref<!tpu.dma_semaphore, #tpu.memory_space<semaphore_mem>>)
    } else {
    }
    %convert_element_type3A_544 = arith.extui %ge3A_187 : i1 to i32
    %cond3A_545 = arith.constant 2 : i32
    %cond3A_546 = arith.constant 2 : i32
    %cond3A_547 = arith.constant 0 : i32
    %cond3A_548 = arith.cmpi ne, %convert_element_type3A_544, %cond3A_547 : i32
    scf.if %cond3A_548 {
      %dma_start3A = arith.constant 0 : i32
      %dma_start3A_648 = arith.constant 0 : i32
      %dma_start3A_649 = tpu.memref_slice %arg7[%cond3A_546, %dma_start3A, %dma_start3A_648] : memref<3x32x1024xf32, #tpu.memory_space<vmem>> -> memref<1x32x1024xf32, #tpu.memory_space<vmem>>
      %dma_start3A_650 = tpu.memref_squeeze %dma_start3A_649 : memref<1x32x1024xf32, #tpu.memory_space<vmem>> -> memref<32x1024xf32, #tpu.memory_space<vmem>>
      %dma_start3A_651 = arith.constant 0 : i32
      %dma_start3A_652 = tpu.memref_slice %arg6[%cond3A_545, %dma_start3A_651] : memref<8x32xi32, #tpu.memory_space<vmem>> -> memref<1x32xi32, #tpu.memory_space<vmem>>
      %dma_start3A_653 = tpu.memref_squeeze %dma_start3A_652 : memref<1x32xi32, #tpu.memory_space<vmem>> -> memref<32xi32, #tpu.memory_space<vmem>>
      %dma_start3A_654 = arith.constant 0 : i32
      %dma_start3A_655 = arith.constant 0 : i32
      %dma_start3A_656 = tpu.memref_slice %arg3[%dma_start3A_654, %dma_start3A_655] : memref<4096x1024xf32, #tpu.memory_space<hbm>> -> memref<4096x1024xf32, #tpu.memory_space<hbm>>
      tpu.enqueue_indirect_dma source(%dma_start3A_656 : memref<4096x1024xf32, #tpu.memory_space<hbm>>) target(%dma_start3A_650 : memref<32x1024xf32, #tpu.memory_space<vmem>>) offsets(%dma_start3A_653 : memref<32xi32, #tpu.memory_space<vmem>>) semaphore(%arg8 : memref<!tpu.dma_semaphore, #tpu.memory_space<semaphore_mem>>)
    } else {
    }
    %convert_element_type3A_549 = arith.extui %ge3A_133 : i1 to i32
    %cond3A_550 = arith.constant 1 : i32
    %cond3A_551 = arith.constant 1 : i32
    %cond3A_552 = arith.constant 1 : i32
    %cond3A_553 = arith.constant 0 : i32
    %cond3A_554 = arith.cmpi ne, %convert_element_type3A_549, %cond3A_553 : i32
    scf.if %cond3A_554 {
      %dma_wait3A = arith.constant 0 : i32
      %dma_wait3A_648 = arith.constant 0 : i32
      %dma_wait3A_649 = tpu.memref_slice %arg7[%cond3A_551, %dma_wait3A, %dma_wait3A_648] : memref<3x32x1024xf32, #tpu.memory_space<vmem>> -> memref<1x32x1024xf32, #tpu.memory_space<vmem>>
      %dma_wait3A_650 = tpu.memref_squeeze %dma_wait3A_649 : memref<1x32x1024xf32, #tpu.memory_space<vmem>> -> memref<32x1024xf32, #tpu.memory_space<vmem>>
      %dma_wait3A_651 = arith.constant 0 : i32
      %dma_wait3A_652 = tpu.memref_slice %arg6[%cond3A_550, %dma_wait3A_651] : memref<8x32xi32, #tpu.memory_space<vmem>> -> memref<1x32xi32, #tpu.memory_space<vmem>>
      %dma_wait3A_653 = tpu.memref_squeeze %dma_wait3A_652 : memref<1x32xi32, #tpu.memory_space<vmem>> -> memref<32xi32, #tpu.memory_space<vmem>>
      %dma_wait3A_654 = arith.constant 0 : i32
      %dma_wait3A_655 = arith.constant 0 : i32
      %dma_wait3A_656 = tpu.memref_slice %arg3[%dma_wait3A_654, %dma_wait3A_655] : memref<4096x1024xf32, #tpu.memory_space<hbm>> -> memref<4096x1024xf32, #tpu.memory_space<hbm>>
      tpu.wait_indirect_dma semaphore(%arg8 : memref<!tpu.dma_semaphore, #tpu.memory_space<semaphore_mem>>) src(%dma_wait3A_656 : memref<4096x1024xf32, #tpu.memory_space<hbm>>) dst(%dma_wait3A_650 : memref<32x1024xf32, #tpu.memory_space<vmem>>)
      %dma_start3A = arith.constant 0 : i32
      %dma_start3A_657 = arith.constant 0 : i32
      %dma_start3A_658 = tpu.memref_slice %arg7[%cond3A_552, %dma_start3A, %dma_start3A_657] : memref<3x32x1024xf32, #tpu.memory_space<vmem>> -> memref<1x32x1024xf32, #tpu.memory_space<vmem>>
      %dma_start3A_659 = tpu.memref_squeeze %dma_start3A_658 : memref<1x32x1024xf32, #tpu.memory_space<vmem>> -> memref<32x1024xf32, #tpu.memory_space<vmem>>
      %dma_start3A_660 = arith.constant 0 : i32
      %dma_start3A_661 = arith.constant 0 : i32
      %dma_start3A_662 = tpu.memref_slice %arg4[%add3A_505, %dma_start3A_660, %dma_start3A_661] : memref<256x32x1024xf32, #tpu.memory_space<hbm>> -> memref<1x32x1024xf32, #tpu.memory_space<hbm>>
      %dma_start3A_663 = tpu.memref_squeeze %dma_start3A_662 : memref<1x32x1024xf32, #tpu.memory_space<hbm>> -> memref<32x1024xf32, #tpu.memory_space<hbm>>
      %dma_start3A_664 = arith.constant 0 : i32
      %dma_start3A_665 = arith.constant 0 : i32
      %dma_start3A_666 = tpu.memref_slice %arg4[%add3A_505, %dma_start3A_664, %dma_start3A_665] : memref<256x32x1024xf32, #tpu.memory_space<hbm>> -> memref<1x32x1024xf32, #tpu.memory_space<hbm>>
      %dma_start3A_667 = tpu.memref_squeeze %dma_start3A_666 : memref<1x32x1024xf32, #tpu.memory_space<hbm>> -> memref<32x1024xf32, #tpu.memory_space<hbm>>
      %dma_start3A_668 = arith.constant 0 : i32
      %dma_start3A_669 = arith.constant 0 : i32
      %dma_start3A_670 = tpu.memref_slice %arg7[%cond3A_552, %dma_start3A_668, %dma_start3A_669] : memref<3x32x1024xf32, #tpu.memory_space<vmem>> -> memref<1x32x1024xf32, #tpu.memory_space<vmem>>
      %dma_start3A_671 = tpu.memref_squeeze %dma_start3A_670 : memref<1x32x1024xf32, #tpu.memory_space<vmem>> -> memref<32x1024xf32, #tpu.memory_space<vmem>>
      tpu.enqueue_dma source(%dma_start3A_671 : memref<32x1024xf32, #tpu.memory_space<vmem>>) target(%dma_start3A_667 : memref<32x1024xf32, #tpu.memory_space<hbm>>) target_semaphore(%arg9 : memref<!tpu.dma_semaphore, #tpu.memory_space<semaphore_mem>>)
    } else {
    }
    %convert_element_type3A_555 = arith.extui %ge3A_82 : i1 to i32
    %cond3A_556 = arith.constant 0 : i32
    %cond3A_557 = arith.constant 0 : i32
    %cond3A_558 = arith.cmpi ne, %convert_element_type3A_555, %cond3A_557 : i32
    scf.if %cond3A_558 {
      %dma_wait3A = arith.constant 0 : i32
      %dma_wait3A_648 = arith.constant 0 : i32
      %dma_wait3A_649 = tpu.memref_slice %arg7[%cond3A_556, %dma_wait3A, %dma_wait3A_648] : memref<3x32x1024xf32, #tpu.memory_space<vmem>> -> memref<1x32x1024xf32, #tpu.memory_space<vmem>>
      %dma_wait3A_650 = tpu.memref_squeeze %dma_wait3A_649 : memref<1x32x1024xf32, #tpu.memory_space<vmem>> -> memref<32x1024xf32, #tpu.memory_space<vmem>>
      %dma_wait3A_651 = arith.constant 0 : i32
      %dma_wait3A_652 = arith.constant 0 : i32
      %dma_wait3A_653 = tpu.memref_slice %arg4[%add3A_501, %dma_wait3A_651, %dma_wait3A_652] : memref<256x32x1024xf32, #tpu.memory_space<hbm>> -> memref<1x32x1024xf32, #tpu.memory_space<hbm>>
      %dma_wait3A_654 = tpu.memref_squeeze %dma_wait3A_653 : memref<1x32x1024xf32, #tpu.memory_space<hbm>> -> memref<32x1024xf32, #tpu.memory_space<hbm>>
      %dma_wait3A_655 = arith.constant 0 : i32
      %dma_wait3A_656 = arith.constant 0 : i32
      %dma_wait3A_657 = tpu.memref_slice %arg4[%add3A_501, %dma_wait3A_655, %dma_wait3A_656] : memref<256x32x1024xf32, #tpu.memory_space<hbm>> -> memref<1x32x1024xf32, #tpu.memory_space<hbm>>
      %dma_wait3A_658 = tpu.memref_squeeze %dma_wait3A_657 : memref<1x32x1024xf32, #tpu.memory_space<hbm>> -> memref<32x1024xf32, #tpu.memory_space<hbm>>
      %dma_wait3A_659 = arith.constant 0 : i32
      %dma_wait3A_660 = arith.constant 0 : i32
      %dma_wait3A_661 = tpu.memref_slice %arg7[%cond3A_556, %dma_wait3A_659, %dma_wait3A_660] : memref<3x32x1024xf32, #tpu.memory_space<vmem>> -> memref<1x32x1024xf32, #tpu.memory_space<vmem>>
      %dma_wait3A_662 = tpu.memref_squeeze %dma_wait3A_661 : memref<1x32x1024xf32, #tpu.memory_space<vmem>> -> memref<32x1024xf32, #tpu.memory_space<vmem>>
      tpu.wait_dma2 semaphore(%arg9 : memref<!tpu.dma_semaphore, #tpu.memory_space<semaphore_mem>>) src(%dma_wait3A_662 : memref<32x1024xf32, #tpu.memory_space<vmem>>) dst(%dma_wait3A_658 : memref<32x1024xf32, #tpu.memory_space<hbm>>)
    } else {
    }
    %convert_element_type3A_559 = arith.extui %ge3A_241 : i1 to i32
    %cond3A_560 = arith.constant 3 : i32
    %cond3A_561 = arith.constant 0 : i32
    %cond3A_562 = arith.constant 0 : i32
    %cond3A_563 = arith.cmpi ne, %convert_element_type3A_559, %cond3A_562 : i32
    scf.if %cond3A_563 {
      %dma_start3A = arith.constant 0 : i32
      %dma_start3A_648 = arith.constant 0 : i32
      %dma_start3A_649 = tpu.memref_slice %arg7[%cond3A_561, %dma_start3A, %dma_start3A_648] : memref<3x32x1024xf32, #tpu.memory_space<vmem>> -> memref<1x32x1024xf32, #tpu.memory_space<vmem>>
      %dma_start3A_650 = tpu.memref_squeeze %dma_start3A_649 : memref<1x32x1024xf32, #tpu.memory_space<vmem>> -> memref<32x1024xf32, #tpu.memory_space<vmem>>
      %dma_start3A_651 = arith.constant 0 : i32
      %dma_start3A_652 = tpu.memref_slice %arg6[%cond3A_560, %dma_start3A_651] : memref<8x32xi32, #tpu.memory_space<vmem>> -> memref<1x32xi32, #tpu.memory_space<vmem>>
      %dma_start3A_653 = tpu.memref_squeeze %dma_start3A_652 : memref<1x32xi32, #tpu.memory_space<vmem>> -> memref<32xi32, #tpu.memory_space<vmem>>
      %dma_start3A_654 = arith.constant 0 : i32
      %dma_start3A_655 = arith.constant 0 : i32
      %dma_start3A_656 = tpu.memref_slice %arg3[%dma_start3A_654, %dma_start3A_655] : memref<4096x1024xf32, #tpu.memory_space<hbm>> -> memref<4096x1024xf32, #tpu.memory_space<hbm>>
      tpu.enqueue_indirect_dma source(%dma_start3A_656 : memref<4096x1024xf32, #tpu.memory_space<hbm>>) target(%dma_start3A_650 : memref<32x1024xf32, #tpu.memory_space<vmem>>) offsets(%dma_start3A_653 : memref<32xi32, #tpu.memory_space<vmem>>) semaphore(%arg8 : memref<!tpu.dma_semaphore, #tpu.memory_space<semaphore_mem>>)
    } else {
    }
    %convert_element_type3A_564 = arith.extui %ge3A_187 : i1 to i32
    %cond3A_565 = arith.constant 2 : i32
    %cond3A_566 = arith.constant 2 : i32
    %cond3A_567 = arith.constant 2 : i32
    %cond3A_568 = arith.constant 0 : i32
    %cond3A_569 = arith.cmpi ne, %convert_element_type3A_564, %cond3A_568 : i32
    scf.if %cond3A_569 {
      %dma_wait3A = arith.constant 0 : i32
      %dma_wait3A_648 = arith.constant 0 : i32
      %dma_wait3A_649 = tpu.memref_slice %arg7[%cond3A_566, %dma_wait3A, %dma_wait3A_648] : memref<3x32x1024xf32, #tpu.memory_space<vmem>> -> memref<1x32x1024xf32, #tpu.memory_space<vmem>>
      %dma_wait3A_650 = tpu.memref_squeeze %dma_wait3A_649 : memref<1x32x1024xf32, #tpu.memory_space<vmem>> -> memref<32x1024xf32, #tpu.memory_space<vmem>>
      %dma_wait3A_651 = arith.constant 0 : i32
      %dma_wait3A_652 = tpu.memref_slice %arg6[%cond3A_565, %dma_wait3A_651] : memref<8x32xi32, #tpu.memory_space<vmem>> -> memref<1x32xi32, #tpu.memory_space<vmem>>
      %dma_wait3A_653 = tpu.memref_squeeze %dma_wait3A_652 : memref<1x32xi32, #tpu.memory_space<vmem>> -> memref<32xi32, #tpu.memory_space<vmem>>
      %dma_wait3A_654 = arith.constant 0 : i32
      %dma_wait3A_655 = arith.constant 0 : i32
      %dma_wait3A_656 = tpu.memref_slice %arg3[%dma_wait3A_654, %dma_wait3A_655] : memref<4096x1024xf32, #tpu.memory_space<hbm>> -> memref<4096x1024xf32, #tpu.memory_space<hbm>>
      tpu.wait_indirect_dma semaphore(%arg8 : memref<!tpu.dma_semaphore, #tpu.memory_space<semaphore_mem>>) src(%dma_wait3A_656 : memref<4096x1024xf32, #tpu.memory_space<hbm>>) dst(%dma_wait3A_650 : memref<32x1024xf32, #tpu.memory_space<vmem>>)
      %dma_start3A = arith.constant 0 : i32
      %dma_start3A_657 = arith.constant 0 : i32
      %dma_start3A_658 = tpu.memref_slice %arg7[%cond3A_567, %dma_start3A, %dma_start3A_657] : memref<3x32x1024xf32, #tpu.memory_space<vmem>> -> memref<1x32x1024xf32, #tpu.memory_space<vmem>>
      %dma_start3A_659 = tpu.memref_squeeze %dma_start3A_658 : memref<1x32x1024xf32, #tpu.memory_space<vmem>> -> memref<32x1024xf32, #tpu.memory_space<vmem>>
      %dma_start3A_660 = arith.constant 0 : i32
      %dma_start3A_661 = arith.constant 0 : i32
      %dma_start3A_662 = tpu.memref_slice %arg4[%add3A_509, %dma_start3A_660, %dma_start3A_661] : memref<256x32x1024xf32, #tpu.memory_space<hbm>> -> memref<1x32x1024xf32, #tpu.memory_space<hbm>>
      %dma_start3A_663 = tpu.memref_squeeze %dma_start3A_662 : memref<1x32x1024xf32, #tpu.memory_space<hbm>> -> memref<32x1024xf32, #tpu.memory_space<hbm>>
      %dma_start3A_664 = arith.constant 0 : i32
      %dma_start3A_665 = arith.constant 0 : i32
      %dma_start3A_666 = tpu.memref_slice %arg4[%add3A_509, %dma_start3A_664, %dma_start3A_665] : memref<256x32x1024xf32, #tpu.memory_space<hbm>> -> memref<1x32x1024xf32, #tpu.memory_space<hbm>>
      %dma_start3A_667 = tpu.memref_squeeze %dma_start3A_666 : memref<1x32x1024xf32, #tpu.memory_space<hbm>> -> memref<32x1024xf32, #tpu.memory_space<hbm>>
      %dma_start3A_668 = arith.constant 0 : i32
      %dma_start3A_669 = arith.constant 0 : i32
      %dma_start3A_670 = tpu.memref_slice %arg7[%cond3A_567, %dma_start3A_668, %dma_start3A_669] : memref<3x32x1024xf32, #tpu.memory_space<vmem>> -> memref<1x32x1024xf32, #tpu.memory_space<vmem>>
      %dma_start3A_671 = tpu.memref_squeeze %dma_start3A_670 : memref<1x32x1024xf32, #tpu.memory_space<vmem>> -> memref<32x1024xf32, #tpu.memory_space<vmem>>
      tpu.enqueue_dma source(%dma_start3A_671 : memref<32x1024xf32, #tpu.memory_space<vmem>>) target(%dma_start3A_667 : memref<32x1024xf32, #tpu.memory_space<hbm>>) target_semaphore(%arg9 : memref<!tpu.dma_semaphore, #tpu.memory_space<semaphore_mem>>)
    } else {
    }
    %convert_element_type3A_570 = arith.extui %ge3A_133 : i1 to i32
    %cond3A_571 = arith.constant 1 : i32
    %cond3A_572 = arith.constant 0 : i32
    %cond3A_573 = arith.cmpi ne, %convert_element_type3A_570, %cond3A_572 : i32
    scf.if %cond3A_573 {
      %dma_wait3A = arith.constant 0 : i32
      %dma_wait3A_648 = arith.constant 0 : i32
      %dma_wait3A_649 = tpu.memref_slice %arg7[%cond3A_571, %dma_wait3A, %dma_wait3A_648] : memref<3x32x1024xf32, #tpu.memory_space<vmem>> -> memref<1x32x1024xf32, #tpu.memory_space<vmem>>
      %dma_wait3A_650 = tpu.memref_squeeze %dma_wait3A_649 : memref<1x32x1024xf32, #tpu.memory_space<vmem>> -> memref<32x1024xf32, #tpu.memory_space<vmem>>
      %dma_wait3A_651 = arith.constant 0 : i32
      %dma_wait3A_652 = arith.constant 0 : i32
      %dma_wait3A_653 = tpu.memref_slice %arg4[%add3A_505, %dma_wait3A_651, %dma_wait3A_652] : memref<256x32x1024xf32, #tpu.memory_space<hbm>> -> memref<1x32x1024xf32, #tpu.memory_space<hbm>>
      %dma_wait3A_654 = tpu.memref_squeeze %dma_wait3A_653 : memref<1x32x1024xf32, #tpu.memory_space<hbm>> -> memref<32x1024xf32, #tpu.memory_space<hbm>>
      %dma_wait3A_655 = arith.constant 0 : i32
      %dma_wait3A_656 = arith.constant 0 : i32
      %dma_wait3A_657 = tpu.memref_slice %arg4[%add3A_505, %dma_wait3A_655, %dma_wait3A_656] : memref<256x32x1024xf32, #tpu.memory_space<hbm>> -> memref<1x32x1024xf32, #tpu.memory_space<hbm>>
      %dma_wait3A_658 = tpu.memref_squeeze %dma_wait3A_657 : memref<1x32x1024xf32, #tpu.memory_space<hbm>> -> memref<32x1024xf32, #tpu.memory_space<hbm>>
      %dma_wait3A_659 = arith.constant 0 : i32
      %dma_wait3A_660 = arith.constant 0 : i32
      %dma_wait3A_661 = tpu.memref_slice %arg7[%cond3A_571, %dma_wait3A_659, %dma_wait3A_660] : memref<3x32x1024xf32, #tpu.memory_space<vmem>> -> memref<1x32x1024xf32, #tpu.memory_space<vmem>>
      %dma_wait3A_662 = tpu.memref_squeeze %dma_wait3A_661 : memref<1x32x1024xf32, #tpu.memory_space<vmem>> -> memref<32x1024xf32, #tpu.memory_space<vmem>>
      tpu.wait_dma2 semaphore(%arg9 : memref<!tpu.dma_semaphore, #tpu.memory_space<semaphore_mem>>) src(%dma_wait3A_662 : memref<32x1024xf32, #tpu.memory_space<vmem>>) dst(%dma_wait3A_658 : memref<32x1024xf32, #tpu.memory_space<hbm>>)
    } else {
    }
    %convert_element_type3A_574 = arith.extui %ge3A_295 : i1 to i32
    %cond3A_575 = arith.constant 4 : i32
    %cond3A_576 = arith.constant 1 : i32
    %cond3A_577 = arith.constant 0 : i32
    %cond3A_578 = arith.cmpi ne, %convert_element_type3A_574, %cond3A_577 : i32
    scf.if %cond3A_578 {
      %dma_start3A = arith.constant 0 : i32
      %dma_start3A_648 = arith.constant 0 : i32
      %dma_start3A_649 = tpu.memref_slice %arg7[%cond3A_576, %dma_start3A, %dma_start3A_648] : memref<3x32x1024xf32, #tpu.memory_space<vmem>> -> memref<1x32x1024xf32, #tpu.memory_space<vmem>>
      %dma_start3A_650 = tpu.memref_squeeze %dma_start3A_649 : memref<1x32x1024xf32, #tpu.memory_space<vmem>> -> memref<32x1024xf32, #tpu.memory_space<vmem>>
      %dma_start3A_651 = arith.constant 0 : i32
      %dma_start3A_652 = tpu.memref_slice %arg6[%cond3A_575, %dma_start3A_651] : memref<8x32xi32, #tpu.memory_space<vmem>> -> memref<1x32xi32, #tpu.memory_space<vmem>>
      %dma_start3A_653 = tpu.memref_squeeze %dma_start3A_652 : memref<1x32xi32, #tpu.memory_space<vmem>> -> memref<32xi32, #tpu.memory_space<vmem>>
      %dma_start3A_654 = arith.constant 0 : i32
      %dma_start3A_655 = arith.constant 0 : i32
      %dma_start3A_656 = tpu.memref_slice %arg3[%dma_start3A_654, %dma_start3A_655] : memref<4096x1024xf32, #tpu.memory_space<hbm>> -> memref<4096x1024xf32, #tpu.memory_space<hbm>>
      tpu.enqueue_indirect_dma source(%dma_start3A_656 : memref<4096x1024xf32, #tpu.memory_space<hbm>>) target(%dma_start3A_650 : memref<32x1024xf32, #tpu.memory_space<vmem>>) offsets(%dma_start3A_653 : memref<32xi32, #tpu.memory_space<vmem>>) semaphore(%arg8 : memref<!tpu.dma_semaphore, #tpu.memory_space<semaphore_mem>>)
    } else {
    }
    %convert_element_type3A_579 = arith.extui %ge3A_241 : i1 to i32
    %cond3A_580 = arith.constant 3 : i32
    %cond3A_581 = arith.constant 0 : i32
    %cond3A_582 = arith.constant 0 : i32
    %cond3A_583 = arith.constant 0 : i32
    %cond3A_584 = arith.cmpi ne, %convert_element_type3A_579, %cond3A_583 : i32
    scf.if %cond3A_584 {
      %dma_wait3A = arith.constant 0 : i32
      %dma_wait3A_648 = arith.constant 0 : i32
      %dma_wait3A_649 = tpu.memref_slice %arg7[%cond3A_581, %dma_wait3A, %dma_wait3A_648] : memref<3x32x1024xf32, #tpu.memory_space<vmem>> -> memref<1x32x1024xf32, #tpu.memory_space<vmem>>
      %dma_wait3A_650 = tpu.memref_squeeze %dma_wait3A_649 : memref<1x32x1024xf32, #tpu.memory_space<vmem>> -> memref<32x1024xf32, #tpu.memory_space<vmem>>
      %dma_wait3A_651 = arith.constant 0 : i32
      %dma_wait3A_652 = tpu.memref_slice %arg6[%cond3A_580, %dma_wait3A_651] : memref<8x32xi32, #tpu.memory_space<vmem>> -> memref<1x32xi32, #tpu.memory_space<vmem>>
      %dma_wait3A_653 = tpu.memref_squeeze %dma_wait3A_652 : memref<1x32xi32, #tpu.memory_space<vmem>> -> memref<32xi32, #tpu.memory_space<vmem>>
      %dma_wait3A_654 = arith.constant 0 : i32
      %dma_wait3A_655 = arith.constant 0 : i32
      %dma_wait3A_656 = tpu.memref_slice %arg3[%dma_wait3A_654, %dma_wait3A_655] : memref<4096x1024xf32, #tpu.memory_space<hbm>> -> memref<4096x1024xf32, #tpu.memory_space<hbm>>
      tpu.wait_indirect_dma semaphore(%arg8 : memref<!tpu.dma_semaphore, #tpu.memory_space<semaphore_mem>>) src(%dma_wait3A_656 : memref<4096x1024xf32, #tpu.memory_space<hbm>>) dst(%dma_wait3A_650 : memref<32x1024xf32, #tpu.memory_space<vmem>>)
      %dma_start3A = arith.constant 0 : i32
      %dma_start3A_657 = arith.constant 0 : i32
      %dma_start3A_658 = tpu.memref_slice %arg7[%cond3A_582, %dma_start3A, %dma_start3A_657] : memref<3x32x1024xf32, #tpu.memory_space<vmem>> -> memref<1x32x1024xf32, #tpu.memory_space<vmem>>
      %dma_start3A_659 = tpu.memref_squeeze %dma_start3A_658 : memref<1x32x1024xf32, #tpu.memory_space<vmem>> -> memref<32x1024xf32, #tpu.memory_space<vmem>>
      %dma_start3A_660 = arith.constant 0 : i32
      %dma_start3A_661 = arith.constant 0 : i32
      %dma_start3A_662 = tpu.memref_slice %arg4[%add3A_513, %dma_start3A_660, %dma_start3A_661] : memref<256x32x1024xf32, #tpu.memory_space<hbm>> -> memref<1x32x1024xf32, #tpu.memory_space<hbm>>
      %dma_start3A_663 = tpu.memref_squeeze %dma_start3A_662 : memref<1x32x1024xf32, #tpu.memory_space<hbm>> -> memref<32x1024xf32, #tpu.memory_space<hbm>>
      %dma_start3A_664 = arith.constant 0 : i32
      %dma_start3A_665 = arith.constant 0 : i32
      %dma_start3A_666 = tpu.memref_slice %arg4[%add3A_513, %dma_start3A_664, %dma_start3A_665] : memref<256x32x1024xf32, #tpu.memory_space<hbm>> -> memref<1x32x1024xf32, #tpu.memory_space<hbm>>
      %dma_start3A_667 = tpu.memref_squeeze %dma_start3A_666 : memref<1x32x1024xf32, #tpu.memory_space<hbm>> -> memref<32x1024xf32, #tpu.memory_space<hbm>>
      %dma_start3A_668 = arith.constant 0 : i32
      %dma_start3A_669 = arith.constant 0 : i32
      %dma_start3A_670 = tpu.memref_slice %arg7[%cond3A_582, %dma_start3A_668, %dma_start3A_669] : memref<3x32x1024xf32, #tpu.memory_space<vmem>> -> memref<1x32x1024xf32, #tpu.memory_space<vmem>>
      %dma_start3A_671 = tpu.memref_squeeze %dma_start3A_670 : memref<1x32x1024xf32, #tpu.memory_space<vmem>> -> memref<32x1024xf32, #tpu.memory_space<vmem>>
      tpu.enqueue_dma source(%dma_start3A_671 : memref<32x1024xf32, #tpu.memory_space<vmem>>) target(%dma_start3A_667 : memref<32x1024xf32, #tpu.memory_space<hbm>>) target_semaphore(%arg9 : memref<!tpu.dma_semaphore, #tpu.memory_space<semaphore_mem>>)
    } else {
    }
    %convert_element_type3A_585 = arith.extui %ge3A_187 : i1 to i32
    %cond3A_586 = arith.constant 2 : i32
    %cond3A_587 = arith.constant 0 : i32
    %cond3A_588 = arith.cmpi ne, %convert_element_type3A_585, %cond3A_587 : i32
    scf.if %cond3A_588 {
      %dma_wait3A = arith.constant 0 : i32
      %dma_wait3A_648 = arith.constant 0 : i32
      %dma_wait3A_649 = tpu.memref_slice %arg7[%cond3A_586, %dma_wait3A, %dma_wait3A_648] : memref<3x32x1024xf32, #tpu.memory_space<vmem>> -> memref<1x32x1024xf32, #tpu.memory_space<vmem>>
      %dma_wait3A_650 = tpu.memref_squeeze %dma_wait3A_649 : memref<1x32x1024xf32, #tpu.memory_space<vmem>> -> memref<32x1024xf32, #tpu.memory_space<vmem>>
      %dma_wait3A_651 = arith.constant 0 : i32
      %dma_wait3A_652 = arith.constant 0 : i32
      %dma_wait3A_653 = tpu.memref_slice %arg4[%add3A_509, %dma_wait3A_651, %dma_wait3A_652] : memref<256x32x1024xf32, #tpu.memory_space<hbm>> -> memref<1x32x1024xf32, #tpu.memory_space<hbm>>
      %dma_wait3A_654 = tpu.memref_squeeze %dma_wait3A_653 : memref<1x32x1024xf32, #tpu.memory_space<hbm>> -> memref<32x1024xf32, #tpu.memory_space<hbm>>
      %dma_wait3A_655 = arith.constant 0 : i32
      %dma_wait3A_656 = arith.constant 0 : i32
      %dma_wait3A_657 = tpu.memref_slice %arg4[%add3A_509, %dma_wait3A_655, %dma_wait3A_656] : memref<256x32x1024xf32, #tpu.memory_space<hbm>> -> memref<1x32x1024xf32, #tpu.memory_space<hbm>>
      %dma_wait3A_658 = tpu.memref_squeeze %dma_wait3A_657 : memref<1x32x1024xf32, #tpu.memory_space<hbm>> -> memref<32x1024xf32, #tpu.memory_space<hbm>>
      %dma_wait3A_659 = arith.constant 0 : i32
      %dma_wait3A_660 = arith.constant 0 : i32
      %dma_wait3A_661 = tpu.memref_slice %arg7[%cond3A_586, %dma_wait3A_659, %dma_wait3A_660] : memref<3x32x1024xf32, #tpu.memory_space<vmem>> -> memref<1x32x1024xf32, #tpu.memory_space<vmem>>
      %dma_wait3A_662 = tpu.memref_squeeze %dma_wait3A_661 : memref<1x32x1024xf32, #tpu.memory_space<vmem>> -> memref<32x1024xf32, #tpu.memory_space<vmem>>
      tpu.wait_dma2 semaphore(%arg9 : memref<!tpu.dma_semaphore, #tpu.memory_space<semaphore_mem>>) src(%dma_wait3A_662 : memref<32x1024xf32, #tpu.memory_space<vmem>>) dst(%dma_wait3A_658 : memref<32x1024xf32, #tpu.memory_space<hbm>>)
    } else {
    }
    %convert_element_type3A_589 = arith.extui %ge3A_349 : i1 to i32
    %cond3A_590 = arith.constant 5 : i32
    %cond3A_591 = arith.constant 2 : i32
    %cond3A_592 = arith.constant 0 : i32
    %cond3A_593 = arith.cmpi ne, %convert_element_type3A_589, %cond3A_592 : i32
    scf.if %cond3A_593 {
      %dma_start3A = arith.constant 0 : i32
      %dma_start3A_648 = arith.constant 0 : i32
      %dma_start3A_649 = tpu.memref_slice %arg7[%cond3A_591, %dma_start3A, %dma_start3A_648] : memref<3x32x1024xf32, #tpu.memory_space<vmem>> -> memref<1x32x1024xf32, #tpu.memory_space<vmem>>
      %dma_start3A_650 = tpu.memref_squeeze %dma_start3A_649 : memref<1x32x1024xf32, #tpu.memory_space<vmem>> -> memref<32x1024xf32, #tpu.memory_space<vmem>>
      %dma_start3A_651 = arith.constant 0 : i32
      %dma_start3A_652 = tpu.memref_slice %arg6[%cond3A_590, %dma_start3A_651] : memref<8x32xi32, #tpu.memory_space<vmem>> -> memref<1x32xi32, #tpu.memory_space<vmem>>
      %dma_start3A_653 = tpu.memref_squeeze %dma_start3A_652 : memref<1x32xi32, #tpu.memory_space<vmem>> -> memref<32xi32, #tpu.memory_space<vmem>>
      %dma_start3A_654 = arith.constant 0 : i32
      %dma_start3A_655 = arith.constant 0 : i32
      %dma_start3A_656 = tpu.memref_slice %arg3[%dma_start3A_654, %dma_start3A_655] : memref<4096x1024xf32, #tpu.memory_space<hbm>> -> memref<4096x1024xf32, #tpu.memory_space<hbm>>
      tpu.enqueue_indirect_dma source(%dma_start3A_656 : memref<4096x1024xf32, #tpu.memory_space<hbm>>) target(%dma_start3A_650 : memref<32x1024xf32, #tpu.memory_space<vmem>>) offsets(%dma_start3A_653 : memref<32xi32, #tpu.memory_space<vmem>>) semaphore(%arg8 : memref<!tpu.dma_semaphore, #tpu.memory_space<semaphore_mem>>)
    } else {
    }
    %convert_element_type3A_594 = arith.extui %ge3A_295 : i1 to i32
    %cond3A_595 = arith.constant 4 : i32
    %cond3A_596 = arith.constant 1 : i32
    %cond3A_597 = arith.constant 1 : i32
    %cond3A_598 = arith.constant 0 : i32
    %cond3A_599 = arith.cmpi ne, %convert_element_type3A_594, %cond3A_598 : i32
    scf.if %cond3A_599 {
      %dma_wait3A = arith.constant 0 : i32
      %dma_wait3A_648 = arith.constant 0 : i32
      %dma_wait3A_649 = tpu.memref_slice %arg7[%cond3A_596, %dma_wait3A, %dma_wait3A_648] : memref<3x32x1024xf32, #tpu.memory_space<vmem>> -> memref<1x32x1024xf32, #tpu.memory_space<vmem>>
      %dma_wait3A_650 = tpu.memref_squeeze %dma_wait3A_649 : memref<1x32x1024xf32, #tpu.memory_space<vmem>> -> memref<32x1024xf32, #tpu.memory_space<vmem>>
      %dma_wait3A_651 = arith.constant 0 : i32
      %dma_wait3A_652 = tpu.memref_slice %arg6[%cond3A_595, %dma_wait3A_651] : memref<8x32xi32, #tpu.memory_space<vmem>> -> memref<1x32xi32, #tpu.memory_space<vmem>>
      %dma_wait3A_653 = tpu.memref_squeeze %dma_wait3A_652 : memref<1x32xi32, #tpu.memory_space<vmem>> -> memref<32xi32, #tpu.memory_space<vmem>>
      %dma_wait3A_654 = arith.constant 0 : i32
      %dma_wait3A_655 = arith.constant 0 : i32
      %dma_wait3A_656 = tpu.memref_slice %arg3[%dma_wait3A_654, %dma_wait3A_655] : memref<4096x1024xf32, #tpu.memory_space<hbm>> -> memref<4096x1024xf32, #tpu.memory_space<hbm>>
      tpu.wait_indirect_dma semaphore(%arg8 : memref<!tpu.dma_semaphore, #tpu.memory_space<semaphore_mem>>) src(%dma_wait3A_656 : memref<4096x1024xf32, #tpu.memory_space<hbm>>) dst(%dma_wait3A_650 : memref<32x1024xf32, #tpu.memory_space<vmem>>)
      %dma_start3A = arith.constant 0 : i32
      %dma_start3A_657 = arith.constant 0 : i32
      %dma_start3A_658 = tpu.memref_slice %arg7[%cond3A_597, %dma_start3A, %dma_start3A_657] : memref<3x32x1024xf32, #tpu.memory_space<vmem>> -> memref<1x32x1024xf32, #tpu.memory_space<vmem>>
      %dma_start3A_659 = tpu.memref_squeeze %dma_start3A_658 : memref<1x32x1024xf32, #tpu.memory_space<vmem>> -> memref<32x1024xf32, #tpu.memory_space<vmem>>
      %dma_start3A_660 = arith.constant 0 : i32
      %dma_start3A_661 = arith.constant 0 : i32
      %dma_start3A_662 = tpu.memref_slice %arg4[%add3A_517, %dma_start3A_660, %dma_start3A_661] : memref<256x32x1024xf32, #tpu.memory_space<hbm>> -> memref<1x32x1024xf32, #tpu.memory_space<hbm>>
      %dma_start3A_663 = tpu.memref_squeeze %dma_start3A_662 : memref<1x32x1024xf32, #tpu.memory_space<hbm>> -> memref<32x1024xf32, #tpu.memory_space<hbm>>
      %dma_start3A_664 = arith.constant 0 : i32
      %dma_start3A_665 = arith.constant 0 : i32
      %dma_start3A_666 = tpu.memref_slice %arg4[%add3A_517, %dma_start3A_664, %dma_start3A_665] : memref<256x32x1024xf32, #tpu.memory_space<hbm>> -> memref<1x32x1024xf32, #tpu.memory_space<hbm>>
      %dma_start3A_667 = tpu.memref_squeeze %dma_start3A_666 : memref<1x32x1024xf32, #tpu.memory_space<hbm>> -> memref<32x1024xf32, #tpu.memory_space<hbm>>
      %dma_start3A_668 = arith.constant 0 : i32
      %dma_start3A_669 = arith.constant 0 : i32
      %dma_start3A_670 = tpu.memref_slice %arg7[%cond3A_597, %dma_start3A_668, %dma_start3A_669] : memref<3x32x1024xf32, #tpu.memory_space<vmem>> -> memref<1x32x1024xf32, #tpu.memory_space<vmem>>
      %dma_start3A_671 = tpu.memref_squeeze %dma_start3A_670 : memref<1x32x1024xf32, #tpu.memory_space<vmem>> -> memref<32x1024xf32, #tpu.memory_space<vmem>>
      tpu.enqueue_dma source(%dma_start3A_671 : memref<32x1024xf32, #tpu.memory_space<vmem>>) target(%dma_start3A_667 : memref<32x1024xf32, #tpu.memory_space<hbm>>) target_semaphore(%arg9 : memref<!tpu.dma_semaphore, #tpu.memory_space<semaphore_mem>>)
    } else {
    }
    %convert_element_type3A_600 = arith.extui %ge3A_241 : i1 to i32
    %cond3A_601 = arith.constant 0 : i32
    %cond3A_602 = arith.constant 0 : i32
    %cond3A_603 = arith.cmpi ne, %convert_element_type3A_600, %cond3A_602 : i32
    scf.if %cond3A_603 {
      %dma_wait3A = arith.constant 0 : i32
      %dma_wait3A_648 = arith.constant 0 : i32
      %dma_wait3A_649 = tpu.memref_slice %arg7[%cond3A_601, %dma_wait3A, %dma_wait3A_648] : memref<3x32x1024xf32, #tpu.memory_space<vmem>> -> memref<1x32x1024xf32, #tpu.memory_space<vmem>>
      %dma_wait3A_650 = tpu.memref_squeeze %dma_wait3A_649 : memref<1x32x1024xf32, #tpu.memory_space<vmem>> -> memref<32x1024xf32, #tpu.memory_space<vmem>>
      %dma_wait3A_651 = arith.constant 0 : i32
      %dma_wait3A_652 = arith.constant 0 : i32
      %dma_wait3A_653 = tpu.memref_slice %arg4[%add3A_513, %dma_wait3A_651, %dma_wait3A_652] : memref<256x32x1024xf32, #tpu.memory_space<hbm>> -> memref<1x32x1024xf32, #tpu.memory_space<hbm>>
      %dma_wait3A_654 = tpu.memref_squeeze %dma_wait3A_653 : memref<1x32x1024xf32, #tpu.memory_space<hbm>> -> memref<32x1024xf32, #tpu.memory_space<hbm>>
      %dma_wait3A_655 = arith.constant 0 : i32
      %dma_wait3A_656 = arith.constant 0 : i32
      %dma_wait3A_657 = tpu.memref_slice %arg4[%add3A_513, %dma_wait3A_655, %dma_wait3A_656] : memref<256x32x1024xf32, #tpu.memory_space<hbm>> -> memref<1x32x1024xf32, #tpu.memory_space<hbm>>
      %dma_wait3A_658 = tpu.memref_squeeze %dma_wait3A_657 : memref<1x32x1024xf32, #tpu.memory_space<hbm>> -> memref<32x1024xf32, #tpu.memory_space<hbm>>
      %dma_wait3A_659 = arith.constant 0 : i32
      %dma_wait3A_660 = arith.constant 0 : i32
      %dma_wait3A_661 = tpu.memref_slice %arg7[%cond3A_601, %dma_wait3A_659, %dma_wait3A_660] : memref<3x32x1024xf32, #tpu.memory_space<vmem>> -> memref<1x32x1024xf32, #tpu.memory_space<vmem>>
      %dma_wait3A_662 = tpu.memref_squeeze %dma_wait3A_661 : memref<1x32x1024xf32, #tpu.memory_space<vmem>> -> memref<32x1024xf32, #tpu.memory_space<vmem>>
      tpu.wait_dma2 semaphore(%arg9 : memref<!tpu.dma_semaphore, #tpu.memory_space<semaphore_mem>>) src(%dma_wait3A_662 : memref<32x1024xf32, #tpu.memory_space<vmem>>) dst(%dma_wait3A_658 : memref<32x1024xf32, #tpu.memory_space<hbm>>)
    } else {
    }
    %convert_element_type3A_604 = arith.extui %ge3A_403 : i1 to i32
    %cond3A_605 = arith.constant 6 : i32
    %cond3A_606 = arith.constant 0 : i32
    %cond3A_607 = arith.constant 0 : i32
    %cond3A_608 = arith.cmpi ne, %convert_element_type3A_604, %cond3A_607 : i32
    scf.if %cond3A_608 {
      %dma_start3A = arith.constant 0 : i32
      %dma_start3A_648 = arith.constant 0 : i32
      %dma_start3A_649 = tpu.memref_slice %arg7[%cond3A_606, %dma_start3A, %dma_start3A_648] : memref<3x32x1024xf32, #tpu.memory_space<vmem>> -> memref<1x32x1024xf32, #tpu.memory_space<vmem>>
      %dma_start3A_650 = tpu.memref_squeeze %dma_start3A_649 : memref<1x32x1024xf32, #tpu.memory_space<vmem>> -> memref<32x1024xf32, #tpu.memory_space<vmem>>
      %dma_start3A_651 = arith.constant 0 : i32
      %dma_start3A_652 = tpu.memref_slice %arg6[%cond3A_605, %dma_start3A_651] : memref<8x32xi32, #tpu.memory_space<vmem>> -> memref<1x32xi32, #tpu.memory_space<vmem>>
      %dma_start3A_653 = tpu.memref_squeeze %dma_start3A_652 : memref<1x32xi32, #tpu.memory_space<vmem>> -> memref<32xi32, #tpu.memory_space<vmem>>
      %dma_start3A_654 = arith.constant 0 : i32
      %dma_start3A_655 = arith.constant 0 : i32
      %dma_start3A_656 = tpu.memref_slice %arg3[%dma_start3A_654, %dma_start3A_655] : memref<4096x1024xf32, #tpu.memory_space<hbm>> -> memref<4096x1024xf32, #tpu.memory_space<hbm>>
      tpu.enqueue_indirect_dma source(%dma_start3A_656 : memref<4096x1024xf32, #tpu.memory_space<hbm>>) target(%dma_start3A_650 : memref<32x1024xf32, #tpu.memory_space<vmem>>) offsets(%dma_start3A_653 : memref<32xi32, #tpu.memory_space<vmem>>) semaphore(%arg8 : memref<!tpu.dma_semaphore, #tpu.memory_space<semaphore_mem>>)
    } else {
    }
    %convert_element_type3A_609 = arith.extui %ge3A_349 : i1 to i32
    %cond3A_610 = arith.constant 5 : i32
    %cond3A_611 = arith.constant 2 : i32
    %cond3A_612 = arith.constant 2 : i32
    %cond3A_613 = arith.constant 0 : i32
    %cond3A_614 = arith.cmpi ne, %convert_element_type3A_609, %cond3A_613 : i32
    scf.if %cond3A_614 {
      %dma_wait3A = arith.constant 0 : i32
      %dma_wait3A_648 = arith.constant 0 : i32
      %dma_wait3A_649 = tpu.memref_slice %arg7[%cond3A_611, %dma_wait3A, %dma_wait3A_648] : memref<3x32x1024xf32, #tpu.memory_space<vmem>> -> memref<1x32x1024xf32, #tpu.memory_space<vmem>>
      %dma_wait3A_650 = tpu.memref_squeeze %dma_wait3A_649 : memref<1x32x1024xf32, #tpu.memory_space<vmem>> -> memref<32x1024xf32, #tpu.memory_space<vmem>>
      %dma_wait3A_651 = arith.constant 0 : i32
      %dma_wait3A_652 = tpu.memref_slice %arg6[%cond3A_610, %dma_wait3A_651] : memref<8x32xi32, #tpu.memory_space<vmem>> -> memref<1x32xi32, #tpu.memory_space<vmem>>
      %dma_wait3A_653 = tpu.memref_squeeze %dma_wait3A_652 : memref<1x32xi32, #tpu.memory_space<vmem>> -> memref<32xi32, #tpu.memory_space<vmem>>
      %dma_wait3A_654 = arith.constant 0 : i32
      %dma_wait3A_655 = arith.constant 0 : i32
      %dma_wait3A_656 = tpu.memref_slice %arg3[%dma_wait3A_654, %dma_wait3A_655] : memref<4096x1024xf32, #tpu.memory_space<hbm>> -> memref<4096x1024xf32, #tpu.memory_space<hbm>>
      tpu.wait_indirect_dma semaphore(%arg8 : memref<!tpu.dma_semaphore, #tpu.memory_space<semaphore_mem>>) src(%dma_wait3A_656 : memref<4096x1024xf32, #tpu.memory_space<hbm>>) dst(%dma_wait3A_650 : memref<32x1024xf32, #tpu.memory_space<vmem>>)
      %dma_start3A = arith.constant 0 : i32
      %dma_start3A_657 = arith.constant 0 : i32
      %dma_start3A_658 = tpu.memref_slice %arg7[%cond3A_612, %dma_start3A, %dma_start3A_657] : memref<3x32x1024xf32, #tpu.memory_space<vmem>> -> memref<1x32x1024xf32, #tpu.memory_space<vmem>>
      %dma_start3A_659 = tpu.memref_squeeze %dma_start3A_658 : memref<1x32x1024xf32, #tpu.memory_space<vmem>> -> memref<32x1024xf32, #tpu.memory_space<vmem>>
      %dma_start3A_660 = arith.constant 0 : i32
      %dma_start3A_661 = arith.constant 0 : i32
      %dma_start3A_662 = tpu.memref_slice %arg4[%add3A_521, %dma_start3A_660, %dma_start3A_661] : memref<256x32x1024xf32, #tpu.memory_space<hbm>> -> memref<1x32x1024xf32, #tpu.memory_space<hbm>>
      %dma_start3A_663 = tpu.memref_squeeze %dma_start3A_662 : memref<1x32x1024xf32, #tpu.memory_space<hbm>> -> memref<32x1024xf32, #tpu.memory_space<hbm>>
      %dma_start3A_664 = arith.constant 0 : i32
      %dma_start3A_665 = arith.constant 0 : i32
      %dma_start3A_666 = tpu.memref_slice %arg4[%add3A_521, %dma_start3A_664, %dma_start3A_665] : memref<256x32x1024xf32, #tpu.memory_space<hbm>> -> memref<1x32x1024xf32, #tpu.memory_space<hbm>>
      %dma_start3A_667 = tpu.memref_squeeze %dma_start3A_666 : memref<1x32x1024xf32, #tpu.memory_space<hbm>> -> memref<32x1024xf32, #tpu.memory_space<hbm>>
      %dma_start3A_668 = arith.constant 0 : i32
      %dma_start3A_669 = arith.constant 0 : i32
      %dma_start3A_670 = tpu.memref_slice %arg7[%cond3A_612, %dma_start3A_668, %dma_start3A_669] : memref<3x32x1024xf32, #tpu.memory_space<vmem>> -> memref<1x32x1024xf32, #tpu.memory_space<vmem>>
      %dma_start3A_671 = tpu.memref_squeeze %dma_start3A_670 : memref<1x32x1024xf32, #tpu.memory_space<vmem>> -> memref<32x1024xf32, #tpu.memory_space<vmem>>
      tpu.enqueue_dma source(%dma_start3A_671 : memref<32x1024xf32, #tpu.memory_space<vmem>>) target(%dma_start3A_667 : memref<32x1024xf32, #tpu.memory_space<hbm>>) target_semaphore(%arg9 : memref<!tpu.dma_semaphore, #tpu.memory_space<semaphore_mem>>)
    } else {
    }
    %convert_element_type3A_615 = arith.extui %ge3A_295 : i1 to i32
    %cond3A_616 = arith.constant 1 : i32
    %cond3A_617 = arith.constant 0 : i32
    %cond3A_618 = arith.cmpi ne, %convert_element_type3A_615, %cond3A_617 : i32
    scf.if %cond3A_618 {
      %dma_wait3A = arith.constant 0 : i32
      %dma_wait3A_648 = arith.constant 0 : i32
      %dma_wait3A_649 = tpu.memref_slice %arg7[%cond3A_616, %dma_wait3A, %dma_wait3A_648] : memref<3x32x1024xf32, #tpu.memory_space<vmem>> -> memref<1x32x1024xf32, #tpu.memory_space<vmem>>
      %dma_wait3A_650 = tpu.memref_squeeze %dma_wait3A_649 : memref<1x32x1024xf32, #tpu.memory_space<vmem>> -> memref<32x1024xf32, #tpu.memory_space<vmem>>
      %dma_wait3A_651 = arith.constant 0 : i32
      %dma_wait3A_652 = arith.constant 0 : i32
      %dma_wait3A_653 = tpu.memref_slice %arg4[%add3A_517, %dma_wait3A_651, %dma_wait3A_652] : memref<256x32x1024xf32, #tpu.memory_space<hbm>> -> memref<1x32x1024xf32, #tpu.memory_space<hbm>>
      %dma_wait3A_654 = tpu.memref_squeeze %dma_wait3A_653 : memref<1x32x1024xf32, #tpu.memory_space<hbm>> -> memref<32x1024xf32, #tpu.memory_space<hbm>>
      %dma_wait3A_655 = arith.constant 0 : i32
      %dma_wait3A_656 = arith.constant 0 : i32
      %dma_wait3A_657 = tpu.memref_slice %arg4[%add3A_517, %dma_wait3A_655, %dma_wait3A_656] : memref<256x32x1024xf32, #tpu.memory_space<hbm>> -> memref<1x32x1024xf32, #tpu.memory_space<hbm>>
      %dma_wait3A_658 = tpu.memref_squeeze %dma_wait3A_657 : memref<1x32x1024xf32, #tpu.memory_space<hbm>> -> memref<32x1024xf32, #tpu.memory_space<hbm>>
      %dma_wait3A_659 = arith.constant 0 : i32
      %dma_wait3A_660 = arith.constant 0 : i32
      %dma_wait3A_661 = tpu.memref_slice %arg7[%cond3A_616, %dma_wait3A_659, %dma_wait3A_660] : memref<3x32x1024xf32, #tpu.memory_space<vmem>> -> memref<1x32x1024xf32, #tpu.memory_space<vmem>>
      %dma_wait3A_662 = tpu.memref_squeeze %dma_wait3A_661 : memref<1x32x1024xf32, #tpu.memory_space<vmem>> -> memref<32x1024xf32, #tpu.memory_space<vmem>>
      tpu.wait_dma2 semaphore(%arg9 : memref<!tpu.dma_semaphore, #tpu.memory_space<semaphore_mem>>) src(%dma_wait3A_662 : memref<32x1024xf32, #tpu.memory_space<vmem>>) dst(%dma_wait3A_658 : memref<32x1024xf32, #tpu.memory_space<hbm>>)
    } else {
    }
    %convert_element_type3A_619 = arith.extui %ge3A_457 : i1 to i32
    %cond3A_620 = arith.constant 7 : i32
    %cond3A_621 = arith.constant 1 : i32
    %cond3A_622 = arith.constant 0 : i32
    %cond3A_623 = arith.cmpi ne, %convert_element_type3A_619, %cond3A_622 : i32
    scf.if %cond3A_623 {
      %dma_start3A = arith.constant 0 : i32
      %dma_start3A_648 = arith.constant 0 : i32
      %dma_start3A_649 = tpu.memref_slice %arg7[%cond3A_621, %dma_start3A, %dma_start3A_648] : memref<3x32x1024xf32, #tpu.memory_space<vmem>> -> memref<1x32x1024xf32, #tpu.memory_space<vmem>>
      %dma_start3A_650 = tpu.memref_squeeze %dma_start3A_649 : memref<1x32x1024xf32, #tpu.memory_space<vmem>> -> memref<32x1024xf32, #tpu.memory_space<vmem>>
      %dma_start3A_651 = arith.constant 0 : i32
      %dma_start3A_652 = tpu.memref_slice %arg6[%cond3A_620, %dma_start3A_651] : memref<8x32xi32, #tpu.memory_space<vmem>> -> memref<1x32xi32, #tpu.memory_space<vmem>>
      %dma_start3A_653 = tpu.memref_squeeze %dma_start3A_652 : memref<1x32xi32, #tpu.memory_space<vmem>> -> memref<32xi32, #tpu.memory_space<vmem>>
      %dma_start3A_654 = arith.constant 0 : i32
      %dma_start3A_655 = arith.constant 0 : i32
      %dma_start3A_656 = tpu.memref_slice %arg3[%dma_start3A_654, %dma_start3A_655] : memref<4096x1024xf32, #tpu.memory_space<hbm>> -> memref<4096x1024xf32, #tpu.memory_space<hbm>>
      tpu.enqueue_indirect_dma source(%dma_start3A_656 : memref<4096x1024xf32, #tpu.memory_space<hbm>>) target(%dma_start3A_650 : memref<32x1024xf32, #tpu.memory_space<vmem>>) offsets(%dma_start3A_653 : memref<32xi32, #tpu.memory_space<vmem>>) semaphore(%arg8 : memref<!tpu.dma_semaphore, #tpu.memory_space<semaphore_mem>>)
    } else {
    }
    %convert_element_type3A_624 = arith.extui %ge3A_403 : i1 to i32
    %cond3A_625 = arith.constant 6 : i32
    %cond3A_626 = arith.constant 0 : i32
    %cond3A_627 = arith.constant 0 : i32
    %cond3A_628 = arith.constant 0 : i32
    %cond3A_629 = arith.cmpi ne, %convert_element_type3A_624, %cond3A_628 : i32
    scf.if %cond3A_629 {
      %dma_wait3A = arith.constant 0 : i32
      %dma_wait3A_648 = arith.constant 0 : i32
      %dma_wait3A_649 = tpu.memref_slice %arg7[%cond3A_626, %dma_wait3A, %dma_wait3A_648] : memref<3x32x1024xf32, #tpu.memory_space<vmem>> -> memref<1x32x1024xf32, #tpu.memory_space<vmem>>
      %dma_wait3A_650 = tpu.memref_squeeze %dma_wait3A_649 : memref<1x32x1024xf32, #tpu.memory_space<vmem>> -> memref<32x1024xf32, #tpu.memory_space<vmem>>
      %dma_wait3A_651 = arith.constant 0 : i32
      %dma_wait3A_652 = tpu.memref_slice %arg6[%cond3A_625, %dma_wait3A_651] : memref<8x32xi32, #tpu.memory_space<vmem>> -> memref<1x32xi32, #tpu.memory_space<vmem>>
      %dma_wait3A_653 = tpu.memref_squeeze %dma_wait3A_652 : memref<1x32xi32, #tpu.memory_space<vmem>> -> memref<32xi32, #tpu.memory_space<vmem>>
      %dma_wait3A_654 = arith.constant 0 : i32
      %dma_wait3A_655 = arith.constant 0 : i32
      %dma_wait3A_656 = tpu.memref_slice %arg3[%dma_wait3A_654, %dma_wait3A_655] : memref<4096x1024xf32, #tpu.memory_space<hbm>> -> memref<4096x1024xf32, #tpu.memory_space<hbm>>
      tpu.wait_indirect_dma semaphore(%arg8 : memref<!tpu.dma_semaphore, #tpu.memory_space<semaphore_mem>>) src(%dma_wait3A_656 : memref<4096x1024xf32, #tpu.memory_space<hbm>>) dst(%dma_wait3A_650 : memref<32x1024xf32, #tpu.memory_space<vmem>>)
      %dma_start3A = arith.constant 0 : i32
      %dma_start3A_657 = arith.constant 0 : i32
      %dma_start3A_658 = tpu.memref_slice %arg7[%cond3A_627, %dma_start3A, %dma_start3A_657] : memref<3x32x1024xf32, #tpu.memory_space<vmem>> -> memref<1x32x1024xf32, #tpu.memory_space<vmem>>
      %dma_start3A_659 = tpu.memref_squeeze %dma_start3A_658 : memref<1x32x1024xf32, #tpu.memory_space<vmem>> -> memref<32x1024xf32, #tpu.memory_space<vmem>>
      %dma_start3A_660 = arith.constant 0 : i32
      %dma_start3A_661 = arith.constant 0 : i32
      %dma_start3A_662 = tpu.memref_slice %arg4[%add3A_525, %dma_start3A_660, %dma_start3A_661] : memref<256x32x1024xf32, #tpu.memory_space<hbm>> -> memref<1x32x1024xf32, #tpu.memory_space<hbm>>
      %dma_start3A_663 = tpu.memref_squeeze %dma_start3A_662 : memref<1x32x1024xf32, #tpu.memory_space<hbm>> -> memref<32x1024xf32, #tpu.memory_space<hbm>>
      %dma_start3A_664 = arith.constant 0 : i32
      %dma_start3A_665 = arith.constant 0 : i32
      %dma_start3A_666 = tpu.memref_slice %arg4[%add3A_525, %dma_start3A_664, %dma_start3A_665] : memref<256x32x1024xf32, #tpu.memory_space<hbm>> -> memref<1x32x1024xf32, #tpu.memory_space<hbm>>
      %dma_start3A_667 = tpu.memref_squeeze %dma_start3A_666 : memref<1x32x1024xf32, #tpu.memory_space<hbm>> -> memref<32x1024xf32, #tpu.memory_space<hbm>>
      %dma_start3A_668 = arith.constant 0 : i32
      %dma_start3A_669 = arith.constant 0 : i32
      %dma_start3A_670 = tpu.memref_slice %arg7[%cond3A_627, %dma_start3A_668, %dma_start3A_669] : memref<3x32x1024xf32, #tpu.memory_space<vmem>> -> memref<1x32x1024xf32, #tpu.memory_space<vmem>>
      %dma_start3A_671 = tpu.memref_squeeze %dma_start3A_670 : memref<1x32x1024xf32, #tpu.memory_space<vmem>> -> memref<32x1024xf32, #tpu.memory_space<vmem>>
      tpu.enqueue_dma source(%dma_start3A_671 : memref<32x1024xf32, #tpu.memory_space<vmem>>) target(%dma_start3A_667 : memref<32x1024xf32, #tpu.memory_space<hbm>>) target_semaphore(%arg9 : memref<!tpu.dma_semaphore, #tpu.memory_space<semaphore_mem>>)
    } else {
    }
    %convert_element_type3A_630 = arith.extui %ge3A_457 : i1 to i32
    %cond3A_631 = arith.constant 7 : i32
    %cond3A_632 = arith.constant 1 : i32
    %cond3A_633 = arith.constant 1 : i32
    %cond3A_634 = arith.constant 0 : i32
    %cond3A_635 = arith.cmpi ne, %convert_element_type3A_630, %cond3A_634 : i32
    scf.if %cond3A_635 {
      %dma_wait3A = arith.constant 0 : i32
      %dma_wait3A_648 = arith.constant 0 : i32
      %dma_wait3A_649 = tpu.memref_slice %arg7[%cond3A_632, %dma_wait3A, %dma_wait3A_648] : memref<3x32x1024xf32, #tpu.memory_space<vmem>> -> memref<1x32x1024xf32, #tpu.memory_space<vmem>>
      %dma_wait3A_650 = tpu.memref_squeeze %dma_wait3A_649 : memref<1x32x1024xf32, #tpu.memory_space<vmem>> -> memref<32x1024xf32, #tpu.memory_space<vmem>>
      %dma_wait3A_651 = arith.constant 0 : i32
      %dma_wait3A_652 = tpu.memref_slice %arg6[%cond3A_631, %dma_wait3A_651] : memref<8x32xi32, #tpu.memory_space<vmem>> -> memref<1x32xi32, #tpu.memory_space<vmem>>
      %dma_wait3A_653 = tpu.memref_squeeze %dma_wait3A_652 : memref<1x32xi32, #tpu.memory_space<vmem>> -> memref<32xi32, #tpu.memory_space<vmem>>
      %dma_wait3A_654 = arith.constant 0 : i32
      %dma_wait3A_655 = arith.constant 0 : i32
      %dma_wait3A_656 = tpu.memref_slice %arg3[%dma_wait3A_654, %dma_wait3A_655] : memref<4096x1024xf32, #tpu.memory_space<hbm>> -> memref<4096x1024xf32, #tpu.memory_space<hbm>>
      tpu.wait_indirect_dma semaphore(%arg8 : memref<!tpu.dma_semaphore, #tpu.memory_space<semaphore_mem>>) src(%dma_wait3A_656 : memref<4096x1024xf32, #tpu.memory_space<hbm>>) dst(%dma_wait3A_650 : memref<32x1024xf32, #tpu.memory_space<vmem>>)
      %dma_start3A = arith.constant 0 : i32
      %dma_start3A_657 = arith.constant 0 : i32
      %dma_start3A_658 = tpu.memref_slice %arg7[%cond3A_633, %dma_start3A, %dma_start3A_657] : memref<3x32x1024xf32, #tpu.memory_space<vmem>> -> memref<1x32x1024xf32, #tpu.memory_space<vmem>>
      %dma_start3A_659 = tpu.memref_squeeze %dma_start3A_658 : memref<1x32x1024xf32, #tpu.memory_space<vmem>> -> memref<32x1024xf32, #tpu.memory_space<vmem>>
      %dma_start3A_660 = arith.constant 0 : i32
      %dma_start3A_661 = arith.constant 0 : i32
      %dma_start3A_662 = tpu.memref_slice %arg4[%add3A_529, %dma_start3A_660, %dma_start3A_661] : memref<256x32x1024xf32, #tpu.memory_space<hbm>> -> memref<1x32x1024xf32, #tpu.memory_space<hbm>>
      %dma_start3A_663 = tpu.memref_squeeze %dma_start3A_662 : memref<1x32x1024xf32, #tpu.memory_space<hbm>> -> memref<32x1024xf32, #tpu.memory_space<hbm>>
      %dma_start3A_664 = arith.constant 0 : i32
      %dma_start3A_665 = arith.constant 0 : i32
      %dma_start3A_666 = tpu.memref_slice %arg4[%add3A_529, %dma_start3A_664, %dma_start3A_665] : memref<256x32x1024xf32, #tpu.memory_space<hbm>> -> memref<1x32x1024xf32, #tpu.memory_space<hbm>>
      %dma_start3A_667 = tpu.memref_squeeze %dma_start3A_666 : memref<1x32x1024xf32, #tpu.memory_space<hbm>> -> memref<32x1024xf32, #tpu.memory_space<hbm>>
      %dma_start3A_668 = arith.constant 0 : i32
      %dma_start3A_669 = arith.constant 0 : i32
      %dma_start3A_670 = tpu.memref_slice %arg7[%cond3A_633, %dma_start3A_668, %dma_start3A_669] : memref<3x32x1024xf32, #tpu.memory_space<vmem>> -> memref<1x32x1024xf32, #tpu.memory_space<vmem>>
      %dma_start3A_671 = tpu.memref_squeeze %dma_start3A_670 : memref<1x32x1024xf32, #tpu.memory_space<vmem>> -> memref<32x1024xf32, #tpu.memory_space<vmem>>
      tpu.enqueue_dma source(%dma_start3A_671 : memref<32x1024xf32, #tpu.memory_space<vmem>>) target(%dma_start3A_667 : memref<32x1024xf32, #tpu.memory_space<hbm>>) target_semaphore(%arg9 : memref<!tpu.dma_semaphore, #tpu.memory_space<semaphore_mem>>)
    } else {
    }
    %convert_element_type3A_636 = arith.extui %ge3A_349 : i1 to i32
    %cond3A_637 = arith.constant 2 : i32
    %cond3A_638 = arith.constant 0 : i32
    %cond3A_639 = arith.cmpi ne, %convert_element_type3A_636, %cond3A_638 : i32
    scf.if %cond3A_639 {
      %dma_wait3A = arith.constant 0 : i32
      %dma_wait3A_648 = arith.constant 0 : i32
      %dma_wait3A_649 = tpu.memref_slice %arg7[%cond3A_637, %dma_wait3A, %dma_wait3A_648] : memref<3x32x1024xf32, #tpu.memory_space<vmem>> -> memref<1x32x1024xf32, #tpu.memory_space<vmem>>
      %dma_wait3A_650 = tpu.memref_squeeze %dma_wait3A_649 : memref<1x32x1024xf32, #tpu.memory_space<vmem>> -> memref<32x1024xf32, #tpu.memory_space<vmem>>
      %dma_wait3A_651 = arith.constant 0 : i32
      %dma_wait3A_652 = arith.constant 0 : i32
      %dma_wait3A_653 = tpu.memref_slice %arg4[%add3A_521, %dma_wait3A_651, %dma_wait3A_652] : memref<256x32x1024xf32, #tpu.memory_space<hbm>> -> memref<1x32x1024xf32, #tpu.memory_space<hbm>>
      %dma_wait3A_654 = tpu.memref_squeeze %dma_wait3A_653 : memref<1x32x1024xf32, #tpu.memory_space<hbm>> -> memref<32x1024xf32, #tpu.memory_space<hbm>>
      %dma_wait3A_655 = arith.constant 0 : i32
      %dma_wait3A_656 = arith.constant 0 : i32
      %dma_wait3A_657 = tpu.memref_slice %arg4[%add3A_521, %dma_wait3A_655, %dma_wait3A_656] : memref<256x32x1024xf32, #tpu.memory_space<hbm>> -> memref<1x32x1024xf32, #tpu.memory_space<hbm>>
      %dma_wait3A_658 = tpu.memref_squeeze %dma_wait3A_657 : memref<1x32x1024xf32, #tpu.memory_space<hbm>> -> memref<32x1024xf32, #tpu.memory_space<hbm>>
      %dma_wait3A_659 = arith.constant 0 : i32
      %dma_wait3A_660 = arith.constant 0 : i32
      %dma_wait3A_661 = tpu.memref_slice %arg7[%cond3A_637, %dma_wait3A_659, %dma_wait3A_660] : memref<3x32x1024xf32, #tpu.memory_space<vmem>> -> memref<1x32x1024xf32, #tpu.memory_space<vmem>>
      %dma_wait3A_662 = tpu.memref_squeeze %dma_wait3A_661 : memref<1x32x1024xf32, #tpu.memory_space<vmem>> -> memref<32x1024xf32, #tpu.memory_space<vmem>>
      tpu.wait_dma2 semaphore(%arg9 : memref<!tpu.dma_semaphore, #tpu.memory_space<semaphore_mem>>) src(%dma_wait3A_662 : memref<32x1024xf32, #tpu.memory_space<vmem>>) dst(%dma_wait3A_658 : memref<32x1024xf32, #tpu.memory_space<hbm>>)
    } else {
    }
    %convert_element_type3A_640 = arith.extui %ge3A_403 : i1 to i32
    %cond3A_641 = arith.constant 0 : i32
    %cond3A_642 = arith.constant 0 : i32
    %cond3A_643 = arith.cmpi ne, %convert_element_type3A_640, %cond3A_642 : i32
    scf.if %cond3A_643 {
      %dma_wait3A = arith.constant 0 : i32
      %dma_wait3A_648 = arith.constant 0 : i32
      %dma_wait3A_649 = tpu.memref_slice %arg7[%cond3A_641, %dma_wait3A, %dma_wait3A_648] : memref<3x32x1024xf32, #tpu.memory_space<vmem>> -> memref<1x32x1024xf32, #tpu.memory_space<vmem>>
      %dma_wait3A_650 = tpu.memref_squeeze %dma_wait3A_649 : memref<1x32x1024xf32, #tpu.memory_space<vmem>> -> memref<32x1024xf32, #tpu.memory_space<vmem>>
      %dma_wait3A_651 = arith.constant 0 : i32
      %dma_wait3A_652 = arith.constant 0 : i32
      %dma_wait3A_653 = tpu.memref_slice %arg4[%add3A_525, %dma_wait3A_651, %dma_wait3A_652] : memref<256x32x1024xf32, #tpu.memory_space<hbm>> -> memref<1x32x1024xf32, #tpu.memory_space<hbm>>
      %dma_wait3A_654 = tpu.memref_squeeze %dma_wait3A_653 : memref<1x32x1024xf32, #tpu.memory_space<hbm>> -> memref<32x1024xf32, #tpu.memory_space<hbm>>
      %dma_wait3A_655 = arith.constant 0 : i32
      %dma_wait3A_656 = arith.constant 0 : i32
      %dma_wait3A_657 = tpu.memref_slice %arg4[%add3A_525, %dma_wait3A_655, %dma_wait3A_656] : memref<256x32x1024xf32, #tpu.memory_space<hbm>> -> memref<1x32x1024xf32, #tpu.memory_space<hbm>>
      %dma_wait3A_658 = tpu.memref_squeeze %dma_wait3A_657 : memref<1x32x1024xf32, #tpu.memory_space<hbm>> -> memref<32x1024xf32, #tpu.memory_space<hbm>>
      %dma_wait3A_659 = arith.constant 0 : i32
      %dma_wait3A_660 = arith.constant 0 : i32
      %dma_wait3A_661 = tpu.memref_slice %arg7[%cond3A_641, %dma_wait3A_659, %dma_wait3A_660] : memref<3x32x1024xf32, #tpu.memory_space<vmem>> -> memref<1x32x1024xf32, #tpu.memory_space<vmem>>
      %dma_wait3A_662 = tpu.memref_squeeze %dma_wait3A_661 : memref<1x32x1024xf32, #tpu.memory_space<vmem>> -> memref<32x1024xf32, #tpu.memory_space<vmem>>
      tpu.wait_dma2 semaphore(%arg9 : memref<!tpu.dma_semaphore, #tpu.memory_space<semaphore_mem>>) src(%dma_wait3A_662 : memref<32x1024xf32, #tpu.memory_space<vmem>>) dst(%dma_wait3A_658 : memref<32x1024xf32, #tpu.memory_space<hbm>>)
    } else {
    }
    %convert_element_type3A_644 = arith.extui %ge3A_457 : i1 to i32
    %cond3A_645 = arith.constant 1 : i32
    %cond3A_646 = arith.constant 0 : i32
    %cond3A_647 = arith.cmpi ne, %convert_element_type3A_644, %cond3A_646 : i32
    scf.if %cond3A_647 {
      %dma_wait3A = arith.constant 0 : i32
      %dma_wait3A_648 = arith.constant 0 : i32
      %dma_wait3A_649 = tpu.memref_slice %arg7[%cond3A_645, %dma_wait3A, %dma_wait3A_648] : memref<3x32x1024xf32, #tpu.memory_space<vmem>> -> memref<1x32x1024xf32, #tpu.memory_space<vmem>>
      %dma_wait3A_650 = tpu.memref_squeeze %dma_wait3A_649 : memref<1x32x1024xf32, #tpu.memory_space<vmem>> -> memref<32x1024xf32, #tpu.memory_space<vmem>>
      %dma_wait3A_651 = arith.constant 0 : i32
      %dma_wait3A_652 = arith.constant 0 : i32
      %dma_wait3A_653 = tpu.memref_slice %arg4[%add3A_529, %dma_wait3A_651, %dma_wait3A_652] : memref<256x32x1024xf32, #tpu.memory_space<hbm>> -> memref<1x32x1024xf32, #tpu.memory_space<hbm>>
      %dma_wait3A_654 = tpu.memref_squeeze %dma_wait3A_653 : memref<1x32x1024xf32, #tpu.memory_space<hbm>> -> memref<32x1024xf32, #tpu.memory_space<hbm>>
      %dma_wait3A_655 = arith.constant 0 : i32
      %dma_wait3A_656 = arith.constant 0 : i32
      %dma_wait3A_657 = tpu.memref_slice %arg4[%add3A_529, %dma_wait3A_655, %dma_wait3A_656] : memref<256x32x1024xf32, #tpu.memory_space<hbm>> -> memref<1x32x1024xf32, #tpu.memory_space<hbm>>
      %dma_wait3A_658 = tpu.memref_squeeze %dma_wait3A_657 : memref<1x32x1024xf32, #tpu.memory_space<hbm>> -> memref<32x1024xf32, #tpu.memory_space<hbm>>
      %dma_wait3A_659 = arith.constant 0 : i32
      %dma_wait3A_660 = arith.constant 0 : i32
      %dma_wait3A_661 = tpu.memref_slice %arg7[%cond3A_645, %dma_wait3A_659, %dma_wait3A_660] : memref<3x32x1024xf32, #tpu.memory_space<vmem>> -> memref<1x32x1024xf32, #tpu.memory_space<vmem>>
      %dma_wait3A_662 = tpu.memref_squeeze %dma_wait3A_661 : memref<1x32x1024xf32, #tpu.memory_space<vmem>> -> memref<32x1024xf32, #tpu.memory_space<vmem>>
      tpu.wait_dma2 semaphore(%arg9 : memref<!tpu.dma_semaphore, #tpu.memory_space<semaphore_mem>>) src(%dma_wait3A_662 : memref<32x1024xf32, #tpu.memory_space<vmem>>) dst(%dma_wait3A_658 : memref<32x1024xf32, #tpu.memory_space<hbm>>)
    } else {
    }
    return
  }
}

module attributes {stable_mosaic.version = 14 : i64} {
  func.func @_routing_body(%arg0: i32, %arg1: memref<512x1024xf32, #tpu.memory_space<vmem>>, %arg2: memref<64x1024xf32, #tpu.memory_space<vmem>>, %arg3: memref<512x64xf32, #tpu.memory_space<vmem>>, %arg4: memref<512xi32, #tpu.memory_space<vmem>>, %arg5: memref<1x64xf32, #tpu.memory_space<vmem>>) attributes {dimension_semantics = [#tpu.dimension_semantics<arbitrary>], iteration_bounds = array<i64: 8>, scalar_prefetch = 0 : i64, scratch_operands = 1 : i64, tpu.core_type = #tpu.core_type<tc>, window_params = [{transform_indices = @transform_0, window_bounds = array<i64: 512, 1024>}, {pipeline_mode = #tpu.pipeline_mode<synchronous>, transform_indices = @transform_1, window_bounds = array<i64: 64, 1024>}, {transform_indices = @transform_2, window_bounds = array<i64: 512, 64>}, {transform_indices = @transform_3, window_bounds = array<i64: 512>}]} {
    %eq3A = arith.constant 0 : i32
    %eq3A_0 = arith.cmpi eq, %arg0, %eq3A : i32
    %convert_element_type3A = arith.extui %eq3A_0 : i1 to i32
    %cond3A = arith.constant 0 : i32
    %cond3A_1 = arith.cmpi ne, %convert_element_type3A, %cond3A : i32
    scf.if %cond3A_1 {
      %broadcast_in_dim3A_48 = arith.constant 0.000000e+00 : f32
      %broadcast_in_dim3A_49 = vector.broadcast %broadcast_in_dim3A_48 : f32 to vector<1x64xf32>
      %swap3A_50 = arith.constant 0 : index
      %swap3A_51 = arith.constant 0 : index
      %swap3A_52 = vector.load %arg5[%swap3A_50, %swap3A_51] : memref<1x64xf32, #tpu.memory_space<vmem>>, vector<1x64xf32>
      tpu.vector_store %arg5[%swap3A_50, %swap3A_51], %broadcast_in_dim3A_49 {strides = array<i32>} : memref<1x64xf32, #tpu.memory_space<vmem>>, vector<1x64xf32>,
    } else {
    }
    %get3A = arith.constant 0 : index
    %get3A_2 = arith.constant 0 : index
    %get3A_3 = vector.load %arg1[%get3A, %get3A_2] : memref<512x1024xf32, #tpu.memory_space<vmem>>, vector<512x1024xf32>
    %get3A_4 = arith.constant 0 : index
    %get3A_5 = arith.constant 0 : index
    %get3A_6 = vector.load %arg2[%get3A_4, %get3A_5] : memref<64x1024xf32, #tpu.memory_space<vmem>>, vector<64x1024xf32>
    %dot_general3A = arith.constant dense<0.000000e+00> : vector<512x64xf32>
    %dot_general3A_7 = tpu.matmul %get3A_3, %get3A_6, %dot_general3A {dimension_numbers = #tpu.dot_dimension_numbers<[1], [1], [0], [0], [0, 0, 1, 0], [], []>, transpose_lhs_hint = false} : vector<512x1024xf32>, vector<64x1024xf32>, vector<512x64xf32> -> vector<512x64xf32>
    %swap3A = arith.constant 0 : index
    %swap3A_8 = arith.constant 0 : index
    %swap3A_9 = vector.load %arg3[%swap3A, %swap3A_8] : memref<512x64xf32, #tpu.memory_space<vmem>>, vector<512x64xf32>
    tpu.vector_store %arg3[%swap3A, %swap3A_8], %dot_general3A_7 {strides = array<i32>} : memref<512x64xf32, #tpu.memory_space<vmem>>, vector<512x64xf32>,
    %reduce_max3A = arith.constant dense<0xFF800000> : vector<512xf32>
    %reduce_max3A_10 = vector.multi_reduction <maximumf>, %dot_general3A_7, %reduce_max3A [1] : vector<512x64xf32> to vector<512xf32>
    %broadcast_in_dim3A = vector.shape_cast %reduce_max3A_10 : vector<512xf32> to vector<512x1xf32>
    %iota3A = tpu.iota {dimensions = array<i32: 1>} : vector<512x64xi32>
    %eq3A_11 = vector.broadcast %broadcast_in_dim3A : vector<512x1xf32> to vector<512x64xf32>
    %eq3A_12 = arith.cmpf oeq, %dot_general3A_7, %eq3A_11 : vector<512x64xf32>
    %jit3A = arith.constant 64 : i32
    %broadcast_in_dim3A_13 = vector.broadcast %jit3A : i32 to vector<512x64xi32>
    %select_n3A = arith.select %eq3A_12, %iota3A, %broadcast_in_dim3A_13 : vector<512x64xi1>, vector<512x64xi32>
    %reduce_min3A = arith.constant dense<2147483647> : vector<512xi32>
    %reduce_min3A_14 = vector.multi_reduction <minsi>, %select_n3A, %reduce_min3A [1] : vector<512x64xi32> to vector<512xi32>
    %broadcast_in_dim3A_15 = vector.shape_cast %reduce_min3A_14 : vector<512xi32> to vector<512x1xi32>
    %eq3A_16 = vector.broadcast %broadcast_in_dim3A_15 : vector<512x1xi32> to vector<512x64xi32>
    %eq3A_17 = arith.cmpi eq, %iota3A, %eq3A_16 : vector<512x64xi32>
    %convert_element_type3A_18 = arith.extui %eq3A_17 : vector<512x64xi1> to vector<512x64xi32>
    %convert_element_type3A_19 = arith.sitofp %convert_element_type3A_18 : vector<512x64xi32> to vector<512x64xf32>
    %iota3A_20 = tpu.iota {dimensions = array<i32: 0>} : vector<512x512xi32>
    %iota3A_21 = tpu.iota {dimensions = array<i32: 1>} : vector<512x512xi32>
    %le3A = arith.cmpi sle, %iota3A_21, %iota3A_20 : vector<512x512xi32>
    %convert_element_type3A_22 = arith.extui %le3A : vector<512x512xi1> to vector<512x512xi32>
    %convert_element_type3A_23 = arith.sitofp %convert_element_type3A_22 : vector<512x512xi32> to vector<512x512xf32>
    %dot_general3A_24 = arith.constant dense<0.000000e+00> : vector<512x64xf32>
    %dot_general3A_25 = tpu.matmul %convert_element_type3A_23, %convert_element_type3A_19, %dot_general3A_24 {dimension_numbers = #tpu.dot_dimension_numbers<[1], [0], [0], [1], [0, 0, 1, 1], [], []>, transpose_lhs_hint = false} : vector<512x512xf32>, vector<512x64xf32>, vector<512x64xf32> -> vector<512x64xf32>
    %get3A_26 = arith.constant 0 : index
    %get3A_27 = arith.constant 0 : index
    %get3A_28 = vector.load %arg5[%get3A_26, %get3A_27] : memref<1x64xf32, #tpu.memory_space<vmem>>, vector<1x64xf32>
    %add3A = vector.broadcast %get3A_28 : vector<1x64xf32> to vector<512x64xf32>
    %add3A_29 = arith.addf %dot_general3A_25, %add3A : vector<512x64xf32>
    %slice3A = vector.extract_strided_slice %add3A_29 {offsets = [511, 0], sizes = [1, 64], strides = [1, 1]} : vector<512x64xf32> to vector<1x64xf32>
    %swap3A_30 = arith.constant 0 : index
    %swap3A_31 = arith.constant 0 : index
    %swap3A_32 = vector.load %arg5[%swap3A_30, %swap3A_31] : memref<1x64xf32, #tpu.memory_space<vmem>>, vector<1x64xf32>
    tpu.vector_store %arg5[%swap3A_30, %swap3A_31], %slice3A {strides = array<i32>} : memref<1x64xf32, #tpu.memory_space<vmem>>, vector<1x64xf32>,
    %mul3A = arith.mulf %add3A_29, %convert_element_type3A_19 : vector<512x64xf32>
    %reduce_sum3A = arith.constant dense<0.000000e+00> : vector<512xf32>
    %reduce_sum3A_33 = vector.multi_reduction <add>, %mul3A, %reduce_sum3A [1] : vector<512x64xf32> to vector<512xf32>
    %convert_element_type3A_34 = arith.fptosi %reduce_sum3A_33 : vector<512xf32> to vector<512xi32>
    %sub3A = arith.constant 1 : i32
    %sub3A_35 = vector.broadcast %sub3A : i32 to vector<512xi32>
    %sub3A_36 = arith.subi %convert_element_type3A_34, %sub3A_35 : vector<512xi32>
    %mul3A_37 = arith.constant 128 : i32
    %mul3A_38 = vector.broadcast %mul3A_37 : i32 to vector<512xi32>
    %mul3A_39 = arith.muli %reduce_min3A_14, %mul3A_38 : vector<512xi32>
    %add3A_40 = arith.addi %mul3A_39, %sub3A_36 : vector<512xi32>
    %lt3A = arith.constant 128 : i32
    %lt3A_41 = vector.broadcast %lt3A : i32 to vector<512xi32>
    %lt3A_42 = arith.cmpi slt, %sub3A_36, %lt3A_41 : vector<512xi32>
    %jit3A_43 = arith.constant 8192 : i32
    %broadcast_in_dim3A_44 = vector.broadcast %jit3A_43 : i32 to vector<512xi32>
    %select_n3A_45 = arith.select %lt3A_42, %add3A_40, %broadcast_in_dim3A_44 : vector<512xi1>, vector<512xi32>
    %swap3A_46 = arith.constant 0 : index
    %swap3A_47 = vector.load %arg4[%swap3A_46] : memref<512xi32, #tpu.memory_space<vmem>>, vector<512xi32>
    tpu.vector_store %arg4[%swap3A_46], %select_n3A_45 {strides = array<i32>} : memref<512xi32, #tpu.memory_space<vmem>>, vector<512xi32>,
    return
  }
  func.func @transform_0(%arg0: i32) -> (i32, i32) {
    %c0_i32 = arith.constant 0 : i32
    %c0_i32_0 = arith.constant 0 : i32
    return %arg0, %c0_i32 : i32, i32
  }
  func.func @transform_1(%arg0: i32) -> (i32, i32) {
    %c0_i32 = arith.constant 0 : i32
    %c0_i32_0 = arith.constant 0 : i32
    %c0_i32_1 = arith.constant 0 : i32
    return %c0_i32, %c0_i32_0 : i32, i32
  }
  func.func @transform_2(%arg0: i32) -> (i32, i32) {
    %c0_i32 = arith.constant 0 : i32
    %c0_i32_0 = arith.constant 0 : i32
    return %arg0, %c0_i32 : i32, i32
  }
  func.func @transform_3(%arg0: i32) -> i32 {
    %c0_i32 = arith.constant 0 : i32
    return %arg0 : i32
  }
}

module attributes {stable_mosaic.version = 14 : i64} {
  func.func @_ffn_body(%arg0: i32, %arg1: memref<128x1024xf32, #tpu.memory_space<vmem>>, %arg2: memref<1x1024x1024xf32, #tpu.memory_space<vmem>>, %arg3: memref<1x1024x1024xf32, #tpu.memory_space<vmem>>, %arg4: memref<1x1024x1024xf32, #tpu.memory_space<vmem>>, %arg5: memref<128x1024xf32, #tpu.memory_space<vmem>>) attributes {dimension_semantics = [#tpu.dimension_semantics<arbitrary>], iteration_bounds = array<i64: 65>, scalar_prefetch = 0 : i64, scratch_operands = 0 : i64, tpu.core_type = #tpu.core_type<tc>, window_params = [{transform_indices = @transform_0, window_bounds = array<i64: 128, 1024>}, {transform_indices = @transform_1, window_bounds = array<i64: 1, 1024, 1024>}, {transform_indices = @transform_2, window_bounds = array<i64: 1, 1024, 1024>}, {transform_indices = @transform_3, window_bounds = array<i64: 1, 1024, 1024>}, {transform_indices = @transform_4, window_bounds = array<i64: 128, 1024>}]} {
    %lt3A = arith.constant 64 : i32
    %lt3A_0 = arith.cmpi slt, %arg0, %lt3A : i32
    %convert_element_type3A = arith.extui %lt3A_0 : i1 to i32
    %cond3A = arith.constant 0 : i32
    %cond3A_1 = arith.cmpi ne, %convert_element_type3A, %cond3A : i32
    scf.if %cond3A_1 {
      %get3A = arith.constant 0 : index
      %get3A_6 = arith.constant 0 : index
      %get3A_7 = vector.load %arg1[%get3A, %get3A_6] : memref<128x1024xf32, #tpu.memory_space<vmem>>, vector<128x1024xf32>
      %get3A_8 = arith.constant 0 : index
      %get3A_9 = arith.constant 0 : index
      %get3A_10 = arith.constant 0 : index
      %get3A_11 = vector.load %arg2[%get3A_8, %get3A_9, %get3A_10] : memref<1x1024x1024xf32, #tpu.memory_space<vmem>>, vector<1x1024x1024xf32>
      %get3A_12 = vector.shape_cast %get3A_11 : vector<1x1024x1024xf32> to vector<1024x1024xf32>
      %dot_general3A = arith.constant dense<0.000000e+00> : vector<128x1024xf32>
      %dot_general3A_13 = tpu.matmul %get3A_7, %get3A_12, %dot_general3A {dimension_numbers = #tpu.dot_dimension_numbers<[1], [0], [0], [1], [0, 0, 1, 1], [], []>, transpose_lhs_hint = false} : vector<128x1024xf32>, vector<1024x1024xf32>, vector<128x1024xf32> -> vector<128x1024xf32>
      %get3A_14 = arith.constant 0 : index
      %get3A_15 = arith.constant 0 : index
      %get3A_16 = arith.constant 0 : index
      %get3A_17 = vector.load %arg3[%get3A_14, %get3A_15, %get3A_16] : memref<1x1024x1024xf32, #tpu.memory_space<vmem>>, vector<1x1024x1024xf32>
      %get3A_18 = vector.shape_cast %get3A_17 : vector<1x1024x1024xf32> to vector<1024x1024xf32>
      %dot_general3A_19 = arith.constant dense<0.000000e+00> : vector<128x1024xf32>
      %dot_general3A_20 = tpu.matmul %get3A_7, %get3A_18, %dot_general3A_19 {dimension_numbers = #tpu.dot_dimension_numbers<[1], [0], [0], [1], [0, 0, 1, 1], [], []>, transpose_lhs_hint = false} : vector<128x1024xf32>, vector<1024x1024xf32>, vector<128x1024xf32> -> vector<128x1024xf32>
      %neg3A = arith.constant 0.000000e+00 : f32
      %neg3A_21 = vector.broadcast %neg3A : f32 to vector<128x1024xf32>
      %neg3A_22 = arith.subf %neg3A_21, %dot_general3A_13 : vector<128x1024xf32>
      %exp3A = math.exp %neg3A_22 : vector<128x1024xf32>
      %add3A = arith.constant 1.000000e+00 : f32
      %add3A_23 = vector.broadcast %add3A : f32 to vector<128x1024xf32>
      %add3A_24 = arith.addf %add3A_23, %exp3A : vector<128x1024xf32>
      %div3A = arith.constant 1.000000e+00 : f32
      %div3A_25 = vector.broadcast %div3A : f32 to vector<128x1024xf32>
      %div3A_26 = arith.divf %div3A_25, %add3A_24 : vector<128x1024xf32>
      %mul3A = arith.mulf %dot_general3A_13, %div3A_26 : vector<128x1024xf32>
      %mul3A_27 = arith.mulf %mul3A, %dot_general3A_20 : vector<128x1024xf32>
      %get3A_28 = arith.constant 0 : index
      %get3A_29 = arith.constant 0 : index
      %get3A_30 = arith.constant 0 : index
      %get3A_31 = vector.load %arg4[%get3A_28, %get3A_29, %get3A_30] : memref<1x1024x1024xf32, #tpu.memory_space<vmem>>, vector<1x1024x1024xf32>
      %get3A_32 = vector.shape_cast %get3A_31 : vector<1x1024x1024xf32> to vector<1024x1024xf32>
      %dot_general3A_33 = arith.constant dense<0.000000e+00> : vector<128x1024xf32>
      %dot_general3A_34 = tpu.matmul %mul3A_27, %get3A_32, %dot_general3A_33 {dimension_numbers = #tpu.dot_dimension_numbers<[1], [0], [0], [1], [0, 0, 1, 1], [], []>, transpose_lhs_hint = false} : vector<128x1024xf32>, vector<1024x1024xf32>, vector<128x1024xf32> -> vector<128x1024xf32>
      %swap3A = arith.constant 0 : index
      %swap3A_35 = arith.constant 0 : index
      %swap3A_36 = vector.load %arg5[%swap3A, %swap3A_35] : memref<128x1024xf32, #tpu.memory_space<vmem>>, vector<128x1024xf32>
      tpu.vector_store %arg5[%swap3A, %swap3A_35], %dot_general3A_34 {strides = array<i32>} : memref<128x1024xf32, #tpu.memory_space<vmem>>, vector<128x1024xf32>,
    } else {
    }
    %eq3A = arith.constant 64 : i32
    %eq3A_2 = arith.cmpi eq, %arg0, %eq3A : i32
    %convert_element_type3A_3 = arith.extui %eq3A_2 : i1 to i32
    %cond3A_4 = arith.constant 0 : i32
    %cond3A_5 = arith.cmpi ne, %convert_element_type3A_3, %cond3A_4 : i32
    scf.if %cond3A_5 {
      %broadcast_in_dim3A = arith.constant 0.000000e+00 : f32
      %broadcast_in_dim3A_6 = vector.broadcast %broadcast_in_dim3A : f32 to vector<128x1024xf32>
      %swap3A = arith.constant 0 : index
      %swap3A_7 = arith.constant 0 : index
      %swap3A_8 = vector.load %arg5[%swap3A, %swap3A_7] : memref<128x1024xf32, #tpu.memory_space<vmem>>, vector<128x1024xf32>
      tpu.vector_store %arg5[%swap3A, %swap3A_7], %broadcast_in_dim3A_6 {strides = array<i32>} : memref<128x1024xf32, #tpu.memory_space<vmem>>, vector<128x1024xf32>,
    } else {
    }
    return
  }
  func.func @transform_0(%arg0: i32) -> (i32, i32) {
    %min3A = arith.constant 63 : i32
    %min3A_0 = arith.minsi %arg0, %min3A : i32
    %c0_i32 = arith.constant 0 : i32
    %c0_i32_1 = arith.constant 0 : i32
    return %min3A_0, %c0_i32 : i32, i32
  }
  func.func @transform_1(%arg0: i32) -> (i32, i32, i32) {
    %min3A = arith.constant 63 : i32
    %min3A_0 = arith.minsi %arg0, %min3A : i32
    %c0_i32 = arith.constant 0 : i32
    %c0_i32_1 = arith.constant 0 : i32
    %c0_i32_2 = arith.constant 0 : i32
    return %min3A_0, %c0_i32, %c0_i32_1 : i32, i32, i32
  }
  func.func @transform_2(%arg0: i32) -> (i32, i32, i32) {
    %min3A = arith.constant 63 : i32
    %min3A_0 = arith.minsi %arg0, %min3A : i32
    %c0_i32 = arith.constant 0 : i32
    %c0_i32_1 = arith.constant 0 : i32
    %c0_i32_2 = arith.constant 0 : i32
    return %min3A_0, %c0_i32, %c0_i32_1 : i32, i32, i32
  }
  func.func @transform_3(%arg0: i32) -> (i32, i32, i32) {
    %min3A = arith.constant 63 : i32
    %min3A_0 = arith.minsi %arg0, %min3A : i32
    %c0_i32 = arith.constant 0 : i32
    %c0_i32_1 = arith.constant 0 : i32
    %c0_i32_2 = arith.constant 0 : i32
    return %min3A_0, %c0_i32, %c0_i32_1 : i32, i32, i32
  }
  func.func @transform_4(%arg0: i32) -> (i32, i32) {
    %c0_i32 = arith.constant 0 : i32
    %c0_i32_0 = arith.constant 0 : i32
    return %arg0, %c0_i32 : i32, i32
  }
}

</mosaic_0001>

<sc_bundles>
// kernel: kernel.6.cloned.1.call-start
scs
__scs_entry_jumppad:
0x0: {  	(pc) =	sbr.rel $0x88, $3  }
0x1: {  	(tag) =	ssettag $0x0;
	lr =	simm.s32 $0x1  }
0x2: {  	[smem:$0x3F9C] =	sst lr;
	_ =	strace $0xD0000000  }
0x3: {  	_ = 	snop  }
0x4: {  	_ = 	snop  }
0x5: {  	_ = 	snop  }
0x6: {  	_ = 	snop  }
0x7: {  	_ = 	snop  }
__scs_overlays_trampoline_lowered:
0x8: {  	[smem:$0x3FAB] =	sst s0  }
0x9: {  	[smem:$0x3FAC] =	sst s1  }
0xa: {  	[smem:$0x3FAD] =	sst s2  }
0xb: {  	[smem:$0x3FAE] =	sst s3  }
0xc: {  	[smem:$0x3FAF] =	sst s4  }
0xd: {  	[smem:$0x3FB0] =	sst s5  }
0xe: {  	[smem:$0x3FB1] =	sst s6  }
0xf: {  	[smem:$0x3FB2] =	sst s7  }
0x10: {  	[smem:$0x3FB3] =	sst s8  }
0x11: {  	[smem:$0x3FB4] =	sst s9;
	s0 =	simm.s32 @!p0 $0x0  }
0x12: {  	s1 =	sld [smem:$0x3F9A];
	s0 =	simm.s32 @p0 $0x1  }
0x13: {  	[smem:$0x3FB5] =	sst s0;
	s0 =	simm.s32 @!p1 $0x0  }
0x14: {  	s2 =	sld [smem:$0x3F99];
	s0 =	simm.s32 @p1 $0x1  }
0x15: {  	[smem:$0x3FB6] =	sst s0;
	s0 =	simm.s32 @!p2 $0x0  }
0x16: {  	s3 =	sld [smem:$0x3FDB];
	s0 =	simm.s32 @p2 $0x1  }
0x17: {  	s4 =	simm.s32 $0x1BF5;
	[smem:$0x3FB8] =	sst s0  }
0x18: {  	s0 =	sld [smem:$0x3F9B];
	_ =	swait.ge [sflag:s4], $0x0  }
0x19: {  	s7 =	sld [smem:$0x3F9C]  }
0x1a: {  	s8 =	sadd.s32 $0xFFFFE003, lr  }
0x1b: {  	s9 =	sadd.s32 $0xFFFFFEF7, lr;
	s5 =	simm.s32 $0xFFFFFFFF;
	p2 =	slt.u32 s8, $0xFFFFF086  }
0x1c: {  	p1 =	slt.u32 s9, $0xF7A;
	s5 =	simm.s32 @!p2 $0x0  }
0x1d: {  	s5 =	simm.s32 @p1 $0x1;
	p0 =	seq.s32 s7, s2  }
0x1e: {  	s7 =	smul.u32 @!p0 $0xF7A, s2;
	p2 =	seq.s32 @!p0 s5, $0x0  }
0x1f: {  	s9 =	smul.u32 $0xF7A, s1;
	s8 =	simm.s32 @!p0 $0x1BF5;
	p2 =	por !p2, p0  }
0x20: {  	[sflag:s8] =	ssyncset.s32 @!p0 $0xFFFFF086;
	s6 =	sadd.s32 @!p0 s3, s7;
	s7 =	simm.s32 @!p0 $0x108  }
0x21: {  	s3 =	sadd.s32 s3, s9;
	s6 =	sadd.s32 @!p0 $0x88, s6;
	s7 =	simm.s32 @p2 $0x1082  }
0x22: {  	[simem:s7], [sflag:s8] =	dma.local @!p0 [hbm:s6], $0xF7A  }
0x23: {  	s9 =	sor.u32 $0xD0000000, s2;
	s6 =	simm.s32 $0x108;
	_ =	swait.ge @!p0 [sflag:s8], $0x0  }
0x24: {  	s3 =	sadd.s32 $0x88, s3;
	s6 =	simm.s32 @!p1 $0x1082;
	[sflag:s4] =	ssyncset.s32 $0xFFFFF086  }
0x25: {  	[simem:s6], [sflag:s4] =	dma.local [hbm:s3], $0xF7A  }
0x26: {  	[smem:$0x3F9C] =	sst s1;
	(tag) =	ssettag s2;
	_ =	strace s9  }
0x27: {  	s1 =	sld [smem:$0x3FAC]  }
0x28: {  	s2 =	sld [smem:$0x3FAD]  }
0x29: {  	s4 =	sld [smem:$0x3FAF]  }
0x2a: {  	p0 =	seq.s32 s5, $0x0;
	s5 =	sld [smem:$0x3FB0]  }
0x2b: {  	s6 =	sld [smem:$0x3FB1]  }
0x2c: {  	s7 =	sld [smem:$0x3FB2]  }
0x2d: {  	s3 =	simm.s32 $0x108;
	s8 =	sld [smem:$0x3FB3]  }
0x2e: {  	s3 =	simm.s32 @!p0 $0x1082;
	s9 =	sld [smem:$0x3FB4]  }
0x2f: {  	lr =	sadd.s32 s0, s3;
	s0 =	sld [smem:$0x3FAB]  }
0x30: {  	s3 =	sld [smem:$0x3FAE]  }
0x31: {  	[smem:$0x3FB7] =	sst s10  }
0x32: {  	s10 =	sld [smem:$0x3FB5];
	_ =	sdelay $0x3  }
0x33: {  	p0 =	seq.s32 s10, $0x1;
	s10 =	sld [smem:$0x3FB7];
	_ =	sdelay $0x3  }
0x34: {  	[smem:$0x3FB7] =	sst s10  }
0x35: {  	s10 =	sld [smem:$0x3FB6];
	_ =	sdelay $0x3  }
0x36: {  	p1 =	seq.s32 s10, $0x1;
	s10 =	sld [smem:$0x3FB7];
	_ =	sdelay $0x3  }
0x37: {  	[smem:$0x3FB7] =	sst s10  }
0x38: {  	s10 =	sld [smem:$0x3FB8]  }
0x39: {  	_ = 	snop;
	(pc) =	sbr.ind lr, $3  }
0x3a: {  	_ = 	snop  }
0x3b: {  	_ = 	snop  }
0x3c: {  	p2 =	seq.s32 s10, $0x1;
	s10 =	sld [smem:$0x3FB7]  }
0x3d: {  	_ =	shalt  }
0x3e: {  	_ =	shalt  }
0x3f: {  	_ =	shalt  }
0x40: {  	_ =	shalt  }
0x41: {  	_ =	shalt  }
0x42: {  	_ =	shalt  }
0x43: {  	_ =	shalt  }
0x44: {  	_ =	shalt  }
0x45: {  	_ =	shalt  }
0x46: {  	_ =	shalt  }
0x47: {  	_ =	shalt  }
0x48: {  	_ =	shalt  }
0x49: {  	_ =	shalt  }
0x4a: {  	_ =	shalt  }
0x4b: {  	_ =	shalt  }
0x4c: {  	_ =	shalt  }
0x4d: {  	_ =	shalt  }
0x4e: {  	_ =	shalt  }
0x4f: {  	_ =	shalt  }
0x50: {  	_ =	shalt  }
0x51: {  	_ =	shalt  }
0x52: {  	_ =	shalt  }
0x53: {  	_ =	shalt  }
0x54: {  	_ =	shalt  }
0x55: {  	_ =	shalt  }
0x56: {  	_ =	shalt  }
0x57: {  	_ =	shalt  }
0x58: {  	_ =	shalt  }
0x59: {  	_ =	shalt  }
0x5a: {  	_ =	shalt  }
0x5b: {  	_ =	shalt  }
0x5c: {  	_ =	shalt  }
0x5d: {  	_ =	shalt  }
0x5e: {  	_ =	shalt  }
0x5f: {  	_ =	shalt  }
0x60: {  	_ =	shalt  }
0x61: {  	_ =	shalt  }
0x62: {  	_ =	shalt  }
0x63: {  	_ =	shalt  }
0x64: {  	_ =	shalt  }
0x65: {  	_ =	shalt  }
0x66: {  	_ =	shalt  }
0x67: {  	_ =	shalt  }
0x68: {  	_ =	shalt  }
0x69: {  	_ =	shalt  }
0x6a: {  	_ =	shalt  }
0x6b: {  	_ =	shalt  }
0x6c: {  	_ =	shalt  }
0x6d: {  	_ =	shalt  }
0x6e: {  	_ =	shalt  }
0x6f: {  	_ =	shalt  }
0x70: {  	_ =	shalt  }
0x71: {  	_ =	shalt  }
0x72: {  	_ =	shalt  }
0x73: {  	_ =	shalt  }
0x74: {  	_ =	shalt  }
0x75: {  	_ =	shalt  }
0x76: {  	_ =	shalt  }
0x77: {  	_ =	shalt  }
0x78: {  	_ =	shalt  }
0x79: {  	_ =	shalt  }
0x7a: {  	_ =	shalt  }
0x7b: {  	_ =	shalt  }
0x7c: {  	_ =	shalt  }
0x7d: {  	_ =	shalt  }
0x7e: {  	_ =	shalt  }
0x7f: {  	_ =	shalt  }
0x80: {  	_ =	shalt  }
0x81: {  	_ =	shalt  }
0x82: {  	_ =	shalt  }
0x83: {  	_ =	shalt  }
0x84: {  	_ =	shalt  }
0x85: {  	_ =	shalt  }
0x86: {  	_ =	shalt  }
0x87: {  	_ =	shalt  }
.Lfunc_end0:
.L_simem_size_0:
called_computation_lowered:
.L_overlay_start_0:
0x88: {  	s2 =	sld [smem:$0x3FD9]  }
0x89: {  	s3 =	sld [smem:$0x3FFE];
	_ =	sdelay $0x1  }
0x8a: {  	s1 =	srdreg.scid  }
0x8b: {  	s0 =	sand.u32 $0x1, s1  }
0x8c: {  	s14 =	sshll.u32 s0, $0xA;
	s2 =	sadd.s32 s3, s2  }
0x8d: {  	s2 =	sadd.s32 s2, s14  }
0x8e: {  	[smem:$0x3FC3] =	sst s2  }
0x8f: {  	_ = 	snop  }
0x90: {  	s2 =	sld [smem:$0x3FD0];
	_ =	sdelay $0x2  }
0x91: {  	s4 =	simm.s32 $0xA;
	s5 =	simm.s32 $0x10;
	s15 =	sld [smem:$0x3FC9]  }
0x92: {  	[smem:s5], [sflag:s4] =	dma.local [hbm:s2], $0x1  }
0x93: {  	_ =	swait.eq [sflag:s4], $0x1  }
0x94: {  	[sflag:s4] =	ssyncset.done $0x0  }
0x95: {  	[sflag:s4] =	ssyncadd.s32 $0xFFFFFFFF  }
0x96: {  	s16 =	sld [smem:$0x11];
	(tm) =	ssettm $0x1  }
0x97: {  	s17 =	sld [smem:$0x3FFB];
	_ =	sdelay $0x3  }
0x98: {  	_ =	strace s17  }
0x99: {  	s4 =	sld [smem:$0x3FFC];
	_ =	sdelay $0x3  }
0x9a: {  	_ =	strace s4  }
0x9b: {  	s4 =	sld [smem:$0x3FFD];
	_ =	sdelay $0x3  }
0x9c: {  	_ =	strace s4  }
0x9d: {  	_ =	strace $0x8FFFFFFF  }
0x9e: {  	s18 =	sld [smem:$0x3FDB];
	_ =	sdelay $0x1  }
0x9f: {  	s19 =	simm.s32 $_scs_section_size  }
0xa0: {  	s6 =	simm.s32 $_size__tile_overlayer_lowered;
	s7 =	simm.s32 $_tile_overlayer_lowered  }
0xa1: {  	s22 =	simm.s32 $0x1BFF;
	s21 =	sshll.u32 s7, $0x1;
	s4 =	sadd.s32 s19, s18  }
0xa2: {  	s8 =	simm.s32 $0x0;
	s20 =	sshll.u32 s6, $0x1;
	s6 =	sadd.s32 s21, s4  }
0xa3: {  	[timem:s8], [sflag:s22] =	dma.local [hbm:s6], s20  }
0xa4: {  	_ =	swait.ge [sflag:s22], s20  }
0xa5: {  	s5 =	ssub.s32 $0x0, s20;
	[sflag:s22] =	ssyncset.done $0x0  }
0xa6: {  	[sflag:s22] =	ssyncadd.s32 s5;
	_ =	sdelay $0x1  }
0xa7: {  	s23 =	simm.s32 $0x1B8B  }
0xa8: {  	_ =	swait.ge [sflag:s23], $0x1  }
0xa9: {  	[sflag:s23] =	ssyncset.done $0x0  }
0xaa: {  	s25 =	simm.s32 $0x1B8E;
	s24 =	sld [smem:$0x3FFE];
	[sflag:s23] =	ssyncadd.s32 $0xFFFFFFFF  }
0xab: {  	s26 =	simm.s32 $execute0_lowered;
	[smem:$0x3FD2] =	sst s25  }
0xac: {  	s6 =	sshll.u32 s26, $0x1;
	_ =	strace $0x80000046;
	[dreg:$0x1] =	wrdreg $0xFFFFFFFF  }
0xad: {  	s28 =	simm.s32 $_size_execute0_lowered;
	s4 =	sadd.s32 s4, s6;
	[dreg:$0x0] =	wrdreg $0x0  }
0xae: {  	s6 =	sshll.u32 s28, $0x1;
	[dreg:$0x2] =	wrdreg s4  }
0xaf: {  	[dreg:$0x3] =	wrdreg s6  }
0xb0: {  	[dreg:$0x4] =	wrdreg $0xC0  }
0xb1: {  	_ =	task [dreg:s8], $0x5FFFF  }
0xb2: {  	[dreg:$0x1] =	wrdreg $0xFFFFFFFF  }
0xb3: {  	[dreg:$0x0] =	wrdreg $0x60  }
0xb4: {  	[dreg:$0x2] =	wrdreg s16  }
0xb5: {  	[dreg:$0x3] =	wrdreg s15  }
0xb6: {  	[dreg:$0x4] =	wrdreg s24  }
0xb7: {  	[dreg:$0x5] =	wrdreg $0x9  }
0xb8: {  	_ =	task.clear_ibuf [dreg:s8], $0x6FFFF;
	_ =	strace $0x90000046  }
0xb9: {  	s29 =	simm.s32 $0x9;
	_ =	strace $0x80000048  }
0xba: {  	_ =	swait.ge [sflag:s29], $0x1  }
0xbb: {  	[sflag:s29] =	ssyncadd.s32 $0xFFFFFFFF  }
0xbc: {  	_ =	strace $0x90000048  }
0xbd: {  	_ =	sfence  }
0xbe: {  	s30 =	sld [smem:$0x0];
	_ =	sdelay $0x2  }
0xbf: {  	s31 =	sshll.u32 s1, $0xD;
	s1 =	sshrl.u32 s1, $0x2  }
0xc0: {  	s3 =	sand.u32 $0x4000, s31;
	s1 =	sadd.s32 s1, s30  }
0xc1: {  	s0 =	sor.u32 s3, s0;
	s1 =	sshll.u32 s1, $0x11  }
0xc2: {  	s0 =	sor.u32 s1, s0  }
0xc3: {  	s0 =	sadd.s32 $0x8F2B, s0  }
0xc4: {  	[sflag:s0] =	ssyncadd.remote.s32 $0x1  }
0xc5: {  	_ =	sfence.sel $0xFFFF  }
0xc6: {  	[dreg:$0x0] =	wrdreg $0xFFFFFFFF;
	(pc) =	sbr.abs _section_cstart, $3  }
0xc7: {  	[dreg:$0x1] =	wrdreg $0xFFFFFFFF  }
0xc8: {  	_ =	task.clear_ibuf [dreg:s8], $0x2FFFF;
	_ =	strace $0x9FFFFFFF  }
0xc9: {  	(tm) =	ssettm $0x7FFFFFFF  }
tec
execute0_lowered:
.L_overlay_start_1:
0x0: {  	(tag) =	ssettag $0x1  }
0x1: {  	s1 =	rddreg [dreg:$0x0]  }
0x2: {  	s2 =	rddreg [dreg:$0x1]  }
0x3: {  	s5 =	rddreg [dreg:$0x2]  }
0x4: {  	s0 =	rddreg [dreg:$0x3]  }
0x5: {  	s4 =	simm.s32 $0x0;
	s6 =	srdreg.scid;
	s3 =	stileid.u32  }
0x6: {  	[smem:$0x7FF] =	sst s4;
	s6 =	sand.u32 $0x1, s6;
	s7 =	sshll.u32 s3, $0x1  }
0x7: {  	_ =	strace $0x80000047;
	s7 =	sor.u32 s6, s7;
	s6 =	ssub.s32 $0x2, s6  }
0x8: {  	s8 =	sshll.u32 s7, $0xF;
	s9 =	sshrl.u32 s6, $0x1;
	s7 =	sshll.u32 s7, $0x8  }
0x9: {  	s15 =	sadd.s32 s8, s5;
	s16 =	ssub.s32 s6, s9;
	s28 =	sand.u32 $0xF00, s7  }
0xa: {  	v0 =	vmov s7;
	s5 =	sadd.s32 $0x100, s2;
	s6 =	sadd.s32 $0x200, s2;
	s7 =	sadd.s32 $0x300, s2  }
0xb: {  	s29 =	sor.u32 $0x10, s28;
	s30 =	sor.u32 $0x20, s28;
	s31 =	sor.u32 $0x30, s28  }
0xc: {  	s10 =	sor.u32 $0x40, s28;
	s11 =	sor.u32 $0x50, s28;
	s12 =	sor.u32 $0x60, s28  }
0xd: {  	v1 =	vlaneseq.u32;
	s13 =	sor.u32 $0x70, s28;
	s14 =	sor.u32 $0x80, s28;
	s17 =	sor.u32 $0x90, s28  }
0xe: {  	v18 =	vimm.s32 $0xFFFFFFFF;
	v19 =	vimm.s32 $0x0;
	s18 =	sor.u32 $0xA0, s28;
	s19 =	sor.u32 $0xB0, s28;
	s20 =	sor.u32 $0xC0, s28;
	v2 =	vor.u32 s28, v1  }
0xf: {  	s21 =	sor.u32 $0xD0, s28;
	s22 =	sor.u32 $0xE0, s28;
	s23 =	sor.u32 $0xF0, s28;
	v3 =	vor.u32 s29, v1;
	v4 =	vor.u32 s30, v1;
	v5 =	vor.u32 s31, v1  }
0x10: {  	s8 =	sadd.s32 $0x11600, s15;
	s9 =	sadd.s32 $0x12600, s15;
	s16 =	smax.u32 s16, $0x1;
	v6 =	vor.u32 s10, v1;
	v7 =	vor.u32 s11, v1;
	v8 =	vor.u32 s12, v1  }
0x11: {  	v9 =	vor.u32 s13, v1;
	v10 =	vor.u32 s14, v1;
	s10 =	sadd.s32 $0x13600, s15;
	v11 =	vor.u32 s17, v1;
	s11 =	sadd.s32 $0x14600, s15;
	s12 =	sadd.s32 $0x15600, s15  }
0x12: {  	v12 =	vor.u32 s18, v1;
	v13 =	vor.u32 s19, v1;
	s13 =	sadd.s32 $0x16600, s15;
	v14 =	vor.u32 s20, v1;
	s14 =	sadd.s32 $0x17600, s15;
	s15 =	sadd.s32 $0x18600, s15  }
0x13: {  	v15 =	vor.u32 s21, v1;
	v16 =	vor.u32 s22, v1;
	v17 =	vor.u32 s23, v1;
	s17 =	simm.s32 $0x3;
	s18 =	simm.s32 $0x1000;
	s19 =	simm.s32 $0x0  }
.LBB2_1:
0x14: {  	[tilespmem:s4], [sflag:$0x3] =	stream.linear.gather [hbm4b:s1+s4], $0x1000, $0x38;
	[tilespmem:$0x19400] =	vst v63  }
0x15: {  	_ =	swait.ge [sflag:s17], $0x1000  }
0x16: {  	[sflag:s17] =	ssyncset.done $0x0  }
0x17: {  	[sflag:s17] =	ssyncadd.s32 $0xFFFFF000  }
0x18: {  	[tilespmem:$0x1000] =	vst v18  }
0x19: {  	[tilespmem:$0x1010] =	vst v18  }
0x1a: {  	[tilespmem:$0x1080] =	vst v18  }
0x1b: {  	[tilespmem:$0x1090] =	vst v18  }
0x1c: {  	[tilespmem:$0x1100] =	vst v18  }
0x1d: {  	[tilespmem:$0x1110] =	vst v18  }
0x1e: {  	[tilespmem:$0x1180] =	vst v18  }
0x1f: {  	[tilespmem:$0x1190] =	vst v18  }
0x20: {  	[tilespmem:$0x1200] =	vst v18  }
0x21: {  	[tilespmem:$0x1210] =	vst v18  }
0x22: {  	[tilespmem:$0x1280] =	vst v18  }
0x23: {  	[tilespmem:$0x1290] =	vst v18  }
0x24: {  	[tilespmem:$0x1300] =	vst v18  }
0x25: {  	[tilespmem:$0x1310] =	vst v18  }
0x26: {  	[tilespmem:$0x1380] =	vst v18  }
0x27: {  	[tilespmem:$0x1390] =	vst v18  }
0x28: {  	s21 =	simm.s32 $0x10;
	s20 =	simm.s32 $0x0;
	s22 =	simm.s32 $0x0;
	v20 =	vld [tilespmem:s4+$0x0]  }
.LBB2_2:
0x29: {  	p0 =	sne.s32 s21, $0xFF0;
	_ =	sdelay $0x3  }
0x2a: {  	v20 =	vsub.s32 v20, v0  }
0x2b: {  	vm0 =	vgt.s32 v20, $0x0  }
0x2c: {  	v21 =	vnsel vm0, $0x0, v20  }
0x2d: {  	v21 =	vmin.u32 v21, $0xFF  }
0x2e: {  	v22 =	vand.u32 $0x1F, v21  }
0x2f: {  	vm0 =	vlt.s32 v20, $0x1;
	vm1 =	vne.s32 v22, $0x0  }
0x30: {  	vm0 =	vmand vm0, vm1  }
0x31: {  	v21 =	vshrl.u32 v21, $0x5;
	v23 =	vsel vm0, $0xFFFFFFFF, v19  }
0x32: {  	v21 =	vadd.s32 v23, v21  }
0x33: {  	vm0 =	vlt.u32 v20, $0x100;
	v20 =	vshll.u32 v21, $0x7  }
0x34: {  	v20 =	vor.u32 v22, v20;
	_ =	sdelay $0x1  }
.Ltmp0:
0x35: {  	(pc) =	sbr.rel @p0 .LBB2_2-.Ltmp0, $4  }
0x36: {  	_ = 	snop  }
0x37: {  	v21 =	vor.u32 s20, v1;
	s20 =	smov.u32 s21  }
0x38: {  	s22 =	sadd.s32 $0x10, s22;
	[tilespmem:v20+s18+$0x0] =	vst.idx.msk vm0, v21  }
0x39: {  	s21 =	sadd.s32 $0x10, s21;
	v20 =	vld [tilespmem:s22+$0x0]  }
0x3a: {  	_ =	sdelay $0x3  }
0x3b: {  	v20 =	vsub.s32 v20, v0  }
0x3c: {  	vm0 =	vgt.s32 v20, $0x0  }
0x3d: {  	v21 =	vnsel vm0, $0x0, v20  }
0x3e: {  	v21 =	vmin.u32 v21, $0xFF  }
0x3f: {  	v22 =	vand.u32 $0x1F, v21  }
0x40: {  	vm10 =	vlt.s32 v20, $0x1;
	vm1 =	vne.s32 v22, $0x0  }
0x41: {  	vm0 =	vmand vm10, vm1  }
0x42: {  	v21 =	vshrl.u32 v21, $0x5;
	v23 =	vsel vm0, $0xFFFFFFFF, v19  }
0x43: {  	v21 =	vadd.s32 v23, v21  }
0x44: {  	vm11 =	vlt.u32 v20, $0x100;
	v20 =	vshll.u32 v21, $0x7  }
0x45: {  	v20 =	vor.u32 v22, v20;
	_ =	sdelay $0x3  }
0x46: {  	v37 =	vor.u32 s20, v1  }
0x47: {  	[tilespmem:v20+s18+$0x0] =	vst.idx.msk vm11, v37  }
0x48: {  	v38 =	vld [tilespmem:$0x1000];
	_ =	sdelay $0x4  }
0x49: {  	v20 =	vxor.u32 $0x80000000, v38  }
0x4a: {  	(xrf0) =	vmax.scan.msk.u32 $0xffff, v20;
	_ =	sdelay $0x5  }
0x4b: {  	v20, _, _ =	vpop (xrf0)  }
0x4c: {  	(v2sf) =	vpush v20, $0xF  }
0x4d: {  	v24 =	vld [tilespmem:$0x1010]  }
0x4e: {  	v26 =	vld [tilespmem:$0x1080]  }
0x4f: {  	v25 =	vld [tilespmem:$0x1090]  }
0x50: {  	v39 =	vld [tilespmem:$0x1100]  }
0x51: {  	v27 =	vld [tilespmem:$0x1110]  }
0x52: {  	v28 =	vld [tilespmem:$0x1190]  }
0x53: {  	v21 =	vld [tilespmem:$0x1200]  }
0x54: {  	v30 =	vld [tilespmem:$0x1210]  }
0x55: {  	v40 =	vld [tilespmem:$0x1280];
	vm12 =	vlt.s32 v38, $0x0  }
0x56: {  	v47 =	vld [tilespmem:$0x1290];
	vm13 =	vlt.s32 v24, $0x0;
	v29 =	vsel vm12, v2, v38  }
0x57: {  	vm14 =	vlt.s32 v26, $0x0;
	v24 =	vsel vm13, v3, v24;
	[tilespmem:$0x1000] =	vst v29  }
0x58: {  	vm15 =	vlt.s32 v25, $0x0;
	vm4 =	vlt.s32 v39, $0x0;
	v41 =	vsel vm14, v4, v26;
	[tilespmem:$0x1010] =	vst v24  }
0x59: {  	vm5 =	vlt.s32 v27, $0x0;
	vm7 =	vlt.s32 v28, $0x0;
	v42 =	vsel vm15, v5, v25;
	[tilespmem:$0x1080] =	vst v41  }
0x5a: {  	vm8 =	vlt.s32 v21, $0x0;
	vm9 =	vlt.s32 v30, $0x0;
	v43 =	vsel vm4, v6, v39;
	[tilespmem:$0x1090] =	vst v42  }
0x5b: {  	v48 =	vld [tilespmem:$0x1300];
	vm10 =	vlt.s32 v40, $0x0;
	vm11 =	vlt.s32 v47, $0x0;
	v44 =	vsel vm5, v7, v27;
	[tilespmem:$0x1100] =	vst v43;
	s30 =	spop (v2sf)  }
0x5c: {  	v33 =	vld [tilespmem:$0x1310];
	v46 =	vsel vm7, v9, v28;
	v31 =	vsel vm8, v10, v21;
	v30 =	vsel vm9, v11, v30;
	[tilespmem:$0x1110] =	vst v44;
	p0 =	sgt.s32 s30, $0xFFFFFFFF  }
0x5d: {  	v49 =	vld [tilespmem:$0x1380];
	v32 =	vsel vm10, v12, v40;
	v28 =	vsel vm11, v13, v47;
	[tilespmem:$0x1190] =	vst v46;
	v34 =	vshll.u32 @!p0 v29, $0x3  }
0x5e: {  	v50 =	vld [tilespmem:$0x1390];
	[tilespmem:$0x1200] =	vst v31;
	v27 =	vand.u32 @!p0 $0x7, v29;
	v29 =	vand.u32 @!p0 $0xFFFFFFC0, v34;
	v34 =	vlaneseq.u32 @!p0  }
0x5f: {  	[tilespmem:$0x1210] =	vst v30;
	v20 =	vld [tilespmem:$0x1180];
	v27 =	vor.u32 @!p0 v27, v29;
	v29 =	vand.u32 @!p0 $0x7, v34;
	v35 =	vshrl.u32 @!p0 v34, $0x3  }
0x60: {  	vm12 =	vlt.s32 v48, $0x0;
	[tilespmem:$0x1280] =	vst v32;
	v30 =	vperm.xlane @!p0 v27, v29;
	v35 =	vmul.u32 @!p0 $0x8, v35  }
0x61: {  	vm13 =	vlt.s32 v33, $0x0;
	[tilespmem:$0x1290] =	vst v28;
	v51 =	vsel vm12, v14, v48  }
0x62: {  	vm14 =	vlt.s32 v49, $0x0;
	v52 =	vsel vm13, v15, v33;
	[tilespmem:$0x1300] =	vst v51;
	v30 =	vadd.s32 @!p0 v35, v30  }
0x63: {  	vm15 =	vlt.s32 v50, $0x0;
	v53 =	vsel vm14, v16, v49;
	[tilespmem:$0x1310] =	vst v52  }
0x64: {  	v54 =	vsel vm15, v17, v50;
	[tilespmem:$0x1380] =	vst v53;
	vm6 =	vlt.s32 v20, $0x0  }
0x65: {  	[tilespmem:$0x1390] =	vst v54;
	v45 =	vsel vm6, v8, v20  }
0x66: {  	[tilespmem:$0x1180] =	vst v45;
	vm0 =	vmmov @!p0 $0xffff;
	s24 =	simm.s32 @!p0 $0x0;
	s26 =	simm.s32 @!p0 $0x1400  }
0x67: {  	v28 =	vor.u32 @!p0 $0x8, v34;
	[tilespmem:s26], [sflag:$0x1] =	stream.indirect_vreg.gather @!p0 [hbm4b:s2+s24], $0x80, v30, vm0, $0xb8;
	[tilespmem:$0x19400] =	vst v63  }
0x68: {  	s20 =	simm.s32 @!p0 $0x1C00;
	v27 =	vperm.xlane @!p0 v27, v28  }
0x69: {  	[tilespmem:s20], [sflag:$0x1] =	stream.indirect_vreg.gather @!p0 [hbm4b:s5+s24], $0x80, v30, vm0, $0xb8;
	[tilespmem:$0x19400] =	vst v63  }
0x6a: {  	v27 =	vadd.s32 @!p0 v35, v27;
	s20 =	simm.s32 @!p0 $0x2400  }
0x6b: {  	[tilespmem:s20], [sflag:$0x1] =	stream.indirect_vreg.gather @!p0 [hbm4b:s6+s24], $0x80, v30, vm0, $0xb8;
	[tilespmem:$0x19400] =	vst v63  }
0x6c: {  	s20 =	simm.s32 @!p0 $0x2C00  }
0x6d: {  	[tilespmem:s20], [sflag:$0x1] =	stream.indirect_vreg.gather @!p0 [hbm4b:s7+s24], $0x80, v30, vm0, $0xb8;
	[tilespmem:$0x19400] =	vst v63  }
0x6e: {  	s20 =	simm.s32 @!p0 $0x3400  }
0x6f: {  	[tilespmem:s20], [sflag:$0x1] =	stream.indirect_vreg.gather @!p0 [hbm4b:s2+s24], $0x80, v27, vm0, $0xb8;
	[tilespmem:$0x19400] =	vst v63  }
0x70: {  	s20 =	simm.s32 @!p0 $0x3C00  }
0x71: {  	[tilespmem:s20], [sflag:$0x1] =	stream.indirect_vreg.gather @!p0 [hbm4b:s5+s24], $0x80, v27, vm0, $0xb8;
	[tilespmem:$0x19400] =	vst v63  }
0x72: {  	s20 =	simm.s32 @!p0 $0x4400  }
0x73: {  	[tilespmem:s20], [sflag:$0x1] =	stream.indirect_vreg.gather @!p0 [hbm4b:s6+s24], $0x80, v27, vm0, $0xb8;
	[tilespmem:$0x19400] =	vst v63  }
0x74: {  	s20 =	simm.s32 @!p0 $0x4C00  }
0x75: {  	[tilespmem:s20], [sflag:$0x1] =	stream.indirect_vreg.gather @!p0 [hbm4b:s7+s24], $0x80, v27, vm0, $0xb8;
	[tilespmem:$0x19400] =	vst v63  }
0x76: {  	v27 =	vld @!p0 [tilespmem:$0x1010];
	_ =	sdelay $0x2  }
0x77: {  	v26 =	vxor.u32 $0x80000000, v26  }
0x78: {  	(xrf0) =	vmax.scan.msk.u32 $0xffff, v26  }
0x79: {  	v30 =	vshll.u32 @!p0 v27, $0x3  }
0x7a: {  	v26 =	vand.u32 @!p0 $0x7, v27;
	v27 =	vand.u32 @!p0 $0xFFFFFFC0, v30  }
0x7b: {  	v26 =	vor.u32 @!p0 v26, v27  }
0x7c: {  	v27 =	vperm.xlane @!p0 v26, v29;
	_ =	sdelay $0x1  }
0x7d: {  	v55, _, _ =	vpop (xrf0);
	v27 =	vadd.s32 @!p0 v35, v27  }
0x7e: {  	(v2sf) =	vpush v55, $0xF;
	_ =	sdelay $0x2  }
0x7f: {  	s20 =	simm.s32 @!p0 $0x5400  }
0x80: {  	[tilespmem:s20], [sflag:$0x1] =	stream.indirect_vreg.gather @!p0 [hbm4b:s2+s24], $0x80, v27, vm0, $0xb8;
	[tilespmem:$0x19400] =	vst v63  }
0x81: {  	v26 =	vperm.xlane @!p0 v26, v28;
	s20 =	simm.s32 @!p0 $0x5C00  }
0x82: {  	[tilespmem:s20], [sflag:$0x1] =	stream.indirect_vreg.gather @!p0 [hbm4b:s5+s24], $0x80, v27, vm0, $0xb8;
	[tilespmem:$0x19400] =	vst v63  }
0x83: {  	v26 =	vadd.s32 @!p0 v35, v26;
	s20 =	simm.s32 @!p0 $0x6400  }
0x84: {  	[tilespmem:s20], [sflag:$0x1] =	stream.indirect_vreg.gather @!p0 [hbm4b:s6+s24], $0x80, v27, vm0, $0xb8;
	[tilespmem:$0x19400] =	vst v63  }
0x85: {  	s20 =	simm.s32 @!p0 $0x6C00  }
0x86: {  	[tilespmem:s20], [sflag:$0x1] =	stream.indirect_vreg.gather @!p0 [hbm4b:s7+s24], $0x80, v27, vm0, $0xb8;
	[tilespmem:$0x19400] =	vst v63  }
0x87: {  	s20 =	simm.s32 @!p0 $0x7400  }
0x88: {  	[tilespmem:s20], [sflag:$0x1] =	stream.indirect_vreg.gather @!p0 [hbm4b:s2+s24], $0x80, v26, vm0, $0xb8;
	[tilespmem:$0x19400] =	vst v63  }
0x89: {  	s20 =	simm.s32 @!p0 $0x7C00  }
0x8a: {  	[tilespmem:s20], [sflag:$0x1] =	stream.indirect_vreg.gather @!p0 [hbm4b:s5+s24], $0x80, v26, vm0, $0xb8;
	[tilespmem:$0x19400] =	vst v63  }
0x8b: {  	s31 =	spop (v2sf);
	s20 =	simm.s32 @!p0 $0x8400  }
0x8c: {  	[tilespmem:s20], [sflag:$0x1] =	stream.indirect_vreg.gather @!p0 [hbm4b:s6+s24], $0x80, v26, vm0, $0xb8;
	[tilespmem:$0x19400] =	vst v63  }
0x8d: {  	s21 =	simm.s32 @!p0 $0x8C00;
	p1 =	sgt.s32 s31, $0xFFFFFFFF  }
0x8e: {  	[tilespmem:s21], [sflag:$0x1] =	stream.indirect_vreg.gather @!p0 [hbm4b:s7+s24], $0x80, v26, vm0, $0xb8;
	[tilespmem:$0x19400] =	vst v63  }
0x8f: {  	v26 =	vld @!p1 [tilespmem:$0x1080];
	_ =	sdelay $0x4  }
0x90: {  	v27 =	vshll.u32 @!p1 v26, $0x3  }
0x91: {  	v28 =	vlaneseq.u32 @!p1;
	v26 =	vand.u32 @!p1 $0x7, v26;
	v27 =	vand.u32 @!p1 $0xFFFFFFC0, v27  }
0x92: {  	v29 =	vshrl.u32 @!p1 v28, $0x3;
	v26 =	vor.u32 @!p1 v26, v27;
	v27 =	vand.u32 @!p1 $0x7, v28  }
0x93: {  	v29 =	vmul.u32 @!p1 $0x8, v29;
	v30 =	vperm.xlane @!p1 v26, v27;
	_ =	sdelay $0x1  }
0x94: {  	v30 =	vadd.s32 @!p1 v29, v30;
	_ =	sdelay $0x3  }
0x95: {  	s25 =	simm.s32 @!p1 $0x0;
	s28 =	simm.s32 @!p1 $0x9400;
	vm0 =	vmmov @!p1 $0xffff  }
0x96: {  	v28 =	vor.u32 @!p1 $0x8, v28;
	[tilespmem:s28], [sflag:$0x1] =	stream.indirect_vreg.gather @!p1 [hbm4b:s2+s25], $0x80, v30, vm0, $0xb8;
	[tilespmem:$0x19400] =	vst v63  }
0x97: {  	s20 =	simm.s32 @!p1 $0x9C00;
	v26 =	vperm.xlane @!p1 v26, v28  }
0x98: {  	[tilespmem:s20], [sflag:$0x1] =	stream.indirect_vreg.gather @!p1 [hbm4b:s5+s25], $0x80, v30, vm0, $0xb8;
	[tilespmem:$0x19400] =	vst v63  }
0x99: {  	v26 =	vadd.s32 @!p1 v29, v26;
	s20 =	simm.s32 @!p1 $0xA400  }
0x9a: {  	[tilespmem:s20], [sflag:$0x1] =	stream.indirect_vreg.gather @!p1 [hbm4b:s6+s25], $0x80, v30, vm0, $0xb8;
	[tilespmem:$0x19400] =	vst v63  }
0x9b: {  	s20 =	simm.s32 @!p1 $0xAC00  }
0x9c: {  	[tilespmem:s20], [sflag:$0x1] =	stream.indirect_vreg.gather @!p1 [hbm4b:s7+s25], $0x80, v30, vm0, $0xb8;
	[tilespmem:$0x19400] =	vst v63  }
0x9d: {  	s20 =	simm.s32 @!p1 $0xB400  }
0x9e: {  	[tilespmem:s20], [sflag:$0x1] =	stream.indirect_vreg.gather @!p1 [hbm4b:s2+s25], $0x80, v26, vm0, $0xb8;
	[tilespmem:$0x19400] =	vst v63  }
0x9f: {  	s20 =	simm.s32 @!p1 $0xBC00  }
0xa0: {  	[tilespmem:s20], [sflag:$0x1] =	stream.indirect_vreg.gather @!p1 [hbm4b:s5+s25], $0x80, v26, vm0, $0xb8;
	[tilespmem:$0x19400] =	vst v63  }
0xa1: {  	s20 =	simm.s32 @!p1 $0xC400  }
0xa2: {  	v22 =	vxor.u32 $0x80000000, v39;
	[tilespmem:s20], [sflag:$0x1] =	stream.indirect_vreg.gather @!p1 [hbm4b:s6+s25], $0x80, v26, vm0, $0xb8;
	[tilespmem:$0x19400] =	vst v63  }
0xa3: {  	(xrf0) =	vmax.scan.msk.u32 $0xffff, v22;
	s20 =	simm.s32 @!p1 $0xCC00  }
0xa4: {  	v20 =	vxor.u32 $0x80000000, v20;
	[tilespmem:s20], [sflag:$0x1] =	stream.indirect_vreg.gather @!p1 [hbm4b:s7+s25], $0x80, v26, vm0, $0xb8;
	[tilespmem:$0x19400] =	vst v63  }
0xa5: {  	(xrf0) =	vmax.scan.msk.u32 $0xffff, v20;
	v20 =	vld @!p1 [tilespmem:$0x1090]  }
0xa6: {  	v21 =	vxor.u32 $0x80000000, v21  }
0xa7: {  	(xrf0) =	vmax.scan.msk.u32 $0xffff, v21  }
0xa8: {  	v56 =	vxor.u32 $0x80000000, v40  }
0xa9: {  	v22, _, _ =	vpop (xrf0);
	(xrf0) =	vmax.scan.msk.u32 $0xffff, v56  }
0xaa: {  	v57 =	vxor.u32 $0x80000000, v48;
	(v2sf) =	vpush v22, $0xF;
	v22 =	vshll.u32 @!p1 v20, $0x3  }
0xab: {  	v58, _, _ =	vpop (xrf0);
	(xrf0) =	vmax.scan.msk.u32 $0xffff, v57;
	v20 =	vand.u32 @!p1 $0x7, v20;
	v21 =	vand.u32 @!p1 $0xFFFFFFC0, v22  }
0xac: {  	v59 =	vxor.u32 $0x80000000, v49;
	(v2sf) =	vpush v58, $0xF;
	v20 =	vor.u32 @!p1 v20, v21  }
0xad: {  	v60, _, _ =	vpop (xrf0);
	(xrf0) =	vmax.scan.msk.u32 $0xffff, v59;
	v22 =	vperm.xlane @!p1 v20, v27  }
0xae: {  	(v2sf) =	vpush v60, $0xF  }
0xaf: {  	v61, _, _ =	vpop (xrf0);
	v22 =	vadd.s32 @!p1 v29, v22  }
0xb0: {  	(v2sf) =	vpush v61, $0xF  }
0xb1: {  	v62, _, _ =	vpop (xrf0)  }
0xb2: {  	(v2sf) =	vpush v62, $0xF  }
0xb3: {  	v63, _, _ =	vpop (xrf0);
	s20 =	simm.s32 @!p1 $0xD400  }
0xb4: {  	(v2sf) =	vpush v63, $0xF;
	[tilespmem:s20], [sflag:$0x1] =	stream.indirect_vreg.gather @!p1 [hbm4b:s2+s25], $0x80, v22, vm0, $0xb8;
	[tilespmem:$0x19400] =	vst v63  }
0xb5: {  	v20 =	vperm.xlane @!p1 v20, v28;
	s20 =	simm.s32 @!p1 $0xDC00  }
0xb6: {  	[tilespmem:s20], [sflag:$0x1] =	stream.indirect_vreg.gather @!p1 [hbm4b:s5+s25], $0x80, v22, vm0, $0xb8;
	[tilespmem:$0x19400] =	vst v63  }
0xb7: {  	v20 =	vadd.s32 @!p1 v29, v20;
	s20 =	simm.s32 @!p1 $0xE400  }
0xb8: {  	[tilespmem:s20], [sflag:$0x1] =	stream.indirect_vreg.gather @!p1 [hbm4b:s6+s25], $0x80, v22, vm0, $0xb8;
	[tilespmem:$0x19400] =	vst v63  }
0xb9: {  	s30 =	spop (v2sf);
	s20 =	simm.s32 @!p1 $0xEC00  }
0xba: {  	[tilespmem:s20], [sflag:$0x1] =	stream.indirect_vreg.gather @!p1 [hbm4b:s7+s25], $0x80, v22, vm0, $0xb8;
	[tilespmem:$0x19400] =	vst v63  }
0xbb: {  	s29 =	spop (v2sf);
	s20 =	simm.s32 @!p1 $0xF400  }
0xbc: {  	[tilespmem:s20], [sflag:$0x1] =	stream.indirect_vreg.gather @!p1 [hbm4b:s2+s25], $0x80, v20, vm0, $0xb8;
	[tilespmem:$0x19400] =	vst v63  }
0xbd: {  	s23 =	spop (v2sf);
	s20 =	simm.s32 @!p1 $0xFC00  }
0xbe: {  	[tilespmem:s20], [sflag:$0x1] =	stream.indirect_vreg.gather @!p1 [hbm4b:s5+s25], $0x80, v20, vm0, $0xb8;
	[tilespmem:$0x19400] =	vst v63  }
0xbf: {  	s22 =	spop (v2sf);
	s20 =	simm.s32 @!p1 $0x10400  }
0xc0: {  	[tilespmem:s20], [sflag:$0x1] =	stream.indirect_vreg.gather @!p1 [hbm4b:s6+s25], $0x80, v20, vm0, $0xb8;
	[tilespmem:$0x19400] =	vst v63  }
0xc1: {  	s21 =	spop (v2sf);
	s20 =	simm.s32 @!p1 $0x10C00  }
0xc2: {  	[tilespmem:s20], [sflag:$0x1] =	stream.indirect_vreg.gather @!p1 [hbm4b:s7+s25], $0x80, v20, vm0, $0xb8;
	[tilespmem:$0x19400] =	vst v63  }
0xc3: {  	s31 =	simm.s32 @!p0 $0x1;
	s20 =	spop (v2sf)  }
0xc4: {  	_ =	swait.ge @!p0 [sflag:s31], $0x8000  }
0xc5: {  	[sflag:s31] =	ssyncset.done @!p0 $0x0  }
0xc6: {  	p2 =	sgt.s32 s30, $0xFFFFFFFF;
	[sflag:s31] =	ssyncadd.s32 @!p0 $0xFFFF8000  }
0xc7: {  	[hbm4b:s8+s24] =	stream.linear.scatter @!p0 [tilespmem:s26], [sflag:$0x2], $0x8000, $0x38;
	[tilespmem:$0x19400] =	vst v63  }
0xc8: {  	v20 =	vld @!p2 [tilespmem:$0x1100];
	_ =	sdelay $0x4  }
0xc9: {  	v21 =	vshll.u32 @!p2 v20, $0x3  }
0xca: {  	v22 =	vlaneseq.u32 @!p2;
	v20 =	vand.u32 @!p2 $0x7, v20;
	v21 =	vand.u32 @!p2 $0xFFFFFFC0, v21  }
0xcb: {  	v23 =	vshrl.u32 @!p2 v22, $0x3;
	v20 =	vor.u32 @!p2 v20, v21;
	v21 =	vand.u32 @!p2 $0x7, v22  }
0xcc: {  	v23 =	vmul.u32 @!p2 $0x8, v23;
	v24 =	vperm.xlane @!p2 v20, v21;
	_ =	sdelay $0x1  }
0xcd: {  	v24 =	vadd.s32 @!p2 v23, v24;
	_ =	sdelay $0x3  }
0xce: {  	vm0 =	vmmov @!p2 $0xffff;
	s24 =	simm.s32 @!p2 $0x0;
	s26 =	simm.s32 @!p2 $0x11400  }
0xcf: {  	v22 =	vor.u32 @!p2 $0x8, v22;
	[tilespmem:s26], [sflag:$0x1] =	stream.indirect_vreg.gather @!p2 [hbm4b:s2+s24], $0x80, v24, vm0, $0xb8;
	[tilespmem:$0x19400] =	vst v63  }
0xd0: {  	s30 =	simm.s32 @!p2 $0x11C00;
	v20 =	vperm.xlane @!p2 v20, v22  }
0xd1: {  	[tilespmem:s30], [sflag:$0x1] =	stream.indirect_vreg.gather @!p2 [hbm4b:s5+s24], $0x80, v24, vm0, $0xb8;
	[tilespmem:$0x19400] =	vst v63  }
0xd2: {  	v20 =	vadd.s32 @!p2 v23, v20;
	s30 =	simm.s32 @!p2 $0x12400  }
0xd3: {  	[tilespmem:s30], [sflag:$0x1] =	stream.indirect_vreg.gather @!p2 [hbm4b:s6+s24], $0x80, v24, vm0, $0xb8;
	[tilespmem:$0x19400] =	vst v63  }
0xd4: {  	s30 =	simm.s32 @!p2 $0x12C00  }
0xd5: {  	[tilespmem:s30], [sflag:$0x1] =	stream.indirect_vreg.gather @!p2 [hbm4b:s7+s24], $0x80, v24, vm0, $0xb8;
	[tilespmem:$0x19400] =	vst v63  }
0xd6: {  	s30 =	simm.s32 @!p2 $0x13400  }
0xd7: {  	[tilespmem:s30], [sflag:$0x1] =	stream.indirect_vreg.gather @!p2 [hbm4b:s2+s24], $0x80, v20, vm0, $0xb8;
	[tilespmem:$0x19400] =	vst v63  }
0xd8: {  	s30 =	simm.s32 @!p2 $0x13C00  }
0xd9: {  	[tilespmem:s30], [sflag:$0x1] =	stream.indirect_vreg.gather @!p2 [hbm4b:s5+s24], $0x80, v20, vm0, $0xb8;
	[tilespmem:$0x19400] =	vst v63  }
0xda: {  	s30 =	simm.s32 @!p2 $0x14400  }
0xdb: {  	[tilespmem:s30], [sflag:$0x1] =	stream.indirect_vreg.gather @!p2 [hbm4b:s6+s24], $0x80, v20, vm0, $0xb8;
	[tilespmem:$0x19400] =	vst v63  }
0xdc: {  	s30 =	simm.s32 @!p2 $0x14C00  }
0xdd: {  	[tilespmem:s30], [sflag:$0x1] =	stream.indirect_vreg.gather @!p2 [hbm4b:s7+s24], $0x80, v20, vm0, $0xb8;
	[tilespmem:$0x19400] =	vst v63  }
0xde: {  	v20 =	vld @!p2 [tilespmem:$0x1110];
	_ =	sdelay $0x4  }
0xdf: {  	v24 =	vshll.u32 @!p2 v20, $0x3  }
0xe0: {  	v20 =	vand.u32 @!p2 $0x7, v20;
	v24 =	vand.u32 @!p2 $0xFFFFFFC0, v24  }
0xe1: {  	v20 =	vor.u32 @!p2 v20, v24  }
0xe2: {  	v21 =	vperm.xlane @!p2 v20, v21;
	_ =	sdelay $0x1  }
0xe3: {  	v21 =	vadd.s32 @!p2 v23, v21;
	_ =	sdelay $0x3  }
0xe4: {  	s30 =	simm.s32 @!p2 $0x15400  }
0xe5: {  	[tilespmem:s30], [sflag:$0x1] =	stream.indirect_vreg.gather @!p2 [hbm4b:s2+s24], $0x80, v21, vm0, $0xb8;
	[tilespmem:$0x19400] =	vst v63  }
0xe6: {  	v20 =	vperm.xlane @!p2 v20, v22;
	s30 =	simm.s32 @!p2 $0x15C00  }
0xe7: {  	[tilespmem:s30], [sflag:$0x1] =	stream.indirect_vreg.gather @!p2 [hbm4b:s5+s24], $0x80, v21, vm0, $0xb8;
	[tilespmem:$0x19400] =	vst v63  }
0xe8: {  	v20 =	vadd.s32 @!p2 v23, v20;
	s30 =	simm.s32 @!p2 $0x16400  }
0xe9: {  	[tilespmem:s30], [sflag:$0x1] =	stream.indirect_vreg.gather @!p2 [hbm4b:s6+s24], $0x80, v21, vm0, $0xb8;
	[tilespmem:$0x19400] =	vst v63  }
0xea: {  	s30 =	simm.s32 @!p2 $0x16C00  }
0xeb: {  	[tilespmem:s30], [sflag:$0x1] =	stream.indirect_vreg.gather @!p2 [hbm4b:s7+s24], $0x80, v21, vm0, $0xb8;
	[tilespmem:$0x19400] =	vst v63  }
0xec: {  	s30 =	simm.s32 @!p2 $0x17400  }
0xed: {  	[tilespmem:s30], [sflag:$0x1] =	stream.indirect_vreg.gather @!p2 [hbm4b:s2+s24], $0x80, v20, vm0, $0xb8;
	[tilespmem:$0x19400] =	vst v63  }
0xee: {  	s30 =	simm.s32 @!p2 $0x17C00  }
0xef: {  	[tilespmem:s30], [sflag:$0x1] =	stream.indirect_vreg.gather @!p2 [hbm4b:s5+s24], $0x80, v20, vm0, $0xb8;
	[tilespmem:$0x19400] =	vst v63  }
0xf0: {  	s30 =	simm.s32 @!p2 $0x18400  }
0xf1: {  	[tilespmem:s30], [sflag:$0x1] =	stream.indirect_vreg.gather @!p2 [hbm4b:s6+s24], $0x80, v20, vm0, $0xb8;
	[tilespmem:$0x19400] =	vst v63  }
0xf2: {  	s30 =	simm.s32 @!p2 $0x18C00  }
0xf3: {  	[tilespmem:s30], [sflag:$0x1] =	stream.indirect_vreg.gather @!p2 [hbm4b:s7+s24], $0x80, v20, vm0, $0xb8;
	[tilespmem:$0x19400] =	vst v63  }
0xf4: {  	s30 =	simm.s32 @!p1 $0x1  }
0xf5: {  	_ =	swait.ge @!p1 [sflag:s30], $0x8000  }
0xf6: {  	[sflag:s30] =	ssyncset.done @!p1 $0x0  }
0xf7: {  	[sflag:s30] =	ssyncadd.s32 @!p1 $0xFFFF8000  }
0xf8: {  	[hbm4b:s9+s25] =	stream.linear.scatter @!p1 [tilespmem:s28], [sflag:$0x2], $0x8000, $0x38;
	[tilespmem:$0x19400] =	vst v63  }
0xf9: {  	s25 =	simm.s32 @!p0 $0x2  }
0xfa: {  	_ =	swait.ge @!p0 [sflag:s25], $0x8000  }
0xfb: {  	[sflag:s25] =	ssyncset.done @!p0 $0x0  }
0xfc: {  	p3 =	sgt.s32 s29, $0xFFFFFFFF;
	[sflag:s25] =	ssyncadd.s32 @!p0 $0xFFFF8000  }
0xfd: {  	v20 =	vld @!p3 [tilespmem:$0x1180];
	_ =	sdelay $0x4  }
0xfe: {  	v21 =	vshll.u32 @!p3 v20, $0x3  }
0xff: {  	v22 =	vlaneseq.u32 @!p3;
	v20 =	vand.u32 @!p3 $0x7, v20;
	v21 =	vand.u32 @!p3 $0xFFFFFFC0, v21  }
0x100: {  	v23 =	vshrl.u32 @!p3 v22, $0x3;
	v20 =	vor.u32 @!p3 v20, v21;
	v21 =	vand.u32 @!p3 $0x7, v22  }
0x101: {  	v23 =	vmul.u32 @!p3 $0x8, v23;
	v24 =	vperm.xlane @!p3 v20, v21;
	_ =	sdelay $0x1  }
0x102: {  	v24 =	vadd.s32 @!p3 v23, v24;
	_ =	sdelay $0x3  }
0x103: {  	vm0 =	vmmov @!p3 $0xffff;
	s28 =	simm.s32 @!p3 $0x1400;
	s25 =	simm.s32 @!p3 $0x0  }
0x104: {  	v22 =	vor.u32 @!p3 $0x8, v22;
	[tilespmem:s28], [sflag:$0x1] =	stream.indirect_vreg.gather @!p3 [hbm4b:s2+s25], $0x80, v24, vm0, $0xb8;
	[tilespmem:$0x19400] =	vst v63  }
0x105: {  	s29 =	simm.s32 @!p3 $0x1C00;
	v20 =	vperm.xlane @!p3 v20, v22  }
0x106: {  	[tilespmem:s29], [sflag:$0x1] =	stream.indirect_vreg.gather @!p3 [hbm4b:s5+s25], $0x80, v24, vm0, $0xb8;
	[tilespmem:$0x19400] =	vst v63  }
0x107: {  	v20 =	vadd.s32 @!p3 v23, v20;
	s29 =	simm.s32 @!p3 $0x2400  }
0x108: {  	[tilespmem:s29], [sflag:$0x1] =	stream.indirect_vreg.gather @!p3 [hbm4b:s6+s25], $0x80, v24, vm0, $0xb8;
	[tilespmem:$0x19400] =	vst v63  }
0x109: {  	s29 =	simm.s32 @!p3 $0x2C00  }
0x10a: {  	[tilespmem:s29], [sflag:$0x1] =	stream.indirect_vreg.gather @!p3 [hbm4b:s7+s25], $0x80, v24, vm0, $0xb8;
	[tilespmem:$0x19400] =	vst v63  }
0x10b: {  	s29 =	simm.s32 @!p3 $0x3400  }
0x10c: {  	[tilespmem:s29], [sflag:$0x1] =	stream.indirect_vreg.gather @!p3 [hbm4b:s2+s25], $0x80, v20, vm0, $0xb8;
	[tilespmem:$0x19400] =	vst v63  }
0x10d: {  	s29 =	simm.s32 @!p3 $0x3C00  }
0x10e: {  	[tilespmem:s29], [sflag:$0x1] =	stream.indirect_vreg.gather @!p3 [hbm4b:s5+s25], $0x80, v20, vm0, $0xb8;
	[tilespmem:$0x19400] =	vst v63  }
0x10f: {  	s29 =	simm.s32 @!p3 $0x4400  }
0x110: {  	[tilespmem:s29], [sflag:$0x1] =	stream.indirect_vreg.gather @!p3 [hbm4b:s6+s25], $0x80, v20, vm0, $0xb8;
	[tilespmem:$0x19400] =	vst v63  }
0x111: {  	s29 =	simm.s32 @!p3 $0x4C00  }
0x112: {  	[tilespmem:s29], [sflag:$0x1] =	stream.indirect_vreg.gather @!p3 [hbm4b:s7+s25], $0x80, v20, vm0, $0xb8;
	[tilespmem:$0x19400] =	vst v63  }
0x113: {  	v20 =	vld @!p3 [tilespmem:$0x1190];
	_ =	sdelay $0x4  }
0x114: {  	v24 =	vshll.u32 @!p3 v20, $0x3  }
0x115: {  	v20 =	vand.u32 @!p3 $0x7, v20;
	v24 =	vand.u32 @!p3 $0xFFFFFFC0, v24  }
0x116: {  	v20 =	vor.u32 @!p3 v20, v24  }
0x117: {  	v21 =	vperm.xlane @!p3 v20, v21;
	_ =	sdelay $0x1  }
0x118: {  	v21 =	vadd.s32 @!p3 v23, v21;
	_ =	sdelay $0x3  }
0x119: {  	s29 =	simm.s32 @!p3 $0x5400  }
0x11a: {  	[tilespmem:s29], [sflag:$0x1] =	stream.indirect_vreg.gather @!p3 [hbm4b:s2+s25], $0x80, v21, vm0, $0xb8;
	[tilespmem:$0x19400] =	vst v63  }
0x11b: {  	v20 =	vperm.xlane @!p3 v20, v22;
	s29 =	simm.s32 @!p3 $0x5C00  }
0x11c: {  	[tilespmem:s29], [sflag:$0x1] =	stream.indirect_vreg.gather @!p3 [hbm4b:s5+s25], $0x80, v21, vm0, $0xb8;
	[tilespmem:$0x19400] =	vst v63  }
0x11d: {  	v20 =	vadd.s32 @!p3 v23, v20;
	s29 =	simm.s32 @!p3 $0x6400  }
0x11e: {  	[tilespmem:s29], [sflag:$0x1] =	stream.indirect_vreg.gather @!p3 [hbm4b:s6+s25], $0x80, v21, vm0, $0xb8;
	[tilespmem:$0x19400] =	vst v63  }
0x11f: {  	s29 =	simm.s32 @!p3 $0x6C00  }
0x120: {  	[tilespmem:s29], [sflag:$0x1] =	stream.indirect_vreg.gather @!p3 [hbm4b:s7+s25], $0x80, v21, vm0, $0xb8;
	[tilespmem:$0x19400] =	vst v63  }
0x121: {  	s29 =	simm.s32 @!p3 $0x7400  }
0x122: {  	[tilespmem:s29], [sflag:$0x1] =	stream.indirect_vreg.gather @!p3 [hbm4b:s2+s25], $0x80, v20, vm0, $0xb8;
	[tilespmem:$0x19400] =	vst v63  }
0x123: {  	s29 =	simm.s32 @!p3 $0x7C00  }
0x124: {  	[tilespmem:s29], [sflag:$0x1] =	stream.indirect_vreg.gather @!p3 [hbm4b:s5+s25], $0x80, v20, vm0, $0xb8;
	[tilespmem:$0x19400] =	vst v63  }
0x125: {  	s29 =	simm.s32 @!p3 $0x8400  }
0x126: {  	[tilespmem:s29], [sflag:$0x1] =	stream.indirect_vreg.gather @!p3 [hbm4b:s6+s25], $0x80, v20, vm0, $0xb8;
	[tilespmem:$0x19400] =	vst v63  }
0x127: {  	s29 =	simm.s32 @!p3 $0x8C00  }
0x128: {  	[tilespmem:s29], [sflag:$0x1] =	stream.indirect_vreg.gather @!p3 [hbm4b:s7+s25], $0x80, v20, vm0, $0xb8;
	[tilespmem:$0x19400] =	vst v63  }
0x129: {  	s29 =	simm.s32 @!p2 $0x1  }
0x12a: {  	_ =	swait.ge @!p2 [sflag:s29], $0x8000  }
0x12b: {  	[sflag:s29] =	ssyncset.done @!p2 $0x0  }
0x12c: {  	[sflag:s29] =	ssyncadd.s32 @!p2 $0xFFFF8000  }
0x12d: {  	[hbm4b:s10+s24] =	stream.linear.scatter @!p2 [tilespmem:s26], [sflag:$0x2], $0x8000, $0x38;
	[tilespmem:$0x19400] =	vst v63  }
0x12e: {  	s24 =	simm.s32 @!p1 $0x2  }
0x12f: {  	_ =	swait.ge @!p1 [sflag:s24], $0x8000  }
0x130: {  	[sflag:s24] =	ssyncset.done @!p1 $0x0  }
0x131: {  	[sflag:s24] =	ssyncadd.s32 @!p1 $0xFFFF8000;
	p1 =	sgt.s32 s23, $0xFFFFFFFF  }
0x132: {  	v20 =	vld @!p1 [tilespmem:$0x1200];
	_ =	sdelay $0x4  }
0x133: {  	v21 =	vshll.u32 @!p1 v20, $0x3  }
0x134: {  	v22 =	vlaneseq.u32 @!p1;
	v20 =	vand.u32 @!p1 $0x7, v20;
	v21 =	vand.u32 @!p1 $0xFFFFFFC0, v21  }
0x135: {  	v23 =	vshrl.u32 @!p1 v22, $0x3;
	v20 =	vor.u32 @!p1 v20, v21;
	v21 =	vand.u32 @!p1 $0x7, v22  }
0x136: {  	v23 =	vmul.u32 @!p1 $0x8, v23;
	v24 =	vperm.xlane @!p1 v20, v21;
	_ =	sdelay $0x1  }
0x137: {  	v24 =	vadd.s32 @!p1 v23, v24;
	_ =	sdelay $0x3  }
0x138: {  	vm0 =	vmmov @!p1 $0xffff;
	s23 =	simm.s32 @!p1 $0x0;
	s24 =	simm.s32 @!p1 $0x9400  }
0x139: {  	v22 =	vor.u32 @!p1 $0x8, v22;
	[tilespmem:s24], [sflag:$0x1] =	stream.indirect_vreg.gather @!p1 [hbm4b:s2+s23], $0x80, v24, vm0, $0xb8;
	[tilespmem:$0x19400] =	vst v63  }
0x13a: {  	s26 =	simm.s32 @!p1 $0x9C00;
	v20 =	vperm.xlane @!p1 v20, v22  }
0x13b: {  	[tilespmem:s26], [sflag:$0x1] =	stream.indirect_vreg.gather @!p1 [hbm4b:s5+s23], $0x80, v24, vm0, $0xb8;
	[tilespmem:$0x19400] =	vst v63  }
0x13c: {  	v20 =	vadd.s32 @!p1 v23, v20;
	s26 =	simm.s32 @!p1 $0xA400  }
0x13d: {  	[tilespmem:s26], [sflag:$0x1] =	stream.indirect_vreg.gather @!p1 [hbm4b:s6+s23], $0x80, v24, vm0, $0xb8;
	[tilespmem:$0x19400] =	vst v63  }
0x13e: {  	s26 =	simm.s32 @!p1 $0xAC00  }
0x13f: {  	[tilespmem:s26], [sflag:$0x1] =	stream.indirect_vreg.gather @!p1 [hbm4b:s7+s23], $0x80, v24, vm0, $0xb8;
	[tilespmem:$0x19400] =	vst v63  }
0x140: {  	s26 =	simm.s32 @!p1 $0xB400  }
0x141: {  	[tilespmem:s26], [sflag:$0x1] =	stream.indirect_vreg.gather @!p1 [hbm4b:s2+s23], $0x80, v20, vm0, $0xb8;
	[tilespmem:$0x19400] =	vst v63  }
0x142: {  	s26 =	simm.s32 @!p1 $0xBC00  }
0x143: {  	[tilespmem:s26], [sflag:$0x1] =	stream.indirect_vreg.gather @!p1 [hbm4b:s5+s23], $0x80, v20, vm0, $0xb8;
	[tilespmem:$0x19400] =	vst v63  }
0x144: {  	s26 =	simm.s32 @!p1 $0xC400  }
0x145: {  	[tilespmem:s26], [sflag:$0x1] =	stream.indirect_vreg.gather @!p1 [hbm4b:s6+s23], $0x80, v20, vm0, $0xb8;
	[tilespmem:$0x19400] =	vst v63  }
0x146: {  	s26 =	simm.s32 @!p1 $0xCC00  }
0x147: {  	[tilespmem:s26], [sflag:$0x1] =	stream.indirect_vreg.gather @!p1 [hbm4b:s7+s23], $0x80, v20, vm0, $0xb8;
	[tilespmem:$0x19400] =	vst v63  }
0x148: {  	v20 =	vld @!p1 [tilespmem:$0x1210];
	_ =	sdelay $0x4  }
0x149: {  	v24 =	vshll.u32 @!p1 v20, $0x3  }
0x14a: {  	v20 =	vand.u32 @!p1 $0x7, v20;
	v24 =	vand.u32 @!p1 $0xFFFFFFC0, v24  }
0x14b: {  	v20 =	vor.u32 @!p1 v20, v24  }
0x14c: {  	v21 =	vperm.xlane @!p1 v20, v21;
	_ =	sdelay $0x1  }
0x14d: {  	v21 =	vadd.s32 @!p1 v23, v21;
	_ =	sdelay $0x3  }
0x14e: {  	s26 =	simm.s32 @!p1 $0xD400  }
0x14f: {  	[tilespmem:s26], [sflag:$0x1] =	stream.indirect_vreg.gather @!p1 [hbm4b:s2+s23], $0x80, v21, vm0, $0xb8;
	[tilespmem:$0x19400] =	vst v63  }
0x150: {  	v20 =	vperm.xlane @!p1 v20, v22;
	s26 =	simm.s32 @!p1 $0xDC00  }
0x151: {  	[tilespmem:s26], [sflag:$0x1] =	stream.indirect_vreg.gather @!p1 [hbm4b:s5+s23], $0x80, v21, vm0, $0xb8;
	[tilespmem:$0x19400] =	vst v63  }
0x152: {  	v20 =	vadd.s32 @!p1 v23, v20;
	s26 =	simm.s32 @!p1 $0xE400  }
0x153: {  	[tilespmem:s26], [sflag:$0x1] =	stream.indirect_vreg.gather @!p1 [hbm4b:s6+s23], $0x80, v21, vm0, $0xb8;
	[tilespmem:$0x19400] =	vst v63  }
0x154: {  	s26 =	simm.s32 @!p1 $0xEC00  }
0x155: {  	[tilespmem:s26], [sflag:$0x1] =	stream.indirect_vreg.gather @!p1 [hbm4b:s7+s23], $0x80, v21, vm0, $0xb8;
	[tilespmem:$0x19400] =	vst v63  }
0x156: {  	s26 =	simm.s32 @!p1 $0xF400  }
0x157: {  	[tilespmem:s26], [sflag:$0x1] =	stream.indirect_vreg.gather @!p1 [hbm4b:s2+s23], $0x80, v20, vm0, $0xb8;
	[tilespmem:$0x19400] =	vst v63  }
0x158: {  	s26 =	simm.s32 @!p1 $0xFC00  }
0x159: {  	[tilespmem:s26], [sflag:$0x1] =	stream.indirect_vreg.gather @!p1 [hbm4b:s5+s23], $0x80, v20, vm0, $0xb8;
	[tilespmem:$0x19400] =	vst v63  }
0x15a: {  	s26 =	simm.s32 @!p1 $0x10400  }
0x15b: {  	[tilespmem:s26], [sflag:$0x1] =	stream.indirect_vreg.gather @!p1 [hbm4b:s6+s23], $0x80, v20, vm0, $0xb8;
	[tilespmem:$0x19400] =	vst v63  }
0x15c: {  	s26 =	simm.s32 @!p1 $0x10C00  }
0x15d: {  	[tilespmem:s26], [sflag:$0x1] =	stream.indirect_vreg.gather @!p1 [hbm4b:s7+s23], $0x80, v20, vm0, $0xb8;
	[tilespmem:$0x19400] =	vst v63  }
0x15e: {  	s26 =	simm.s32 @!p3 $0x1  }
0x15f: {  	_ =	swait.ge @!p3 [sflag:s26], $0x8000  }
0x160: {  	[sflag:s26] =	ssyncset.done @!p3 $0x0  }
0x161: {  	[sflag:s26] =	ssyncadd.s32 @!p3 $0xFFFF8000  }
0x162: {  	[hbm4b:s11+s25] =	stream.linear.scatter @!p3 [tilespmem:s28], [sflag:$0x2], $0x8000, $0x38;
	[tilespmem:$0x19400] =	vst v63  }
0x163: {  	s25 =	simm.s32 @!p2 $0x2  }
0x164: {  	_ =	swait.ge @!p2 [sflag:s25], $0x8000  }
0x165: {  	[sflag:s25] =	ssyncset.done @!p2 $0x0  }
0x166: {  	p0 =	sgt.s32 s22, $0xFFFFFFFF;
	[sflag:s25] =	ssyncadd.s32 @!p2 $0xFFFF8000  }
0x167: {  	v20 =	vld @!p0 [tilespmem:$0x1280];
	_ =	sdelay $0x4  }
0x168: {  	v21 =	vshll.u32 @!p0 v20, $0x3  }
0x169: {  	v22 =	vlaneseq.u32 @!p0;
	v20 =	vand.u32 @!p0 $0x7, v20;
	v21 =	vand.u32 @!p0 $0xFFFFFFC0, v21  }
0x16a: {  	v23 =	vshrl.u32 @!p0 v22, $0x3;
	v20 =	vor.u32 @!p0 v20, v21;
	v21 =	vand.u32 @!p0 $0x7, v22  }
0x16b: {  	v23 =	vmul.u32 @!p0 $0x8, v23;
	v24 =	vperm.xlane @!p0 v20, v21;
	_ =	sdelay $0x1  }
0x16c: {  	v24 =	vadd.s32 @!p0 v23, v24;
	_ =	sdelay $0x3  }
0x16d: {  	s22 =	simm.s32 @!p0 $0x0;
	vm0 =	vmmov @!p0 $0xffff;
	s25 =	simm.s32 @!p0 $0x11400  }
0x16e: {  	v22 =	vor.u32 @!p0 $0x8, v22;
	[tilespmem:s25], [sflag:$0x1] =	stream.indirect_vreg.gather @!p0 [hbm4b:s2+s22], $0x80, v24, vm0, $0xb8;
	[tilespmem:$0x19400] =	vst v63  }
0x16f: {  	s26 =	simm.s32 @!p0 $0x11C00;
	v20 =	vperm.xlane @!p0 v20, v22  }
0x170: {  	[tilespmem:s26], [sflag:$0x1] =	stream.indirect_vreg.gather @!p0 [hbm4b:s5+s22], $0x80, v24, vm0, $0xb8;
	[tilespmem:$0x19400] =	vst v63  }
0x171: {  	v20 =	vadd.s32 @!p0 v23, v20;
	s26 =	simm.s32 @!p0 $0x12400  }
0x172: {  	[tilespmem:s26], [sflag:$0x1] =	stream.indirect_vreg.gather @!p0 [hbm4b:s6+s22], $0x80, v24, vm0, $0xb8;
	[tilespmem:$0x19400] =	vst v63  }
0x173: {  	s26 =	simm.s32 @!p0 $0x12C00  }
0x174: {  	[tilespmem:s26], [sflag:$0x1] =	stream.indirect_vreg.gather @!p0 [hbm4b:s7+s22], $0x80, v24, vm0, $0xb8;
	[tilespmem:$0x19400] =	vst v63  }
0x175: {  	s26 =	simm.s32 @!p0 $0x13400  }
0x176: {  	[tilespmem:s26], [sflag:$0x1] =	stream.indirect_vreg.gather @!p0 [hbm4b:s2+s22], $0x80, v20, vm0, $0xb8;
	[tilespmem:$0x19400] =	vst v63  }
0x177: {  	s26 =	simm.s32 @!p0 $0x13C00  }
0x178: {  	[tilespmem:s26], [sflag:$0x1] =	stream.indirect_vreg.gather @!p0 [hbm4b:s5+s22], $0x80, v20, vm0, $0xb8;
	[tilespmem:$0x19400] =	vst v63  }
0x179: {  	s26 =	simm.s32 @!p0 $0x14400  }
0x17a: {  	[tilespmem:s26], [sflag:$0x1] =	stream.indirect_vreg.gather @!p0 [hbm4b:s6+s22], $0x80, v20, vm0, $0xb8;
	[tilespmem:$0x19400] =	vst v63  }
0x17b: {  	s26 =	simm.s32 @!p0 $0x14C00  }
0x17c: {  	[tilespmem:s26], [sflag:$0x1] =	stream.indirect_vreg.gather @!p0 [hbm4b:s7+s22], $0x80, v20, vm0, $0xb8;
	[tilespmem:$0x19400] =	vst v63  }
0x17d: {  	v20 =	vld @!p0 [tilespmem:$0x1290];
	_ =	sdelay $0x4  }
0x17e: {  	v24 =	vshll.u32 @!p0 v20, $0x3  }
0x17f: {  	v20 =	vand.u32 @!p0 $0x7, v20;
	v24 =	vand.u32 @!p0 $0xFFFFFFC0, v24  }
0x180: {  	v20 =	vor.u32 @!p0 v20, v24  }
0x181: {  	v21 =	vperm.xlane @!p0 v20, v21;
	_ =	sdelay $0x1  }
0x182: {  	v21 =	vadd.s32 @!p0 v23, v21;
	_ =	sdelay $0x3  }
0x183: {  	s26 =	simm.s32 @!p0 $0x15400  }
0x184: {  	[tilespmem:s26], [sflag:$0x1] =	stream.indirect_vreg.gather @!p0 [hbm4b:s2+s22], $0x80, v21, vm0, $0xb8;
	[tilespmem:$0x19400] =	vst v63  }
0x185: {  	v20 =	vperm.xlane @!p0 v20, v22;
	s26 =	simm.s32 @!p0 $0x15C00  }
0x186: {  	[tilespmem:s26], [sflag:$0x1] =	stream.indirect_vreg.gather @!p0 [hbm4b:s5+s22], $0x80, v21, vm0, $0xb8;
	[tilespmem:$0x19400] =	vst v63  }
0x187: {  	v20 =	vadd.s32 @!p0 v23, v20;
	s26 =	simm.s32 @!p0 $0x16400  }
0x188: {  	[tilespmem:s26], [sflag:$0x1] =	stream.indirect_vreg.gather @!p0 [hbm4b:s6+s22], $0x80, v21, vm0, $0xb8;
	[tilespmem:$0x19400] =	vst v63  }
0x189: {  	s26 =	simm.s32 @!p0 $0x16C00  }
0x18a: {  	[tilespmem:s26], [sflag:$0x1] =	stream.indirect_vreg.gather @!p0 [hbm4b:s7+s22], $0x80, v21, vm0, $0xb8;
	[tilespmem:$0x19400] =	vst v63  }
0x18b: {  	s26 =	simm.s32 @!p0 $0x17400  }
0x18c: {  	[tilespmem:s26], [sflag:$0x1] =	stream.indirect_vreg.gather @!p0 [hbm4b:s2+s22], $0x80, v20, vm0, $0xb8;
	[tilespmem:$0x19400] =	vst v63  }
0x18d: {  	s26 =	simm.s32 @!p0 $0x17C00  }
0x18e: {  	[tilespmem:s26], [sflag:$0x1] =	stream.indirect_vreg.gather @!p0 [hbm4b:s5+s22], $0x80, v20, vm0, $0xb8;
	[tilespmem:$0x19400] =	vst v63  }
0x18f: {  	s26 =	simm.s32 @!p0 $0x18400  }
0x190: {  	[tilespmem:s26], [sflag:$0x1] =	stream.indirect_vreg.gather @!p0 [hbm4b:s6+s22], $0x80, v20, vm0, $0xb8;
	[tilespmem:$0x19400] =	vst v63  }
0x191: {  	s26 =	simm.s32 @!p0 $0x18C00  }
0x192: {  	[tilespmem:s26], [sflag:$0x1] =	stream.indirect_vreg.gather @!p0 [hbm4b:s7+s22], $0x80, v20, vm0, $0xb8;
	[tilespmem:$0x19400] =	vst v63  }
0x193: {  	s26 =	simm.s32 @!p1 $0x1  }
0x194: {  	_ =	swait.ge @!p1 [sflag:s26], $0x8000  }
0x195: {  	[sflag:s26] =	ssyncset.done @!p1 $0x0  }
0x196: {  	[sflag:s26] =	ssyncadd.s32 @!p1 $0xFFFF8000  }
0x197: {  	[hbm4b:s12+s23] =	stream.linear.scatter @!p1 [tilespmem:s24], [sflag:$0x2], $0x8000, $0x38;
	[tilespmem:$0x19400] =	vst v63  }
0x198: {  	s23 =	simm.s32 @!p3 $0x2  }
0x199: {  	_ =	swait.ge @!p3 [sflag:s23], $0x8000  }
0x19a: {  	[sflag:s23] =	ssyncset.done @!p3 $0x0  }
0x19b: {  	p2 =	sgt.s32 s21, $0xFFFFFFFF;
	[sflag:s23] =	ssyncadd.s32 @!p3 $0xFFFF8000  }
0x19c: {  	v20 =	vld @!p2 [tilespmem:$0x1300];
	_ =	sdelay $0x4  }
0x19d: {  	v21 =	vshll.u32 @!p2 v20, $0x3  }
0x19e: {  	v22 =	vlaneseq.u32 @!p2;
	v20 =	vand.u32 @!p2 $0x7, v20;
	v21 =	vand.u32 @!p2 $0xFFFFFFC0, v21  }
0x19f: {  	v23 =	vshrl.u32 @!p2 v22, $0x3;
	v20 =	vor.u32 @!p2 v20, v21;
	v21 =	vand.u32 @!p2 $0x7, v22  }
0x1a0: {  	v23 =	vmul.u32 @!p2 $0x8, v23;
	v24 =	vperm.xlane @!p2 v20, v21;
	_ =	sdelay $0x1  }
0x1a1: {  	v24 =	vadd.s32 @!p2 v23, v24;
	_ =	sdelay $0x3  }
0x1a2: {  	s21 =	simm.s32 @!p2 $0x0;
	vm0 =	vmmov @!p2 $0xffff;
	s23 =	simm.s32 @!p2 $0x1400  }
0x1a3: {  	v22 =	vor.u32 @!p2 $0x8, v22;
	[tilespmem:s23], [sflag:$0x1] =	stream.indirect_vreg.gather @!p2 [hbm4b:s2+s21], $0x80, v24, vm0, $0xb8;
	[tilespmem:$0x19400] =	vst v63  }
0x1a4: {  	s24 =	simm.s32 @!p2 $0x1C00;
	v20 =	vperm.xlane @!p2 v20, v22  }
0x1a5: {  	[tilespmem:s24], [sflag:$0x1] =	stream.indirect_vreg.gather @!p2 [hbm4b:s5+s21], $0x80, v24, vm0, $0xb8;
	[tilespmem:$0x19400] =	vst v63  }
0x1a6: {  	v20 =	vadd.s32 @!p2 v23, v20;
	s24 =	simm.s32 @!p2 $0x2400  }
0x1a7: {  	[tilespmem:s24], [sflag:$0x1] =	stream.indirect_vreg.gather @!p2 [hbm4b:s6+s21], $0x80, v24, vm0, $0xb8;
	[tilespmem:$0x19400] =	vst v63  }
0x1a8: {  	s24 =	simm.s32 @!p2 $0x2C00  }
0x1a9: {  	[tilespmem:s24], [sflag:$0x1] =	stream.indirect_vreg.gather @!p2 [hbm4b:s7+s21], $0x80, v24, vm0, $0xb8;
	[tilespmem:$0x19400] =	vst v63  }
0x1aa: {  	s24 =	simm.s32 @!p2 $0x3400  }
0x1ab: {  	[tilespmem:s24], [sflag:$0x1] =	stream.indirect_vreg.gather @!p2 [hbm4b:s2+s21], $0x80, v20, vm0, $0xb8;
	[tilespmem:$0x19400] =	vst v63  }
0x1ac: {  	s24 =	simm.s32 @!p2 $0x3C00  }
0x1ad: {  	[tilespmem:s24], [sflag:$0x1] =	stream.indirect_vreg.gather @!p2 [hbm4b:s5+s21], $0x80, v20, vm0, $0xb8;
	[tilespmem:$0x19400] =	vst v63  }
0x1ae: {  	s24 =	simm.s32 @!p2 $0x4400  }
0x1af: {  	[tilespmem:s24], [sflag:$0x1] =	stream.indirect_vreg.gather @!p2 [hbm4b:s6+s21], $0x80, v20, vm0, $0xb8;
	[tilespmem:$0x19400] =	vst v63  }
0x1b0: {  	s24 =	simm.s32 @!p2 $0x4C00  }
0x1b1: {  	[tilespmem:s24], [sflag:$0x1] =	stream.indirect_vreg.gather @!p2 [hbm4b:s7+s21], $0x80, v20, vm0, $0xb8;
	[tilespmem:$0x19400] =	vst v63  }
0x1b2: {  	v20 =	vld @!p2 [tilespmem:$0x1310];
	_ =	sdelay $0x4  }
0x1b3: {  	v24 =	vshll.u32 @!p2 v20, $0x3  }
0x1b4: {  	v20 =	vand.u32 @!p2 $0x7, v20;
	v24 =	vand.u32 @!p2 $0xFFFFFFC0, v24  }
0x1b5: {  	v20 =	vor.u32 @!p2 v20, v24  }
0x1b6: {  	v21 =	vperm.xlane @!p2 v20, v21;
	_ =	sdelay $0x1  }
0x1b7: {  	v21 =	vadd.s32 @!p2 v23, v21;
	_ =	sdelay $0x3  }
0x1b8: {  	s24 =	simm.s32 @!p2 $0x5400  }
0x1b9: {  	[tilespmem:s24], [sflag:$0x1] =	stream.indirect_vreg.gather @!p2 [hbm4b:s2+s21], $0x80, v21, vm0, $0xb8;
	[tilespmem:$0x19400] =	vst v63  }
0x1ba: {  	v20 =	vperm.xlane @!p2 v20, v22;
	s24 =	simm.s32 @!p2 $0x5C00  }
0x1bb: {  	[tilespmem:s24], [sflag:$0x1] =	stream.indirect_vreg.gather @!p2 [hbm4b:s5+s21], $0x80, v21, vm0, $0xb8;
	[tilespmem:$0x19400] =	vst v63  }
0x1bc: {  	v20 =	vadd.s32 @!p2 v23, v20;
	s24 =	simm.s32 @!p2 $0x6400  }
0x1bd: {  	[tilespmem:s24], [sflag:$0x1] =	stream.indirect_vreg.gather @!p2 [hbm4b:s6+s21], $0x80, v21, vm0, $0xb8;
	[tilespmem:$0x19400] =	vst v63  }
0x1be: {  	s24 =	simm.s32 @!p2 $0x6C00  }
0x1bf: {  	[tilespmem:s24], [sflag:$0x1] =	stream.indirect_vreg.gather @!p2 [hbm4b:s7+s21], $0x80, v21, vm0, $0xb8;
	[tilespmem:$0x19400] =	vst v63  }
0x1c0: {  	s24 =	simm.s32 @!p2 $0x7400  }
0x1c1: {  	[tilespmem:s24], [sflag:$0x1] =	stream.indirect_vreg.gather @!p2 [hbm4b:s2+s21], $0x80, v20, vm0, $0xb8;
	[tilespmem:$0x19400] =	vst v63  }
0x1c2: {  	s24 =	simm.s32 @!p2 $0x7C00  }
0x1c3: {  	[tilespmem:s24], [sflag:$0x1] =	stream.indirect_vreg.gather @!p2 [hbm4b:s5+s21], $0x80, v20, vm0, $0xb8;
	[tilespmem:$0x19400] =	vst v63  }
0x1c4: {  	s24 =	simm.s32 @!p2 $0x8400  }
0x1c5: {  	[tilespmem:s24], [sflag:$0x1] =	stream.indirect_vreg.gather @!p2 [hbm4b:s6+s21], $0x80, v20, vm0, $0xb8;
	[tilespmem:$0x19400] =	vst v63  }
0x1c6: {  	s24 =	simm.s32 @!p2 $0x8C00  }
0x1c7: {  	[tilespmem:s24], [sflag:$0x1] =	stream.indirect_vreg.gather @!p2 [hbm4b:s7+s21], $0x80, v20, vm0, $0xb8;
	[tilespmem:$0x19400] =	vst v63  }
0x1c8: {  	s24 =	simm.s32 @!p0 $0x1  }
0x1c9: {  	_ =	swait.ge @!p0 [sflag:s24], $0x8000  }
0x1ca: {  	[sflag:s24] =	ssyncset.done @!p0 $0x0  }
0x1cb: {  	[sflag:s24] =	ssyncadd.s32 @!p0 $0xFFFF8000  }
0x1cc: {  	[hbm4b:s13+s22] =	stream.linear.scatter @!p0 [tilespmem:s25], [sflag:$0x2], $0x8000, $0x38;
	[tilespmem:$0x19400] =	vst v63  }
0x1cd: {  	s22 =	simm.s32 @!p1 $0x2  }
0x1ce: {  	_ =	swait.ge @!p1 [sflag:s22], $0x8000  }
0x1cf: {  	[sflag:s22] =	ssyncset.done @!p1 $0x0  }
0x1d0: {  	[sflag:s22] =	ssyncadd.s32 @!p1 $0xFFFF8000;
	p1 =	sgt.s32 s20, $0xFFFFFFFF  }
0x1d1: {  	v20 =	vld @!p1 [tilespmem:$0x1380];
	_ =	sdelay $0x4  }
0x1d2: {  	v21 =	vshll.u32 @!p1 v20, $0x3  }
0x1d3: {  	v22 =	vlaneseq.u32 @!p1;
	v20 =	vand.u32 @!p1 $0x7, v20;
	v21 =	vand.u32 @!p1 $0xFFFFFFC0, v21  }
0x1d4: {  	v23 =	vshrl.u32 @!p1 v22, $0x3;
	v20 =	vor.u32 @!p1 v20, v21;
	v21 =	vand.u32 @!p1 $0x7, v22  }
0x1d5: {  	v23 =	vmul.u32 @!p1 $0x8, v23;
	v24 =	vperm.xlane @!p1 v20, v21;
	_ =	sdelay $0x1  }
0x1d6: {  	v24 =	vadd.s32 @!p1 v23, v24;
	_ =	sdelay $0x3  }
0x1d7: {  	vm0 =	vmmov @!p1 $0xffff;
	s20 =	simm.s32 @!p1 $0x0;
	s22 =	simm.s32 @!p1 $0x9400  }
0x1d8: {  	v22 =	vor.u32 @!p1 $0x8, v22;
	[tilespmem:s22], [sflag:$0x1] =	stream.indirect_vreg.gather @!p1 [hbm4b:s2+s20], $0x80, v24, vm0, $0xb8;
	[tilespmem:$0x19400] =	vst v63  }
0x1d9: {  	s24 =	simm.s32 @!p1 $0x9C00;
	v20 =	vperm.xlane @!p1 v20, v22  }
0x1da: {  	[tilespmem:s24], [sflag:$0x1] =	stream.indirect_vreg.gather @!p1 [hbm4b:s5+s20], $0x80, v24, vm0, $0xb8;
	[tilespmem:$0x19400] =	vst v63  }
0x1db: {  	v20 =	vadd.s32 @!p1 v23, v20;
	s24 =	simm.s32 @!p1 $0xA400  }
0x1dc: {  	[tilespmem:s24], [sflag:$0x1] =	stream.indirect_vreg.gather @!p1 [hbm4b:s6+s20], $0x80, v24, vm0, $0xb8;
	[tilespmem:$0x19400] =	vst v63  }
0x1dd: {  	s24 =	simm.s32 @!p1 $0xAC00  }
0x1de: {  	[tilespmem:s24], [sflag:$0x1] =	stream.indirect_vreg.gather @!p1 [hbm4b:s7+s20], $0x80, v24, vm0, $0xb8;
	[tilespmem:$0x19400] =	vst v63  }
0x1df: {  	s24 =	simm.s32 @!p1 $0xB400  }
0x1e0: {  	[tilespmem:s24], [sflag:$0x1] =	stream.indirect_vreg.gather @!p1 [hbm4b:s2+s20], $0x80, v20, vm0, $0xb8;
	[tilespmem:$0x19400] =	vst v63  }
0x1e1: {  	s24 =	simm.s32 @!p1 $0xBC00  }
0x1e2: {  	[tilespmem:s24], [sflag:$0x1] =	stream.indirect_vreg.gather @!p1 [hbm4b:s5+s20], $0x80, v20, vm0, $0xb8;
	[tilespmem:$0x19400] =	vst v63  }
0x1e3: {  	s24 =	simm.s32 @!p1 $0xC400  }
0x1e4: {  	[tilespmem:s24], [sflag:$0x1] =	stream.indirect_vreg.gather @!p1 [hbm4b:s6+s20], $0x80, v20, vm0, $0xb8;
	[tilespmem:$0x19400] =	vst v63  }
0x1e5: {  	s24 =	simm.s32 @!p1 $0xCC00  }
0x1e6: {  	[tilespmem:s24], [sflag:$0x1] =	stream.indirect_vreg.gather @!p1 [hbm4b:s7+s20], $0x80, v20, vm0, $0xb8;
	[tilespmem:$0x19400] =	vst v63  }
0x1e7: {  	v20 =	vld @!p1 [tilespmem:$0x1390];
	_ =	sdelay $0x4  }
0x1e8: {  	v24 =	vshll.u32 @!p1 v20, $0x3  }
0x1e9: {  	v20 =	vand.u32 @!p1 $0x7, v20;
	v24 =	vand.u32 @!p1 $0xFFFFFFC0, v24  }
0x1ea: {  	v20 =	vor.u32 @!p1 v20, v24  }
0x1eb: {  	v21 =	vperm.xlane @!p1 v20, v21;
	_ =	sdelay $0x1  }
0x1ec: {  	v21 =	vadd.s32 @!p1 v23, v21;
	_ =	sdelay $0x3  }
0x1ed: {  	s24 =	simm.s32 @!p1 $0xD400  }
0x1ee: {  	[tilespmem:s24], [sflag:$0x1] =	stream.indirect_vreg.gather @!p1 [hbm4b:s2+s20], $0x80, v21, vm0, $0xb8;
	[tilespmem:$0x19400] =	vst v63  }
0x1ef: {  	v20 =	vperm.xlane @!p1 v20, v22;
	s24 =	simm.s32 @!p1 $0xDC00  }
0x1f0: {  	[tilespmem:s24], [sflag:$0x1] =	stream.indirect_vreg.gather @!p1 [hbm4b:s5+s20], $0x80, v21, vm0, $0xb8;
	[tilespmem:$0x19400] =	vst v63  }
0x1f1: {  	v20 =	vadd.s32 @!p1 v23, v20;
	s24 =	simm.s32 @!p1 $0xE400  }
0x1f2: {  	[tilespmem:s24], [sflag:$0x1] =	stream.indirect_vreg.gather @!p1 [hbm4b:s6+s20], $0x80, v21, vm0, $0xb8;
	[tilespmem:$0x19400] =	vst v63  }
0x1f3: {  	s24 =	simm.s32 @!p1 $0xEC00  }
0x1f4: {  	[tilespmem:s24], [sflag:$0x1] =	stream.indirect_vreg.gather @!p1 [hbm4b:s7+s20], $0x80, v21, vm0, $0xb8;
	[tilespmem:$0x19400] =	vst v63  }
0x1f5: {  	s24 =	simm.s32 @!p1 $0xF400  }
0x1f6: {  	[tilespmem:s24], [sflag:$0x1] =	stream.indirect_vreg.gather @!p1 [hbm4b:s2+s20], $0x80, v20, vm0, $0xb8;
	[tilespmem:$0x19400] =	vst v63  }
0x1f7: {  	s24 =	simm.s32 @!p1 $0xFC00  }
0x1f8: {  	[tilespmem:s24], [sflag:$0x1] =	stream.indirect_vreg.gather @!p1 [hbm4b:s5+s20], $0x80, v20, vm0, $0xb8;
	[tilespmem:$0x19400] =	vst v63  }
0x1f9: {  	s24 =	simm.s32 @!p1 $0x10400  }
0x1fa: {  	[tilespmem:s24], [sflag:$0x1] =	stream.indirect_vreg.gather @!p1 [hbm4b:s6+s20], $0x80, v20, vm0, $0xb8;
	[tilespmem:$0x19400] =	vst v63  }
0x1fb: {  	s24 =	simm.s32 @!p1 $0x10C00  }
0x1fc: {  	[tilespmem:s24], [sflag:$0x1] =	stream.indirect_vreg.gather @!p1 [hbm4b:s7+s20], $0x80, v20, vm0, $0xb8;
	[tilespmem:$0x19400] =	vst v63  }
0x1fd: {  	s24 =	simm.s32 @!p2 $0x1  }
0x1fe: {  	_ =	swait.ge @!p2 [sflag:s24], $0x8000  }
0x1ff: {  	[sflag:s24] =	ssyncset.done @!p2 $0x0  }
0x200: {  	[sflag:s24] =	ssyncadd.s32 @!p2 $0xFFFF8000  }
0x201: {  	[hbm4b:s14+s21] =	stream.linear.scatter @!p2 [tilespmem:s23], [sflag:$0x2], $0x8000, $0x38;
	[tilespmem:$0x19400] =	vst v63  }
0x202: {  	s21 =	simm.s32 @!p1 $0x1  }
0x203: {  	_ =	swait.ge @!p1 [sflag:s21], $0x8000  }
0x204: {  	[sflag:s21] =	ssyncset.done @!p1 $0x0  }
0x205: {  	[sflag:s21] =	ssyncadd.s32 @!p1 $0xFFFF8000  }
0x206: {  	[hbm4b:s15+s20] =	stream.linear.scatter @!p1 [tilespmem:s22], [sflag:$0x2], $0x8000, $0x38;
	[tilespmem:$0x19400] =	vst v63  }
0x207: {  	s20 =	simm.s32 @!p0 $0x2  }
0x208: {  	_ =	swait.ge @!p0 [sflag:s20], $0x8000  }
0x209: {  	[sflag:s20] =	ssyncset.done @!p0 $0x0  }
0x20a: {  	s19 =	sadd.s32 $0x1, s19;
	[sflag:s20] =	ssyncadd.s32 @!p0 $0xFFFF8000;
	s20 =	simm.s32 @!p2 $0x2  }
0x20b: {  	p0 =	sne.s32 s19, s16;
	_ =	swait.ge @!p2 [sflag:s20], $0x8000  }
.Ltmp1:
0x20c: {  	[sflag:s20] =	ssyncset.done @!p2 $0x0;
	(pc) =	sbr.rel @p0 .LBB2_1-.Ltmp1, $4  }
0x20d: {  	[sflag:s20] =	ssyncadd.s32 @!p2 $0xFFFF8000;
	s20 =	simm.s32 @!p1 $0x2  }
0x20e: {  	_ =	swait.ge @!p1 [sflag:s20], $0x8000  }
0x20f: {  	[sflag:s20] =	ssyncset.done @!p1 $0x0  }
0x210: {  	[sflag:s20] =	ssyncadd.s32 @!p1 $0xFFFF8000  }
0x211: {  	_ =	sfence.sel $0x180000  }
0x212: {  	[bflag:$0x0] =	sbarrier.arrive $0xFFFF  }
0x213: {  	p0 =	sne.s32 s3, $0x0;
	_ =	strace $0x90000047  }
0x214: {  	s0 =	sadd.s32 @!p0 $0x100000, s0;
	[bflag:$0x2] =	sbarrier.arrive $0xFFFF  }
0x215: {  	[sflag:s0] =	ssyncadd.tile.s32 @!p0 $0x1;
	_ =	shalt  }
.Lfunc_end2:
_tile_overlayer_lowered:
.L_overlay_start_2:
0x216: {  	(tag) =	ssettag $0x2  }
0x217: {  	s0 =	rddreg [dreg:$0x0];
	s2 =	stileid.u32  }
0x218: {  	s1 =	rddreg [dreg:$0x1];
	p0 =	sne.s32 s2, $0x0  }
0x219: {  	s3 =	rddreg [dreg:$0x2];
	[bflag:$0x3] =	sbarrier.arrive $0xFFFF;
	s2 =	simm.s32 @!p0 $0x1C03  }
0x21a: {  	[timem:s3], [sflag:s2] =	dma.local @!p0 [hbm:s0], s1  }
0x21b: {  	s0 =	simm.s32 @!p0 $0x3  }
0x21c: {  	_ =	swait.ge @!p0 [sflag:s0], s1  }
0x21d: {  	s1 =	ssub.s32 @!p0 $0x0, s1;
	[sflag:s0] =	ssyncset.done @!p0 $0x0  }
0x21e: {  	[sflag:s0] =	ssyncadd.s32 @!p0 s1  }
0x21f: {  	[bflag:$0x3] =	sbarrier.arrive $0xFFFF  }
0x220: {  	_ =	shalt  }

// kernel: kernel.9.cloned.1.call-start
scs
__scs_entry_jumppad:
0x0: {  	(pc) =	sbr.rel $0x88, $3  }
0x1: {  	(tag) =	ssettag $0x0;
	lr =	simm.s32 $0x1  }
0x2: {  	[smem:$0x3F9C] =	sst lr;
	_ =	strace $0xD0000000  }
0x3: {  	_ = 	snop  }
0x4: {  	_ = 	snop  }
0x5: {  	_ = 	snop  }
0x6: {  	_ = 	snop  }
0x7: {  	_ = 	snop  }
__scs_overlays_trampoline_lowered:
0x8: {  	[smem:$0x3FAB] =	sst s0  }
0x9: {  	[smem:$0x3FAC] =	sst s1  }
0xa: {  	[smem:$0x3FAD] =	sst s2  }
0xb: {  	[smem:$0x3FAE] =	sst s3  }
0xc: {  	[smem:$0x3FAF] =	sst s4  }
0xd: {  	[smem:$0x3FB0] =	sst s5  }
0xe: {  	[smem:$0x3FB1] =	sst s6  }
0xf: {  	[smem:$0x3FB2] =	sst s7  }
0x10: {  	[smem:$0x3FB3] =	sst s8  }
0x11: {  	[smem:$0x3FB4] =	sst s9;
	s0 =	simm.s32 @!p0 $0x0  }
0x12: {  	s1 =	sld [smem:$0x3F9A];
	s0 =	simm.s32 @p0 $0x1  }
0x13: {  	[smem:$0x3FB5] =	sst s0;
	s0 =	simm.s32 @!p1 $0x0  }
0x14: {  	s2 =	sld [smem:$0x3F99];
	s0 =	simm.s32 @p1 $0x1  }
0x15: {  	[smem:$0x3FB6] =	sst s0;
	s0 =	simm.s32 @!p2 $0x0  }
0x16: {  	s3 =	sld [smem:$0x3FDB];
	s0 =	simm.s32 @p2 $0x1  }
0x17: {  	s4 =	simm.s32 $0x1BF5;
	[smem:$0x3FB8] =	sst s0  }
0x18: {  	s0 =	sld [smem:$0x3F9B];
	_ =	swait.ge [sflag:s4], $0x0  }
0x19: {  	s7 =	sld [smem:$0x3F9C]  }
0x1a: {  	s8 =	sadd.s32 $0xFFFFE003, lr  }
0x1b: {  	s9 =	sadd.s32 $0xFFFFFEF7, lr;
	s5 =	simm.s32 $0xFFFFFFFF;
	p2 =	slt.u32 s8, $0xFFFFF086  }
0x1c: {  	p1 =	slt.u32 s9, $0xF7A;
	s5 =	simm.s32 @!p2 $0x0  }
0x1d: {  	s5 =	simm.s32 @p1 $0x1;
	p0 =	seq.s32 s7, s2  }
0x1e: {  	s7 =	smul.u32 @!p0 $0xF7A, s2;
	p2 =	seq.s32 @!p0 s5, $0x0  }
0x1f: {  	s9 =	smul.u32 $0xF7A, s1;
	s8 =	simm.s32 @!p0 $0x1BF5;
	p2 =	por !p2, p0  }
0x20: {  	[sflag:s8] =	ssyncset.s32 @!p0 $0xFFFFF086;
	s6 =	sadd.s32 @!p0 s3, s7;
	s7 =	simm.s32 @!p0 $0x108  }
0x21: {  	s3 =	sadd.s32 s3, s9;
	s6 =	sadd.s32 @!p0 $0x88, s6;
	s7 =	simm.s32 @p2 $0x1082  }
0x22: {  	[simem:s7], [sflag:s8] =	dma.local @!p0 [hbm:s6], $0xF7A  }
0x23: {  	s9 =	sor.u32 $0xD0000000, s2;
	s6 =	simm.s32 $0x108;
	_ =	swait.ge @!p0 [sflag:s8], $0x0  }
0x24: {  	s3 =	sadd.s32 $0x88, s3;
	s6 =	simm.s32 @!p1 $0x1082;
	[sflag:s4] =	ssyncset.s32 $0xFFFFF086  }
0x25: {  	[simem:s6], [sflag:s4] =	dma.local [hbm:s3], $0xF7A  }
0x26: {  	[smem:$0x3F9C] =	sst s1;
	(tag) =	ssettag s2;
	_ =	strace s9  }
0x27: {  	s1 =	sld [smem:$0x3FAC]  }
0x28: {  	s2 =	sld [smem:$0x3FAD]  }
0x29: {  	s4 =	sld [smem:$0x3FAF]  }
0x2a: {  	p0 =	seq.s32 s5, $0x0;
	s5 =	sld [smem:$0x3FB0]  }
0x2b: {  	s6 =	sld [smem:$0x3FB1]  }
0x2c: {  	s7 =	sld [smem:$0x3FB2]  }
0x2d: {  	s3 =	simm.s32 $0x108;
	s8 =	sld [smem:$0x3FB3]  }
0x2e: {  	s3 =	simm.s32 @!p0 $0x1082;
	s9 =	sld [smem:$0x3FB4]  }
0x2f: {  	lr =	sadd.s32 s0, s3;
	s0 =	sld [smem:$0x3FAB]  }
0x30: {  	s3 =	sld [smem:$0x3FAE]  }
0x31: {  	[smem:$0x3FB7] =	sst s10  }
0x32: {  	s10 =	sld [smem:$0x3FB5];
	_ =	sdelay $0x3  }
0x33: {  	p0 =	seq.s32 s10, $0x1;
	s10 =	sld [smem:$0x3FB7];
	_ =	sdelay $0x3  }
0x34: {  	[smem:$0x3FB7] =	sst s10  }
0x35: {  	s10 =	sld [smem:$0x3FB6];
	_ =	sdelay $0x3  }
0x36: {  	p1 =	seq.s32 s10, $0x1;
	s10 =	sld [smem:$0x3FB7];
	_ =	sdelay $0x3  }
0x37: {  	[smem:$0x3FB7] =	sst s10  }
0x38: {  	s10 =	sld [smem:$0x3FB8]  }
0x39: {  	_ = 	snop;
	(pc) =	sbr.ind lr, $3  }
0x3a: {  	_ = 	snop  }
0x3b: {  	_ = 	snop  }
0x3c: {  	p2 =	seq.s32 s10, $0x1;
	s10 =	sld [smem:$0x3FB7]  }
0x3d: {  	_ =	shalt  }
0x3e: {  	_ =	shalt  }
0x3f: {  	_ =	shalt  }
0x40: {  	_ =	shalt  }
0x41: {  	_ =	shalt  }
0x42: {  	_ =	shalt  }
0x43: {  	_ =	shalt  }
0x44: {  	_ =	shalt  }
0x45: {  	_ =	shalt  }
0x46: {  	_ =	shalt  }
0x47: {  	_ =	shalt  }
0x48: {  	_ =	shalt  }
0x49: {  	_ =	shalt  }
0x4a: {  	_ =	shalt  }
0x4b: {  	_ =	shalt  }
0x4c: {  	_ =	shalt  }
0x4d: {  	_ =	shalt  }
0x4e: {  	_ =	shalt  }
0x4f: {  	_ =	shalt  }
0x50: {  	_ =	shalt  }
0x51: {  	_ =	shalt  }
0x52: {  	_ =	shalt  }
0x53: {  	_ =	shalt  }
0x54: {  	_ =	shalt  }
0x55: {  	_ =	shalt  }
0x56: {  	_ =	shalt  }
0x57: {  	_ =	shalt  }
0x58: {  	_ =	shalt  }
0x59: {  	_ =	shalt  }
0x5a: {  	_ =	shalt  }
0x5b: {  	_ =	shalt  }
0x5c: {  	_ =	shalt  }
0x5d: {  	_ =	shalt  }
0x5e: {  	_ =	shalt  }
0x5f: {  	_ =	shalt  }
0x60: {  	_ =	shalt  }
0x61: {  	_ =	shalt  }
0x62: {  	_ =	shalt  }
0x63: {  	_ =	shalt  }
0x64: {  	_ =	shalt  }
0x65: {  	_ =	shalt  }
0x66: {  	_ =	shalt  }
0x67: {  	_ =	shalt  }
0x68: {  	_ =	shalt  }
0x69: {  	_ =	shalt  }
0x6a: {  	_ =	shalt  }
0x6b: {  	_ =	shalt  }
0x6c: {  	_ =	shalt  }
0x6d: {  	_ =	shalt  }
0x6e: {  	_ =	shalt  }
0x6f: {  	_ =	shalt  }
0x70: {  	_ =	shalt  }
0x71: {  	_ =	shalt  }
0x72: {  	_ =	shalt  }
0x73: {  	_ =	shalt  }
0x74: {  	_ =	shalt  }
0x75: {  	_ =	shalt  }
0x76: {  	_ =	shalt  }
0x77: {  	_ =	shalt  }
0x78: {  	_ =	shalt  }
0x79: {  	_ =	shalt  }
0x7a: {  	_ =	shalt  }
0x7b: {  	_ =	shalt  }
0x7c: {  	_ =	shalt  }
0x7d: {  	_ =	shalt  }
0x7e: {  	_ =	shalt  }
0x7f: {  	_ =	shalt  }
0x80: {  	_ =	shalt  }
0x81: {  	_ =	shalt  }
0x82: {  	_ =	shalt  }
0x83: {  	_ =	shalt  }
0x84: {  	_ =	shalt  }
0x85: {  	_ =	shalt  }
0x86: {  	_ =	shalt  }
0x87: {  	_ =	shalt  }
.Lfunc_end0:
.L_simem_size_0:
called_computation.1_lowered:
.L_overlay_start_0:
0x88: {  	s2 =	sld [smem:$0x3FD9]  }
0x89: {  	s3 =	sld [smem:$0x3FFE];
	_ =	sdelay $0x1  }
0x8a: {  	s1 =	srdreg.scid  }
0x8b: {  	s0 =	sand.u32 $0x1, s1  }
0x8c: {  	s14 =	sshll.u32 s0, $0xA;
	s2 =	sadd.s32 s3, s2  }
0x8d: {  	s2 =	sadd.s32 s2, s14  }
0x8e: {  	[smem:$0x3FC3] =	sst s2  }
0x8f: {  	_ = 	snop  }
0x90: {  	s2 =	sld [smem:$0x3FD0];
	_ =	sdelay $0x2  }
0x91: {  	s15 =	simm.s32 $0xA;
	s4 =	simm.s32 $0x10  }
0x92: {  	[smem:s4], [sflag:s15] =	dma.local [hbm:s2], $0x1  }
0x93: {  	_ =	swait.eq [sflag:s15], $0x1  }
0x94: {  	[sflag:s15] =	ssyncset.done $0x0  }
0x95: {  	[sflag:s15] =	ssyncadd.s32 $0xFFFFFFFF  }
0x96: {  	s16 =	sld [smem:$0x10];
	(tm) =	ssettm $0x1  }
0x97: {  	s17 =	sld [smem:$0x3FFB];
	_ =	sdelay $0x3  }
0x98: {  	_ =	strace s17  }
0x99: {  	s3 =	sld [smem:$0x3FFC];
	_ =	sdelay $0x3  }
0x9a: {  	_ =	strace s3  }
0x9b: {  	s3 =	sld [smem:$0x3FFD];
	_ =	sdelay $0x3  }
0x9c: {  	_ =	strace s3  }
0x9d: {  	_ =	strace $0x8FFFFFFF  }
0x9e: {  	s18 =	sld [smem:$0x3FDB];
	_ =	sdelay $0x1  }
0x9f: {  	s19 =	simm.s32 $_scs_section_size  }
0xa0: {  	s5 =	simm.s32 $_size__tile_overlayer_lowered;
	s6 =	simm.s32 $_tile_overlayer_lowered  }
0xa1: {  	s22 =	simm.s32 $0x1BFF;
	s21 =	sshll.u32 s6, $0x1;
	s3 =	sadd.s32 s19, s18  }
0xa2: {  	s7 =	simm.s32 $0x0;
	s20 =	sshll.u32 s5, $0x1;
	s5 =	sadd.s32 s21, s3  }
0xa3: {  	[timem:s7], [sflag:s22] =	dma.local [hbm:s5], s20  }
0xa4: {  	_ =	swait.ge [sflag:s22], s20  }
0xa5: {  	s4 =	ssub.s32 $0x0, s20;
	[sflag:s22] =	ssyncset.done $0x0  }
0xa6: {  	[sflag:s22] =	ssyncadd.s32 s4;
	_ =	sdelay $0x1  }
0xa7: {  	s23 =	simm.s32 $0x1B8B  }
0xa8: {  	_ =	swait.ge [sflag:s23], $0x1  }
0xa9: {  	[sflag:s23] =	ssyncset.done $0x0  }
0xaa: {  	s25 =	simm.s32 $0x1B8E;
	s24 =	sld [smem:$0x3FFE];
	[sflag:s23] =	ssyncadd.s32 $0xFFFFFFFF  }
0xab: {  	s26 =	simm.s32 $execute0_lowered;
	[smem:$0x3FD2] =	sst s25  }
0xac: {  	s5 =	sshll.u32 s26, $0x1;
	_ =	strace $0x80000049;
	[dreg:$0x1] =	wrdreg $0xFFFFFFFF  }
0xad: {  	s28 =	simm.s32 $_size_execute0_lowered;
	s3 =	sadd.s32 s3, s5;
	[dreg:$0x0] =	wrdreg $0x0  }
0xae: {  	s5 =	sshll.u32 s28, $0x1;
	[dreg:$0x2] =	wrdreg s3  }
0xaf: {  	[dreg:$0x3] =	wrdreg s5  }
0xb0: {  	[dreg:$0x4] =	wrdreg $0xC0  }
0xb1: {  	_ =	task [dreg:s7], $0x5FFFF  }
0xb2: {  	[dreg:$0x1] =	wrdreg $0xFFFFFFFF  }
0xb3: {  	[dreg:$0x0] =	wrdreg $0x60  }
0xb4: {  	[dreg:$0x2] =	wrdreg s24  }
0xb5: {  	[dreg:$0x3] =	wrdreg s16  }
0xb6: {  	[dreg:$0x4] =	wrdreg $0x9  }
0xb7: {  	_ =	task.clear_ibuf [dreg:s7], $0x5FFFF;
	_ =	strace $0x90000049  }
0xb8: {  	s29 =	simm.s32 $0x9;
	_ =	strace $0x8000004B  }
0xb9: {  	_ =	swait.ge [sflag:s29], $0x1  }
0xba: {  	[sflag:s29] =	ssyncadd.s32 $0xFFFFFFFF  }
0xbb: {  	_ =	strace $0x9000004B  }
0xbc: {  	_ =	sfence  }
0xbd: {  	s30 =	sld [smem:$0x0];
	_ =	sdelay $0x2  }
0xbe: {  	s31 =	sshll.u32 s1, $0xD;
	s1 =	sshrl.u32 s1, $0x2  }
0xbf: {  	s3 =	sand.u32 $0x4000, s31;
	s1 =	sadd.s32 s1, s30  }
0xc0: {  	s0 =	sor.u32 s3, s0;
	s1 =	sshll.u32 s1, $0x11  }
0xc1: {  	s0 =	sor.u32 s1, s0  }
0xc2: {  	s0 =	sadd.s32 $0x8F2B, s0  }
0xc3: {  	[sflag:s0] =	ssyncadd.remote.s32 $0x1  }
0xc4: {  	_ =	sfence.sel $0xFFFF  }
0xc5: {  	[dreg:$0x0] =	wrdreg $0xFFFFFFFF;
	(pc) =	sbr.abs _section_cstart, $3  }
0xc6: {  	[dreg:$0x1] =	wrdreg $0xFFFFFFFF  }
0xc7: {  	_ =	task.clear_ibuf [dreg:s7], $0x2FFFF;
	_ =	strace $0x9FFFFFFF  }
0xc8: {  	(tm) =	ssettm $0x7FFFFFFF  }
0xc9: {  	_ =	shalt  }
tec
execute0_lowered:
.L_overlay_start_1:
0x0: {  	(tag) =	ssettag $0x1  }
0x1: {  	s0 =	rddreg [dreg:$0x0]  }
0x2: {  	s3 =	rddreg [dreg:$0x1];
	s2 =	simm.s32 $0x0  }
0x3: {  	s19 =	simm.s32 $0x8A00;
	[smem:$0x7FF] =	sst s2  }
0x4: {  	s20 =	simm.s32 $0x9200;
	_ =	strace $0x8000004A;
	[dreg:$0x7] =	wrdreg s19  }
0x5: {  	s1 =	srdreg.scid;
	s21 =	simm.s32 $0x9A00;
	[dreg:$0x8] =	wrdreg s20  }
0x6: {  	s14 =	stileid.u32;
	s22 =	simm.s32 $0xA200;
	[dreg:$0x9] =	wrdreg s21  }
0x7: {  	s23 =	simm.s32 $0xAA00;
	s24 =	simm.s32 $0xB200;
	[dreg:$0xa] =	wrdreg s22  }
0x8: {  	s25 =	simm.s32 $0xBA00;
	s30 =	simm.s32 $0xC200;
	[dreg:$0xb] =	wrdreg s23  }
0x9: {  	s9 =	simm.s32 $0xCA00;
	s10 =	simm.s32 $0xD200;
	[dreg:$0xc] =	wrdreg s24  }
0xa: {  	s11 =	simm.s32 $0xE200;
	s12 =	simm.s32 $0xEA00;
	[dreg:$0xd] =	wrdreg s25  }
0xb: {  	s13 =	simm.s32 $0xF200;
	s28 =	simm.s32 $0x1;
	[dreg:$0xe] =	wrdreg s30  }
0xc: {  	s29 =	simm.s32 $0x10200;
	s31 =	simm.s32 $0x17A00;
	[dreg:$0xf] =	wrdreg s9  }
0xd: {  	s5 =	sand.u32 $0x1, s1;
	s6 =	sshll.u32 s14, $0x7;
	[dreg:$0x10] =	wrdreg s10  }
0xe: {  	s7 =	sshll.u32 s14, $0xF;
	s14 =	simm.s32 $0xFA00;
	[dreg:$0x12] =	wrdreg s11  }
0xf: {  	s1 =	sshll.u32 s5, $0x6;
	s8 =	sshll.u32 s5, $0xE;
	[dreg:$0x13] =	wrdreg s12  }
0x10: {  	s5 =	ssub.s32 $0x2, s5;
	s9 =	simm.s32 $0xDA00;
	[dreg:$0x14] =	wrdreg s13  }
0x11: {  	s10 =	simm.s32 $0x200;
	s11 =	simm.s32 $0xA00;
	[dreg:$0x15] =	wrdreg s14  }
0x12: {  	s12 =	simm.s32 $0x1200;
	s13 =	simm.s32 $0x1A00;
	s14 =	simm.s32 $0x2200  }
0x13: {  	s19 =	simm.s32 $0x12A00;
	s20 =	simm.s32 $0x13200;
	[dreg:$0x11] =	wrdreg s9  }
0x14: {  	s21 =	simm.s32 $0x13A00;
	s22 =	simm.s32 $0x14200;
	[dreg:$0x1a] =	wrdreg s19  }
0x15: {  	s23 =	simm.s32 $0x14A00;
	s24 =	simm.s32 $0x15200;
	[dreg:$0x1b] =	wrdreg s20  }
0x16: {  	s25 =	simm.s32 $0x15A00;
	s30 =	simm.s32 $0x16A00;
	[dreg:$0x1c] =	wrdreg s21  }
0x17: {  	s4 =	sadd.s32 s1, s0;
	s15 =	sor.u32 s8, s7;
	[dreg:$0x1d] =	wrdreg s22  }
0x18: {  	s26 =	sshrl.u32 s5, $0x1;
	s7 =	sadd.s32 $0x112100, s0;
	[dreg:$0x1e] =	wrdreg s23  }
0x19: {  	s9 =	simm.s32 $0x3;
	s19 =	simm.s32 $0x4A00;
	[dreg:$0x1f] =	wrdreg s24  }
0x1a: {  	s20 =	simm.s32 $0x5200;
	s21 =	simm.s32 $0x5A00;
	[smem:$0x7FB] =	sst s25  }
0x1b: {  	s22 =	simm.s32 $0x6200;
	s23 =	simm.s32 $0x6A00;
	[smem:$0x7FD] =	sst s30  }
0x1c: {  	s4 =	sadd.s32 s6, s4;
	s3 =	sadd.s32 s3, s15;
	s15 =	simm.s32 $0x10A00  }
0x1d: {  	s1 =	ssub.s32 s5, s26;
	s26 =	simm.s32 $0x16200;
	[dreg:$0x16] =	wrdreg s15  }
0x1e: {  	s24 =	simm.s32 $0x7200;
	s4 =	sadd.s32 $0x111600, s4;
	[smem:$0x7FC] =	sst s26  }
0x1f: {  	s25 =	simm.s32 $0x7A00;
	s16 =	sadd.s32 $0x1000, s3;
	[dreg:$0x3] =	wrdreg s4  }
0x20: {  	s5 =	sadd.s32 $0x111F00, s0;
	s17 =	sadd.s32 $0x2000, s3;
	[dreg:$0x4] =	wrdreg s16  }
0x21: {  	s6 =	sadd.s32 $0x112000, s0;
	s18 =	sadd.s32 $0x3000, s3;
	[dreg:$0x5] =	wrdreg s17  }
0x22: {  	s8 =	smax.u32 s1, $0x1;
	[dreg:$0x6] =	wrdreg s18;
	s16 =	simm.s32 $0x11200  }
0x23: {  	s15 =	simm.s32 $0x2A00;
	s17 =	simm.s32 $0x11A00;
	[dreg:$0x17] =	wrdreg s16  }
0x24: {  	v2 =	vlaneseq.u32;
	s26 =	simm.s32 $0x8200;
	s18 =	simm.s32 $0x12200;
	[dreg:$0x18] =	wrdreg s17  }
0x25: {  	vm0 =	vmmov $0xffff;
	v1 =	vshrl.u32 v2, $0x3;
	s4 =	sadd.s32 $0x111E00, s0;
	s0 =	simm.s32 $0x2;
	[dreg:$0x19] =	wrdreg s18  }
0x26: {  	v0 =	vand.u32 $0x7, v2;
	v2 =	vor.u32 $0x8, v2;
	v1 =	vmul.u32 $0x8, v1;
	s16 =	simm.s32 $0x3200;
	s17 =	simm.s32 $0x3A00;
	s18 =	simm.s32 $0x4200  }
.LBB2_1:
0x27: {  	s1 =	rddreg [dreg:$0x3]  }
0x28: {  	[tilespmem:s2], [sflag:$0x3] =	stream.linear.gather [hbm4b:s1+s2], $0x200, $0x38;
	[tilespmem:$0x18200] =	vst v63  }
0x29: {  	_ =	swait.ge [sflag:s9], $0x200  }
0x2a: {  	[sflag:s9] =	ssyncset.done $0x0  }
0x2b: {  	[sflag:s9] =	ssyncadd.s32 $0xFFFFFE00  }
0x2c: {  	v3 =	vld [tilespmem:$0x0];
	_ =	sdelay $0x4  }
0x2d: {  	v4 =	vshll.u32 v3, $0x3  }
0x2e: {  	v3 =	vand.u32 $0x7, v3;
	v4 =	vand.u32 $0xFFFFFFC0, v4  }
0x2f: {  	v3 =	vor.u32 v3, v4  }
0x30: {  	v4 =	vperm.xlane v3, v0;
	_ =	sdelay $0x1  }
0x31: {  	v4 =	vadd.s32 v1, v4;
	_ =	sdelay $0x4  }
0x32: {  	[tilespmem:s10], [sflag:$0x1] =	stream.indirect_vreg.gather [hbm4b:s4+s2], $0x80, v4, vm0, $0xb8;
	[tilespmem:$0x18200] =	vst v63  }
0x33: {  	v3 =	vperm.xlane v3, v2  }
0x34: {  	[tilespmem:s11], [sflag:$0x1] =	stream.indirect_vreg.gather [hbm4b:s5+s2], $0x80, v4, vm0, $0xb8;
	[tilespmem:$0x18200] =	vst v63  }
0x35: {  	v3 =	vadd.s32 v1, v3  }
0x36: {  	[tilespmem:s12], [sflag:$0x1] =	stream.indirect_vreg.gather [hbm4b:s6+s2], $0x80, v4, vm0, $0xb8;
	[tilespmem:$0x18200] =	vst v63  }
0x37: {  	_ = 	snop  }
0x38: {  	[tilespmem:s13], [sflag:$0x1] =	stream.indirect_vreg.gather [hbm4b:s7+s2], $0x80, v4, vm0, $0xb8;
	[tilespmem:$0x18200] =	vst v63  }
0x39: {  	_ = 	snop  }
0x3a: {  	[tilespmem:s14], [sflag:$0x1] =	stream.indirect_vreg.gather [hbm4b:s4+s2], $0x80, v3, vm0, $0xb8;
	[tilespmem:$0x18200] =	vst v63  }
0x3b: {  	_ = 	snop  }
0x3c: {  	[tilespmem:s15], [sflag:$0x1] =	stream.indirect_vreg.gather [hbm4b:s5+s2], $0x80, v3, vm0, $0xb8;
	[tilespmem:$0x18200] =	vst v63  }
0x3d: {  	_ = 	snop  }
0x3e: {  	[tilespmem:s16], [sflag:$0x1] =	stream.indirect_vreg.gather [hbm4b:s6+s2], $0x80, v3, vm0, $0xb8;
	[tilespmem:$0x18200] =	vst v63  }
0x3f: {  	_ = 	snop  }
0x40: {  	[tilespmem:s17], [sflag:$0x1] =	stream.indirect_vreg.gather [hbm4b:s7+s2], $0x80, v3, vm0, $0xb8;
	[tilespmem:$0x18200] =	vst v63  }
0x41: {  	v3 =	vld [tilespmem:$0x10];
	_ =	sdelay $0x4  }
0x42: {  	v57 =	vshll.u32 v3, $0x3  }
0x43: {  	v3 =	vand.u32 $0x7, v3;
	v4 =	vand.u32 $0xFFFFFFC0, v57  }
0x44: {  	v3 =	vor.u32 v3, v4  }
0x45: {  	v4 =	vperm.xlane v3, v0;
	_ =	sdelay $0x1  }
0x46: {  	v4 =	vadd.s32 v1, v4;
	_ =	sdelay $0x4  }
0x47: {  	[tilespmem:s18], [sflag:$0x1] =	stream.indirect_vreg.gather [hbm4b:s4+s2], $0x80, v4, vm0, $0xb8;
	[tilespmem:$0x18200] =	vst v63  }
0x48: {  	v3 =	vperm.xlane v3, v2  }
0x49: {  	[tilespmem:s19], [sflag:$0x1] =	stream.indirect_vreg.gather [hbm4b:s5+s2], $0x80, v4, vm0, $0xb8;
	[tilespmem:$0x18200] =	vst v63  }
0x4a: {  	v3 =	vadd.s32 v1, v3  }
0x4b: {  	[tilespmem:s20], [sflag:$0x1] =	stream.indirect_vreg.gather [hbm4b:s6+s2], $0x80, v4, vm0, $0xb8;
	[tilespmem:$0x18200] =	vst v63  }
0x4c: {  	_ = 	snop  }
0x4d: {  	[tilespmem:s21], [sflag:$0x1] =	stream.indirect_vreg.gather [hbm4b:s7+s2], $0x80, v4, vm0, $0xb8;
	[tilespmem:$0x18200] =	vst v63  }
0x4e: {  	_ = 	snop  }
0x4f: {  	[tilespmem:s22], [sflag:$0x1] =	stream.indirect_vreg.gather [hbm4b:s4+s2], $0x80, v3, vm0, $0xb8;
	[tilespmem:$0x18200] =	vst v63  }
0x50: {  	_ = 	snop  }
0x51: {  	[tilespmem:s23], [sflag:$0x1] =	stream.indirect_vreg.gather [hbm4b:s5+s2], $0x80, v3, vm0, $0xb8;
	[tilespmem:$0x18200] =	vst v63  }
0x52: {  	_ = 	snop  }
0x53: {  	[tilespmem:s24], [sflag:$0x1] =	stream.indirect_vreg.gather [hbm4b:s6+s2], $0x80, v3, vm0, $0xb8;
	[tilespmem:$0x18200] =	vst v63  }
0x54: {  	_ = 	snop  }
0x55: {  	[tilespmem:s25], [sflag:$0x1] =	stream.indirect_vreg.gather [hbm4b:s7+s2], $0x80, v3, vm0, $0xb8;
	[tilespmem:$0x18200] =	vst v63  }
0x56: {  	v3 =	vld [tilespmem:$0x80];
	_ =	sdelay $0x4  }
0x57: {  	v58 =	vshll.u32 v3, $0x3  }
0x58: {  	v3 =	vand.u32 $0x7, v3;
	v4 =	vand.u32 $0xFFFFFFC0, v58  }
0x59: {  	v3 =	vor.u32 v3, v4  }
0x5a: {  	v4 =	vperm.xlane v3, v0;
	_ =	sdelay $0x1  }
0x5b: {  	v4 =	vadd.s32 v1, v4;
	_ =	sdelay $0x4  }
0x5c: {  	[tilespmem:s26], [sflag:$0x1] =	stream.indirect_vreg.gather [hbm4b:s4+s2], $0x80, v4, vm0, $0xb8;
	[tilespmem:$0x18200] =	vst v63  }
0x5d: {  	s1 =	rddreg [dreg:$0x7];
	v3 =	vperm.xlane v3, v2  }
0x5e: {  	[tilespmem:s1], [sflag:$0x1] =	stream.indirect_vreg.gather [hbm4b:s5+s2], $0x80, v4, vm0, $0xb8;
	[tilespmem:$0x18200] =	vst v63  }
0x5f: {  	s30 =	rddreg [dreg:$0x8];
	v3 =	vadd.s32 v1, v3  }
0x60: {  	[tilespmem:s30], [sflag:$0x1] =	stream.indirect_vreg.gather [hbm4b:s6+s2], $0x80, v4, vm0, $0xb8;
	[tilespmem:$0x18200] =	vst v63  }
0x61: {  	s1 =	rddreg [dreg:$0x9]  }
0x62: {  	[tilespmem:s1], [sflag:$0x1] =	stream.indirect_vreg.gather [hbm4b:s7+s2], $0x80, v4, vm0, $0xb8;
	[tilespmem:$0x18200] =	vst v63  }
0x63: {  	s30 =	rddreg [dreg:$0xa]  }
0x64: {  	[tilespmem:s30], [sflag:$0x1] =	stream.indirect_vreg.gather [hbm4b:s4+s2], $0x80, v3, vm0, $0xb8;
	[tilespmem:$0x18200] =	vst v63  }
0x65: {  	s1 =	rddreg [dreg:$0xb]  }
0x66: {  	[tilespmem:s1], [sflag:$0x1] =	stream.indirect_vreg.gather [hbm4b:s5+s2], $0x80, v3, vm0, $0xb8;
	[tilespmem:$0x18200] =	vst v63  }
0x67: {  	s30 =	rddreg [dreg:$0xc]  }
0x68: {  	[tilespmem:s30], [sflag:$0x1] =	stream.indirect_vreg.gather [hbm4b:s6+s2], $0x80, v3, vm0, $0xb8;
	[tilespmem:$0x18200] =	vst v63  }
0x69: {  	s1 =	rddreg [dreg:$0xd]  }
0x6a: {  	[tilespmem:s1], [sflag:$0x1] =	stream.indirect_vreg.gather [hbm4b:s7+s2], $0x80, v3, vm0, $0xb8;
	[tilespmem:$0x18200] =	vst v63  }
0x6b: {  	v3 =	vld [tilespmem:$0x90];
	_ =	sdelay $0x4  }
0x6c: {  	v59 =	vshll.u32 v3, $0x3  }
0x6d: {  	v3 =	vand.u32 $0x7, v3;
	v4 =	vand.u32 $0xFFFFFFC0, v59  }
0x6e: {  	v3 =	vor.u32 v3, v4  }
0x6f: {  	v4 =	vperm.xlane v3, v0;
	_ =	sdelay $0x1  }
0x70: {  	v4 =	vadd.s32 v1, v4;
	_ =	sdelay $0x3  }
0x71: {  	s1 =	rddreg [dreg:$0xe]  }
0x72: {  	[tilespmem:s1], [sflag:$0x1] =	stream.indirect_vreg.gather [hbm4b:s4+s2], $0x80, v4, vm0, $0xb8;
	[tilespmem:$0x18200] =	vst v63  }
0x73: {  	s30 =	rddreg [dreg:$0xf];
	v3 =	vperm.xlane v3, v2  }
0x74: {  	[tilespmem:s30], [sflag:$0x1] =	stream.indirect_vreg.gather [hbm4b:s5+s2], $0x80, v4, vm0, $0xb8;
	[tilespmem:$0x18200] =	vst v63  }
0x75: {  	v3 =	vadd.s32 v1, v3;
	s1 =	rddreg [dreg:$0x10]  }
0x76: {  	[tilespmem:s1], [sflag:$0x1] =	stream.indirect_vreg.gather [hbm4b:s6+s2], $0x80, v4, vm0, $0xb8;
	[tilespmem:$0x18200] =	vst v63  }
0x77: {  	s30 =	rddreg [dreg:$0x11]  }
0x78: {  	[tilespmem:s30], [sflag:$0x1] =	stream.indirect_vreg.gather [hbm4b:s7+s2], $0x80, v4, vm0, $0xb8;
	[tilespmem:$0x18200] =	vst v63  }
0x79: {  	s1 =	rddreg [dreg:$0x12]  }
0x7a: {  	[tilespmem:s1], [sflag:$0x1] =	stream.indirect_vreg.gather [hbm4b:s4+s2], $0x80, v3, vm0, $0xb8;
	[tilespmem:$0x18200] =	vst v63  }
0x7b: {  	s30 =	rddreg [dreg:$0x13]  }
0x7c: {  	[tilespmem:s30], [sflag:$0x1] =	stream.indirect_vreg.gather [hbm4b:s5+s2], $0x80, v3, vm0, $0xb8;
	[tilespmem:$0x18200] =	vst v63  }
0x7d: {  	s1 =	rddreg [dreg:$0x14]  }
0x7e: {  	[tilespmem:s1], [sflag:$0x1] =	stream.indirect_vreg.gather [hbm4b:s6+s2], $0x80, v3, vm0, $0xb8;
	[tilespmem:$0x18200] =	vst v63  }
0x7f: {  	s30 =	rddreg [dreg:$0x15]  }
0x80: {  	[tilespmem:s30], [sflag:$0x1] =	stream.indirect_vreg.gather [hbm4b:s7+s2], $0x80, v3, vm0, $0xb8;
	[tilespmem:$0x18200] =	vst v63  }
0x81: {  	_ =	swait.ge [sflag:s28], $0x8000  }
0x82: {  	[sflag:s28] =	ssyncset.done $0x0  }
0x83: {  	[sflag:s28] =	ssyncadd.s32 $0xFFFF8000  }
0x84: {  	[hbm4b:s3+s2] =	stream.linear.scatter [tilespmem:s10], [sflag:$0x2], $0x8000, $0x38;
	[tilespmem:$0x18200] =	vst v63  }
0x85: {  	v3 =	vld [tilespmem:$0x100];
	_ =	sdelay $0x4  }
0x86: {  	v60 =	vshll.u32 v3, $0x3  }
0x87: {  	v3 =	vand.u32 $0x7, v3;
	v4 =	vand.u32 $0xFFFFFFC0, v60  }
0x88: {  	v3 =	vor.u32 v3, v4  }
0x89: {  	v4 =	vperm.xlane v3, v0;
	_ =	sdelay $0x1  }
0x8a: {  	v4 =	vadd.s32 v1, v4;
	_ =	sdelay $0x4  }
0x8b: {  	[tilespmem:s29], [sflag:$0x1] =	stream.indirect_vreg.gather [hbm4b:s4+s2], $0x80, v4, vm0, $0xb8;
	[tilespmem:$0x18200] =	vst v63  }
0x8c: {  	s1 =	rddreg [dreg:$0x16];
	v3 =	vperm.xlane v3, v2  }
0x8d: {  	[tilespmem:s1], [sflag:$0x1] =	stream.indirect_vreg.gather [hbm4b:s5+s2], $0x80, v4, vm0, $0xb8;
	[tilespmem:$0x18200] =	vst v63  }
0x8e: {  	s30 =	rddreg [dreg:$0x17];
	v3 =	vadd.s32 v1, v3  }
0x8f: {  	[tilespmem:s30], [sflag:$0x1] =	stream.indirect_vreg.gather [hbm4b:s6+s2], $0x80, v4, vm0, $0xb8;
	[tilespmem:$0x18200] =	vst v63  }
0x90: {  	s1 =	rddreg [dreg:$0x18]  }
0x91: {  	[tilespmem:s1], [sflag:$0x1] =	stream.indirect_vreg.gather [hbm4b:s7+s2], $0x80, v4, vm0, $0xb8;
	[tilespmem:$0x18200] =	vst v63  }
0x92: {  	s30 =	rddreg [dreg:$0x19]  }
0x93: {  	[tilespmem:s30], [sflag:$0x1] =	stream.indirect_vreg.gather [hbm4b:s4+s2], $0x80, v3, vm0, $0xb8;
	[tilespmem:$0x18200] =	vst v63  }
0x94: {  	s1 =	rddreg [dreg:$0x1a]  }
0x95: {  	[tilespmem:s1], [sflag:$0x1] =	stream.indirect_vreg.gather [hbm4b:s5+s2], $0x80, v3, vm0, $0xb8;
	[tilespmem:$0x18200] =	vst v63  }
0x96: {  	s30 =	rddreg [dreg:$0x1b]  }
0x97: {  	[tilespmem:s30], [sflag:$0x1] =	stream.indirect_vreg.gather [hbm4b:s6+s2], $0x80, v3, vm0, $0xb8;
	[tilespmem:$0x18200] =	vst v63  }
0x98: {  	s1 =	rddreg [dreg:$0x1c]  }
0x99: {  	[tilespmem:s1], [sflag:$0x1] =	stream.indirect_vreg.gather [hbm4b:s7+s2], $0x80, v3, vm0, $0xb8;
	[tilespmem:$0x18200] =	vst v63  }
0x9a: {  	v3 =	vld [tilespmem:$0x110];
	_ =	sdelay $0x4  }
0x9b: {  	v61 =	vshll.u32 v3, $0x3  }
0x9c: {  	v3 =	vand.u32 $0x7, v3;
	v4 =	vand.u32 $0xFFFFFFC0, v61  }
0x9d: {  	v3 =	vor.u32 v3, v4  }
0x9e: {  	v4 =	vperm.xlane v3, v0;
	_ =	sdelay $0x1  }
0x9f: {  	v4 =	vadd.s32 v1, v4;
	_ =	sdelay $0x2  }
0xa0: {  	s30 =	rddreg [dreg:$0x1e]  }
0xa1: {  	s1 =	rddreg [dreg:$0x1d]  }
0xa2: {  	[tilespmem:s1], [sflag:$0x1] =	stream.indirect_vreg.gather [hbm4b:s4+s2], $0x80, v4, vm0, $0xb8;
	[tilespmem:$0x18200] =	vst v63  }
0xa3: {  	v3 =	vperm.xlane v3, v2;
	s1 =	rddreg [dreg:$0x1f]  }
0xa4: {  	[tilespmem:s30], [sflag:$0x1] =	stream.indirect_vreg.gather [hbm4b:s5+s2], $0x80, v4, vm0, $0xb8;
	[tilespmem:$0x18200] =	vst v63  }
0xa5: {  	v3 =	vadd.s32 v1, v3;
	s30 =	sld [smem:$0x7FB]  }
0xa6: {  	[tilespmem:s1], [sflag:$0x1] =	stream.indirect_vreg.gather [hbm4b:s6+s2], $0x80, v4, vm0, $0xb8;
	[tilespmem:$0x18200] =	vst v63  }
0xa7: {  	s1 =	sld [smem:$0x7FC]  }
0xa8: {  	[tilespmem:s30], [sflag:$0x1] =	stream.indirect_vreg.gather [hbm4b:s7+s2], $0x80, v4, vm0, $0xb8;
	[tilespmem:$0x18200] =	vst v63  }
0xa9: {  	s30 =	sld [smem:$0x7FD]  }
0xaa: {  	[tilespmem:s1], [sflag:$0x1] =	stream.indirect_vreg.gather [hbm4b:s4+s2], $0x80, v3, vm0, $0xb8;
	[tilespmem:$0x18200] =	vst v63  }
0xab: {  	_ = 	snop  }
0xac: {  	[tilespmem:s30], [sflag:$0x1] =	stream.indirect_vreg.gather [hbm4b:s5+s2], $0x80, v3, vm0, $0xb8;
	[tilespmem:$0x18200] =	vst v63  }
0xad: {  	s30 =	simm.s32 $0x17200  }
0xae: {  	[tilespmem:s30], [sflag:$0x1] =	stream.indirect_vreg.gather [hbm4b:s6+s2], $0x80, v3, vm0, $0xb8;
	[tilespmem:$0x18200] =	vst v63  }
0xaf: {  	_ = 	snop  }
0xb0: {  	[tilespmem:s31], [sflag:$0x1] =	stream.indirect_vreg.gather [hbm4b:s7+s2], $0x80, v3, vm0, $0xb8;
	[tilespmem:$0x18200] =	vst v63  }
0xb1: {  	_ =	swait.ge [sflag:s28], $0x8000  }
0xb2: {  	[sflag:s28] =	ssyncset.done $0x0  }
0xb3: {  	s30 =	rddreg [dreg:$0x4];
	[sflag:s28] =	ssyncadd.s32 $0xFFFF8000  }
0xb4: {  	[hbm4b:s30+s2] =	stream.linear.scatter [tilespmem:s26], [sflag:$0x2], $0x8000, $0x38;
	[tilespmem:$0x18200] =	vst v63  }
0xb5: {  	_ =	swait.ge [sflag:s0], $0x8000  }
0xb6: {  	[sflag:s0] =	ssyncset.done $0x0  }
0xb7: {  	[sflag:s0] =	ssyncadd.s32 $0xFFFF8000  }
0xb8: {  	v3 =	vld [tilespmem:$0x180];
	_ =	sdelay $0x4  }
0xb9: {  	v62 =	vshll.u32 v3, $0x3  }
0xba: {  	v3 =	vand.u32 $0x7, v3;
	v4 =	vand.u32 $0xFFFFFFC0, v62  }
0xbb: {  	v3 =	vor.u32 v3, v4  }
0xbc: {  	v4 =	vperm.xlane v3, v0;
	_ =	sdelay $0x1  }
0xbd: {  	v4 =	vadd.s32 v1, v4;
	_ =	sdelay $0x4  }
0xbe: {  	[tilespmem:s10], [sflag:$0x1] =	stream.indirect_vreg.gather [hbm4b:s4+s2], $0x80, v4, vm0, $0xb8;
	[tilespmem:$0x18200] =	vst v63  }
0xbf: {  	v3 =	vperm.xlane v3, v2  }
0xc0: {  	[tilespmem:s11], [sflag:$0x1] =	stream.indirect_vreg.gather [hbm4b:s5+s2], $0x80, v4, vm0, $0xb8;
	[tilespmem:$0x18200] =	vst v63  }
0xc1: {  	v3 =	vadd.s32 v1, v3  }
0xc2: {  	[tilespmem:s12], [sflag:$0x1] =	stream.indirect_vreg.gather [hbm4b:s6+s2], $0x80, v4, vm0, $0xb8;
	[tilespmem:$0x18200] =	vst v63  }
0xc3: {  	_ = 	snop  }
0xc4: {  	[tilespmem:s13], [sflag:$0x1] =	stream.indirect_vreg.gather [hbm4b:s7+s2], $0x80, v4, vm0, $0xb8;
	[tilespmem:$0x18200] =	vst v63  }
0xc5: {  	_ = 	snop  }
0xc6: {  	[tilespmem:s14], [sflag:$0x1] =	stream.indirect_vreg.gather [hbm4b:s4+s2], $0x80, v3, vm0, $0xb8;
	[tilespmem:$0x18200] =	vst v63  }
0xc7: {  	_ = 	snop  }
0xc8: {  	[tilespmem:s15], [sflag:$0x1] =	stream.indirect_vreg.gather [hbm4b:s5+s2], $0x80, v3, vm0, $0xb8;
	[tilespmem:$0x18200] =	vst v63  }
0xc9: {  	_ = 	snop  }
0xca: {  	[tilespmem:s16], [sflag:$0x1] =	stream.indirect_vreg.gather [hbm4b:s6+s2], $0x80, v3, vm0, $0xb8;
	[tilespmem:$0x18200] =	vst v63  }
0xcb: {  	_ = 	snop  }
0xcc: {  	[tilespmem:s17], [sflag:$0x1] =	stream.indirect_vreg.gather [hbm4b:s7+s2], $0x80, v3, vm0, $0xb8;
	[tilespmem:$0x18200] =	vst v63  }
0xcd: {  	v3 =	vld [tilespmem:$0x190];
	_ =	sdelay $0x4  }
0xce: {  	v63 =	vshll.u32 v3, $0x3  }
0xcf: {  	v3 =	vand.u32 $0x7, v3;
	v4 =	vand.u32 $0xFFFFFFC0, v63  }
0xd0: {  	v3 =	vor.u32 v3, v4  }
0xd1: {  	v4 =	vperm.xlane v3, v0;
	_ =	sdelay $0x1  }
0xd2: {  	v4 =	vadd.s32 v1, v4;
	_ =	sdelay $0x4  }
0xd3: {  	[tilespmem:s18], [sflag:$0x1] =	stream.indirect_vreg.gather [hbm4b:s4+s2], $0x80, v4, vm0, $0xb8;
	[tilespmem:$0x18200] =	vst v63  }
0xd4: {  	v3 =	vperm.xlane v3, v2  }
0xd5: {  	[tilespmem:s19], [sflag:$0x1] =	stream.indirect_vreg.gather [hbm4b:s5+s2], $0x80, v4, vm0, $0xb8;
	[tilespmem:$0x18200] =	vst v63  }
0xd6: {  	v3 =	vadd.s32 v1, v3  }
0xd7: {  	[tilespmem:s20], [sflag:$0x1] =	stream.indirect_vreg.gather [hbm4b:s6+s2], $0x80, v4, vm0, $0xb8;
	[tilespmem:$0x18200] =	vst v63  }
0xd8: {  	_ = 	snop  }
0xd9: {  	[tilespmem:s21], [sflag:$0x1] =	stream.indirect_vreg.gather [hbm4b:s7+s2], $0x80, v4, vm0, $0xb8;
	[tilespmem:$0x18200] =	vst v63  }
0xda: {  	_ = 	snop  }
0xdb: {  	[tilespmem:s22], [sflag:$0x1] =	stream.indirect_vreg.gather [hbm4b:s4+s2], $0x80, v3, vm0, $0xb8;
	[tilespmem:$0x18200] =	vst v63  }
0xdc: {  	_ = 	snop  }
0xdd: {  	[tilespmem:s23], [sflag:$0x1] =	stream.indirect_vreg.gather [hbm4b:s5+s2], $0x80, v3, vm0, $0xb8;
	[tilespmem:$0x18200] =	vst v63  }
0xde: {  	_ = 	snop  }
0xdf: {  	[tilespmem:s24], [sflag:$0x1] =	stream.indirect_vreg.gather [hbm4b:s6+s2], $0x80, v3, vm0, $0xb8;
	[tilespmem:$0x18200] =	vst v63  }
0xe0: {  	_ = 	snop  }
0xe1: {  	[tilespmem:s25], [sflag:$0x1] =	stream.indirect_vreg.gather [hbm4b:s7+s2], $0x80, v3, vm0, $0xb8;
	[tilespmem:$0x18200] =	vst v63  }
0xe2: {  	_ =	swait.ge [sflag:s28], $0x8000  }
0xe3: {  	[sflag:s28] =	ssyncset.done $0x0  }
0xe4: {  	s30 =	rddreg [dreg:$0x5];
	[sflag:s28] =	ssyncadd.s32 $0xFFFF8000  }
0xe5: {  	[hbm4b:s30+s2] =	stream.linear.scatter [tilespmem:s29], [sflag:$0x2], $0x8000, $0x38;
	[tilespmem:$0x18200] =	vst v63  }
0xe6: {  	_ =	swait.ge [sflag:s28], $0x8000  }
0xe7: {  	[sflag:s28] =	ssyncset.done $0x0  }
0xe8: {  	s30 =	rddreg [dreg:$0x6];
	[sflag:s28] =	ssyncadd.s32 $0xFFFF8000  }
0xe9: {  	[hbm4b:s30+s2] =	stream.linear.scatter [tilespmem:s10], [sflag:$0x2], $0x8000, $0x38;
	[tilespmem:$0x18200] =	vst v63  }
0xea: {  	_ =	swait.ge [sflag:s0], $0x8000  }
0xeb: {  	[sflag:s0] =	ssyncset.done $0x0  }
0xec: {  	[sflag:s0] =	ssyncadd.s32 $0xFFFF8000  }
0xed: {  	p0 =	sne.s32 s8, $0x1;
	_ =	swait.ge [sflag:s0], $0x8000  }
.Ltmp0:
0xee: {  	[sflag:s0] =	ssyncset.done $0x0;
	(pc) =	sbr.rel @p0 .LBB2_1-.Ltmp0, $4  }
0xef: {  	[sflag:s0] =	ssyncadd.s32 $0xFFFF8000  }
0xf0: {  	_ =	swait.ge [sflag:s0], $0x8000  }
0xf1: {  	[sflag:s0] =	ssyncset.done $0x0  }
0xf2: {  	s8 =	sadd.s32 $0xFFFFFFFF, s8;
	[sflag:s0] =	ssyncadd.s32 $0xFFFF8000  }
0xf3: {  	_ =	sfence.sel $0x180000  }
0xf4: {  	[bflag:$0x0] =	sbarrier.arrive $0xFFFF  }
0xf5: {  	_ =	strace $0x9000004A  }
0xf6: {  	s0 =	stileid.u32;
	[bflag:$0x2] =	sbarrier.arrive $0xFFFF  }
0xf7: {  	p0 =	sne.s32 s0, $0x0;
	s0 =	rddreg [dreg:$0x2]  }
0xf8: {  	s0 =	sadd.s32 @!p0 $0x100000, s0  }
0xf9: {  	[sflag:s0] =	ssyncadd.tile.s32 @!p0 $0x1;
	_ =	shalt  }
.Lfunc_end2:
_tile_overlayer_lowered:
.L_overlay_start_2:
0xfa: {  	(tag) =	ssettag $0x2  }
0xfb: {  	s0 =	rddreg [dreg:$0x0];
	s2 =	stileid.u32  }
0xfc: {  	s1 =	rddreg [dreg:$0x1];
	p0 =	sne.s32 s2, $0x0  }
0xfd: {  	s3 =	rddreg [dreg:$0x2];
	[bflag:$0x3] =	sbarrier.arrive $0xFFFF;
	s2 =	simm.s32 @!p0 $0x1C03  }
0xfe: {  	[timem:s3], [sflag:s2] =	dma.local @!p0 [hbm:s0], s1  }
0xff: {  	s0 =	simm.s32 @!p0 $0x3  }
0x100: {  	_ =	swait.ge @!p0 [sflag:s0], s1  }
0x101: {  	s1 =	ssub.s32 @!p0 $0x0, s1;
	[sflag:s0] =	ssyncset.done @!p0 $0x0  }
0x102: {  	[sflag:s0] =	ssyncadd.s32 @!p0 s1  }
0x103: {  	[bflag:$0x3] =	sbarrier.arrive $0xFFFF  }
0x104: {  	_ =	shalt  }

</sc_bundles>
